<compile_context>
chip_gen: v7x
topology: tpu7x:2x2x1
jax: 0.10.2.dev20260603
libtpu: 0.0.44.dev20260713+nightly
codegen_flags: <defaults>
</compile_context>

<pallas_src>
import functools

import jax
import jax.numpy as jnp
from jax import lax
from jax.experimental import pallas as pl
from jax.experimental.pallas import tpu as pltpu
from jax.experimental.pallas import tpu_sc as plsc

NUM_EMB = 1_000_000
DIM = 32
BATCH = 16384
FIELDS = 100
TOTAL = BATCH * FIELDS

NUM_CORES = 2
NUM_SUBCORES = 16
NUM_WORKERS = NUM_CORES * NUM_SUBCORES
CHUNK = BATCH // NUM_WORKERS
NSLOT = 2
LANES = 16


def _build_gather():
    mesh = plsc.VectorSubcoreMesh(core_axis_name="c", subcore_axis_name="s")

    @functools.partial(
        pl.kernel,
        mesh=mesh,
        out_type=jax.ShapeDtypeStruct((FIELDS * DIM * BATCH,), jnp.float32),
        scratch_types=[
            [pltpu.VMEM((CHUNK,), jnp.int32) for _ in range(NSLOT)],
            [pltpu.VMEM((CHUNK, DIM), jnp.float32) for _ in range(NSLOT)],
            [pltpu.VMEM((DIM * CHUNK,), jnp.float32) for _ in range(NSLOT)],
            [pltpu.SemaphoreType.DMA for _ in range(NSLOT)],
            [pltpu.SemaphoreType.DMA for _ in range(NSLOT)],
            [pltpu.SemaphoreType.DMA for _ in range(NSLOT)],
        ],
        compiler_params=pltpu.CompilerParams(
            use_tc_tiling_on_sc=False, needs_layout_passes=False),
    )
    def emb_kernel(idx_hbm, table_hbm, out_hbm, idx_v, rows_v, trans_v,
                   idx_sem, gat_sem, out_sem):
        wid = lax.axis_index("s") * NUM_CORES + lax.axis_index("c")
        bbase = wid * CHUNK

        def issue_idx(f, b):
            pltpu.make_async_copy(
                idx_hbm.at[pl.ds(f * BATCH + bbase, CHUNK)], idx_v[b],
                idx_sem[b]).start()

        def wait_idx(b):
            pltpu.make_async_copy(
                idx_hbm.at[pl.ds(bbase, CHUNK)], idx_v[b], idx_sem[b]).wait()

        def issue_gather(b):
            pltpu.make_async_copy(
                table_hbm.at[idx_v[b]], rows_v[b], gat_sem[b]).start()

        def wait_gather(b):
            pltpu.make_async_copy(
                table_hbm.at[idx_v[b]], rows_v[b], gat_sem[b]).wait()

        def issue_out(f, b):
            for tr in range(DIM // 8):
                pltpu.make_async_copy(
                    trans_v[b].at[pl.ds(tr * 4096, 4096)],
                    out_hbm.at[pl.ds(
                        ((f * (DIM // 8) + tr) * (BATCH // 128)
                         + wid * (CHUNK // 128)) * 1024, 4096)],
                    out_sem[b]).start()

        def wait_out(b):
            pltpu.make_async_copy(
                out_hbm.at[pl.ds(0, DIM * CHUNK)], trans_v[b],
                out_sem[b]).wait()

        lane_iota = lax.iota(jnp.int32, LANES)

        def transpose(b):
            @plsc.parallel_loop(0, CHUNK, unroll=16)
            def j_body(j):
                boff = (j // 128) * 1024 + j % 128
                col_idx = jnp.full((LANES,), boff, jnp.int32)
                for dg in range(DIM // LANES):
                    d = dg * LANES + lane_iota
                    tile_base = (d // 8) * 4096 + (d % 8) * 128
                    vec = rows_v[b][j, pl.ds(dg * LANES, LANES)]
                    plsc.store_scatter(
                        trans_v[b], [tile_base + col_idx], vec)

        issue_idx(0, 0)
        issue_idx(1, 1)
        wait_idx(0)
        issue_gather(0)
        wait_gather(0)
        wait_idx(1)
        issue_gather(1)
        transpose(0)
        issue_out(0, 0)
        issue_idx(2, 0)
        wait_gather(1)
        wait_idx(0)
        issue_gather(0)
        transpose(1)
        issue_out(1, 1)
        issue_idx(3, 1)

        def body(gg, carry):
            for b in range(NSLOT):
                f = gg * NSLOT + b
                b2 = 1 - b
                wait_gather(b)
                wait_idx(b2)
                issue_gather(b2)
                wait_out(b)
                transpose(b)
                issue_out(f, b)
                issue_idx(f + NSLOT, b)
            return carry

        lax.fori_loop(1, FIELDS // NSLOT - 1, body, 0)

        wait_gather(0)
        wait_idx(1)
        issue_gather(1)
        wait_out(0)
        transpose(0)
        issue_out(FIELDS - 2, 0)
        wait_gather(1)
        wait_out(1)
        transpose(1)
        issue_out(FIELDS - 1, 1)
        for b in range(NSLOT):
            wait_out(b)

    return emb_kernel



_emb_kernel = _build_gather()


def kernel(X, W):
    idx = X.astype(jnp.int32).T.reshape(TOTAL)
    out = _emb_kernel(idx, W)
    o5 = out.reshape(FIELDS, DIM // 8, BATCH // 128, 8, 128)
    return o5.transpose(2, 4, 0, 1, 3).reshape(BATCH, FIELDS, DIM)

# --- scband reference (transcript-rebuilt; emitter-appended) ---
"""Pipeline reference for scband-embedding-58952721105466 (READ-ONLY COPY).

The authoritative reference and input builder live on the scoring server;
editing this copy changes nothing except your own understanding.
"""

import jax, jax.numpy as jnp
import numpy as np

NUM_EMBEDDINGS = 1000000
EMBEDDING_DIM = 32
BATCH = 16384
FIELDS = 100


def setup_inputs(seed: int = 0) -> dict:
    key = jax.random.key(seed)
    k_idx, k_w = jax.random.split(key)
    X = jax.random.randint(k_idx, (BATCH, FIELDS), 0, NUM_EMBEDDINGS, dtype=jnp.int64)
    # truncated normal init, std=1, truncated at [-3, 3]
    W = jax.random.truncated_normal(k_w, -3.0, 3.0, (NUM_EMBEDDINGS, EMBEDDING_DIM), dtype=jnp.float32)
    return {"X": X, "W": W}


def reference(X, W):
    # Faithful translation of: return self.W[X]
    return jnp.take(W, X, axis=0)

if __name__ == "__main__":
    import jax
    _d = setup_inputs()
    print(jax.jit(kernel)(*tuple(_d.values())))

</pallas_src>

<mosaic_0001>
#map = affine_map<(d0, d1) -> (0)>
#map1 = affine_map<(d0, d1) -> (0, 0)>
module attributes {stable_mosaic.version = 14 : i64} {
  func.func @emb_kernel(%arg0: i32, %arg1: i32, %arg2: memref<1638400xi32, #tpu.memory_space<hbm>>, %arg3: memref<1000000x32xf32, #tpu.memory_space<hbm>>, %arg4: memref<52428800xf32, #tpu.memory_space<hbm>>, %arg5: memref<512xi32, #tpu.memory_space<vmem>>, %arg6: memref<512xi32, #tpu.memory_space<vmem>>, %arg7: memref<512x32xf32, #tpu.memory_space<vmem>>, %arg8: memref<512x32xf32, #tpu.memory_space<vmem>>, %arg9: memref<16384xf32, #tpu.memory_space<vmem>>, %arg10: memref<16384xf32, #tpu.memory_space<vmem>>, %arg11: memref<!tpu.dma_semaphore, #tpu.memory_space<semaphore_mem>>, %arg12: memref<!tpu.dma_semaphore, #tpu.memory_space<semaphore_mem>>, %arg13: memref<!tpu.dma_semaphore, #tpu.memory_space<semaphore_mem>>, %arg14: memref<!tpu.dma_semaphore, #tpu.memory_space<semaphore_mem>>, %arg15: memref<!tpu.dma_semaphore, #tpu.memory_space<semaphore_mem>>, %arg16: memref<!tpu.dma_semaphore, #tpu.memory_space<semaphore_mem>>) attributes {dimension_semantics = [#tpu.dimension_semantics<core_parallel>, #tpu.dimension_semantics<subcore_parallel>], iteration_bounds = array<i64: 2, 16>, scalar_prefetch = 0 : i64, scratch_operands = 12 : i64, tpu.core_type = #tpu.core_type<sc_vector_subcore>, window_params = [{transform_indices = #map}, {transform_indices = #map1}, {transform_indices = #map}]} {
    %mul3A = arith.constant 2 : i32
    %mul3A_0 = arith.muli %arg1, %mul3A : i32
    %add3A = arith.addi %mul3A_0, %arg0 : i32
    %mul3A_1 = arith.constant 512 : i32
    %mul3A_2 = arith.muli %add3A, %mul3A_1 : i32
    %iota3A = tpu.iota {dimensions = array<i32: 0>} : vector<16xi32>
    %add3A_3 = arith.constant 0 : i32
    %add3A_4 = arith.addi %add3A_3, %mul3A_2 : i32
    %dma_start3A = tpu.memref_slice %arg2[%add3A_4] : memref<1638400xi32, #tpu.memory_space<hbm>> -> memref<512xi32, #tpu.memory_space<hbm>>
    %dma_start3A_5 = tpu.memref_slice %arg2[%add3A_4] : memref<1638400xi32, #tpu.memory_space<hbm>> -> memref<512xi32, #tpu.memory_space<hbm>>
    tpu.enqueue_dma source(%dma_start3A_5 : memref<512xi32, #tpu.memory_space<hbm>>) target(%arg5 : memref<512xi32, #tpu.memory_space<vmem>>) target_semaphore(%arg11 : memref<!tpu.dma_semaphore, #tpu.memory_space<semaphore_mem>>)
    %add3A_6 = arith.constant 16384 : i32
    %add3A_7 = arith.addi %add3A_6, %mul3A_2 : i32
    %dma_start3A_8 = tpu.memref_slice %arg2[%add3A_7] : memref<1638400xi32, #tpu.memory_space<hbm>> -> memref<512xi32, #tpu.memory_space<hbm>>
    %dma_start3A_9 = tpu.memref_slice %arg2[%add3A_7] : memref<1638400xi32, #tpu.memory_space<hbm>> -> memref<512xi32, #tpu.memory_space<hbm>>
    tpu.enqueue_dma source(%dma_start3A_9 : memref<512xi32, #tpu.memory_space<hbm>>) target(%arg6 : memref<512xi32, #tpu.memory_space<vmem>>) target_semaphore(%arg12 : memref<!tpu.dma_semaphore, #tpu.memory_space<semaphore_mem>>)
    %dma_wait3A = tpu.memref_slice %arg2[%mul3A_2] : memref<1638400xi32, #tpu.memory_space<hbm>> -> memref<512xi32, #tpu.memory_space<hbm>>
    %dma_wait3A_10 = tpu.memref_slice %arg2[%mul3A_2] : memref<1638400xi32, #tpu.memory_space<hbm>> -> memref<512xi32, #tpu.memory_space<hbm>>
    tpu.wait_dma2 semaphore(%arg11 : memref<!tpu.dma_semaphore, #tpu.memory_space<semaphore_mem>>) src(%dma_wait3A_10 : memref<512xi32, #tpu.memory_space<hbm>>) dst(%arg5 : memref<512xi32, #tpu.memory_space<vmem>>)
    %dma_start3A_11 = arith.constant 0 : i32
    %dma_start3A_12 = arith.constant 0 : i32
    %dma_start3A_13 = tpu.memref_slice %arg3[%dma_start3A_11, %dma_start3A_12] : memref<1000000x32xf32, #tpu.memory_space<hbm>> -> memref<1000000x32xf32, #tpu.memory_space<hbm>>
    tpu.enqueue_indirect_dma source(%dma_start3A_13 : memref<1000000x32xf32, #tpu.memory_space<hbm>>) target(%arg7 : memref<512x32xf32, #tpu.memory_space<vmem>>) offsets(%arg5 : memref<512xi32, #tpu.memory_space<vmem>>) semaphore(%arg13 : memref<!tpu.dma_semaphore, #tpu.memory_space<semaphore_mem>>)
    %dma_wait3A_14 = arith.constant 0 : i32
    %dma_wait3A_15 = arith.constant 0 : i32
    %dma_wait3A_16 = tpu.memref_slice %arg3[%dma_wait3A_14, %dma_wait3A_15] : memref<1000000x32xf32, #tpu.memory_space<hbm>> -> memref<1000000x32xf32, #tpu.memory_space<hbm>>
    tpu.wait_indirect_dma semaphore(%arg13 : memref<!tpu.dma_semaphore, #tpu.memory_space<semaphore_mem>>) src(%dma_wait3A_16 : memref<1000000x32xf32, #tpu.memory_space<hbm>>) dst(%arg7 : memref<512x32xf32, #tpu.memory_space<vmem>>)
    %dma_wait3A_17 = tpu.memref_slice %arg2[%mul3A_2] : memref<1638400xi32, #tpu.memory_space<hbm>> -> memref<512xi32, #tpu.memory_space<hbm>>
    %dma_wait3A_18 = tpu.memref_slice %arg2[%mul3A_2] : memref<1638400xi32, #tpu.memory_space<hbm>> -> memref<512xi32, #tpu.memory_space<hbm>>
    tpu.wait_dma2 semaphore(%arg12 : memref<!tpu.dma_semaphore, #tpu.memory_space<semaphore_mem>>) src(%dma_wait3A_18 : memref<512xi32, #tpu.memory_space<hbm>>) dst(%arg6 : memref<512xi32, #tpu.memory_space<vmem>>)
    %dma_start3A_19 = arith.constant 0 : i32
    %dma_start3A_20 = arith.constant 0 : i32
    %dma_start3A_21 = tpu.memref_slice %arg3[%dma_start3A_19, %dma_start3A_20] : memref<1000000x32xf32, #tpu.memory_space<hbm>> -> memref<1000000x32xf32, #tpu.memory_space<hbm>>
    tpu.enqueue_indirect_dma source(%dma_start3A_21 : memref<1000000x32xf32, #tpu.memory_space<hbm>>) target(%arg8 : memref<512x32xf32, #tpu.memory_space<vmem>>) offsets(%arg6 : memref<512xi32, #tpu.memory_space<vmem>>) semaphore(%arg14 : memref<!tpu.dma_semaphore, #tpu.memory_space<semaphore_mem>>)
    %parallel_loop3A = arith.constant 0 : i32
    %parallel_loop3A_22 = arith.constant 512 : i32
    %parallel_loop3A_23 = arith.constant 1 : i32
    scf.for %parallel_loop3A_273 = %parallel_loop3A to %parallel_loop3A_22 step %parallel_loop3A_23  : i32 {
      %parallel_loop3A_274 = arith.constant 128 : i32
      %parallel_loop3A_275 = arith.divsi %parallel_loop3A_273, %parallel_loop3A_274 : i32
      %parallel_loop3A_276 = arith.constant 0 : i32
      %parallel_loop3A_277 = arith.cmpi sgt, %parallel_loop3A_273, %parallel_loop3A_276 : i32
      %parallel_loop3A_278 = arith.extui %parallel_loop3A_277 : i1 to i32
      %parallel_loop3A_279 = arith.constant 0 : i32
      %parallel_loop3A_280 = arith.cmpi slt, %parallel_loop3A_273, %parallel_loop3A_279 : i32
      %parallel_loop3A_281 = arith.extui %parallel_loop3A_280 : i1 to i32
      %parallel_loop3A_282 = arith.subi %parallel_loop3A_278, %parallel_loop3A_281 : i32
      %parallel_loop3A_283 = arith.constant 0 : i32
      %parallel_loop3A_284 = arith.cmpi sgt, %parallel_loop3A_274, %parallel_loop3A_283 : i32
      %parallel_loop3A_285 = arith.extui %parallel_loop3A_284 : i1 to i32
      %parallel_loop3A_286 = arith.constant 0 : i32
      %parallel_loop3A_287 = arith.cmpi slt, %parallel_loop3A_274, %parallel_loop3A_286 : i32
      %parallel_loop3A_288 = arith.extui %parallel_loop3A_287 : i1 to i32
      %parallel_loop3A_289 = arith.subi %parallel_loop3A_285, %parallel_loop3A_288 : i32
      %parallel_loop3A_290 = arith.cmpi ne, %parallel_loop3A_282, %parallel_loop3A_289 : i32
      %parallel_loop3A_291 = arith.remsi %parallel_loop3A_273, %parallel_loop3A_274 : i32
      %parallel_loop3A_292 = arith.constant 0 : i32
      %parallel_loop3A_293 = arith.cmpi ne, %parallel_loop3A_291, %parallel_loop3A_292 : i32
      %parallel_loop3A_294 = arith.andi %parallel_loop3A_290, %parallel_loop3A_293 : i1
      %parallel_loop3A_295 = arith.constant 1 : i32
      %parallel_loop3A_296 = arith.subi %parallel_loop3A_275, %parallel_loop3A_295 : i32
      %parallel_loop3A_297 = arith.select %parallel_loop3A_294, %parallel_loop3A_296, %parallel_loop3A_275 : i32
      %parallel_loop3A_298 = arith.constant 1024 : i32
      %parallel_loop3A_299 = arith.muli %parallel_loop3A_297, %parallel_loop3A_298 : i32
      %parallel_loop3A_300 = arith.constant 128 : i32
      %parallel_loop3A_301 = arith.constant 0 : i32
      %parallel_loop3A_302 = arith.cmpi eq, %parallel_loop3A_300, %parallel_loop3A_301 : i32
      %parallel_loop3A_303 = arith.constant 1 : i32
      %parallel_loop3A_304 = arith.select %parallel_loop3A_302, %parallel_loop3A_303, %parallel_loop3A_300 : i32
      %parallel_loop3A_305 = arith.remsi %parallel_loop3A_273, %parallel_loop3A_304 : i32
      %parallel_loop3A_306 = arith.constant 0 : i32
      %parallel_loop3A_307 = arith.cmpi ne, %parallel_loop3A_305, %parallel_loop3A_306 : i32
      %parallel_loop3A_308 = arith.constant 0 : i32
      %parallel_loop3A_309 = arith.cmpi slt, %parallel_loop3A_305, %parallel_loop3A_308 : i32
      %parallel_loop3A_310 = arith.constant 0 : i32
      %parallel_loop3A_311 = arith.cmpi slt, %parallel_loop3A_304, %parallel_loop3A_310 : i32
      %parallel_loop3A_312 = arith.xori %parallel_loop3A_309, %parallel_loop3A_311 : i1
      %parallel_loop3A_313 = arith.andi %parallel_loop3A_312, %parallel_loop3A_307 : i1
      %parallel_loop3A_314 = arith.addi %parallel_loop3A_305, %parallel_loop3A_304 : i32
      %parallel_loop3A_315 = arith.select %parallel_loop3A_313, %parallel_loop3A_314, %parallel_loop3A_305 : i32
      %parallel_loop3A_316 = arith.addi %parallel_loop3A_299, %parallel_loop3A_315 : i32
      %parallel_loop3A_317 = vector.broadcast %parallel_loop3A_316 : i32 to vector<16xi32>
      %parallel_loop3A_318 = arith.constant 0 : i32
      %parallel_loop3A_319 = vector.broadcast %parallel_loop3A_318 : i32 to vector<16xi32>
      %parallel_loop3A_320 = arith.addi %parallel_loop3A_319, %iota3A : vector<16xi32>
      %parallel_loop3A_321 = arith.constant 8 : i32
      %parallel_loop3A_322 = vector.broadcast %parallel_loop3A_321 : i32 to vector<16xi32>
      %parallel_loop3A_323 = arith.divsi %parallel_loop3A_320, %parallel_loop3A_322 : vector<16xi32>
      %parallel_loop3A_324 = arith.constant 0 : i32
      %parallel_loop3A_325 = vector.broadcast %parallel_loop3A_324 : i32 to vector<16xi32>
      %parallel_loop3A_326 = arith.cmpi sgt, %parallel_loop3A_320, %parallel_loop3A_325 : vector<16xi32>
      %parallel_loop3A_327 = arith.extui %parallel_loop3A_326 : vector<16xi1> to vector<16xi32>
      %parallel_loop3A_328 = arith.constant 0 : i32
      %parallel_loop3A_329 = vector.broadcast %parallel_loop3A_328 : i32 to vector<16xi32>
      %parallel_loop3A_330 = arith.cmpi slt, %parallel_loop3A_320, %parallel_loop3A_329 : vector<16xi32>
      %parallel_loop3A_331 = arith.extui %parallel_loop3A_330 : vector<16xi1> to vector<16xi32>
      %parallel_loop3A_332 = arith.subi %parallel_loop3A_327, %parallel_loop3A_331 : vector<16xi32>
      %parallel_loop3A_333 = arith.constant 0 : i32
      %parallel_loop3A_334 = arith.cmpi sgt, %parallel_loop3A_321, %parallel_loop3A_333 : i32
      %parallel_loop3A_335 = arith.extui %parallel_loop3A_334 : i1 to i32
      %parallel_loop3A_336 = arith.constant 0 : i32
      %parallel_loop3A_337 = arith.cmpi slt, %parallel_loop3A_321, %parallel_loop3A_336 : i32
      %parallel_loop3A_338 = arith.extui %parallel_loop3A_337 : i1 to i32
      %parallel_loop3A_339 = arith.subi %parallel_loop3A_335, %parallel_loop3A_338 : i32
      %parallel_loop3A_340 = vector.broadcast %parallel_loop3A_339 : i32 to vector<16xi32>
      %parallel_loop3A_341 = arith.cmpi ne, %parallel_loop3A_332, %parallel_loop3A_340 : vector<16xi32>
      %parallel_loop3A_342 = vector.broadcast %parallel_loop3A_321 : i32 to vector<16xi32>
      %parallel_loop3A_343 = arith.remsi %parallel_loop3A_320, %parallel_loop3A_342 : vector<16xi32>
      %parallel_loop3A_344 = arith.constant 0 : i32
      %parallel_loop3A_345 = vector.broadcast %parallel_loop3A_344 : i32 to vector<16xi32>
      %parallel_loop3A_346 = arith.cmpi ne, %parallel_loop3A_343, %parallel_loop3A_345 : vector<16xi32>
      %parallel_loop3A_347 = arith.andi %parallel_loop3A_341, %parallel_loop3A_346 : vector<16xi1>
      %parallel_loop3A_348 = arith.constant 1 : i32
      %parallel_loop3A_349 = vector.broadcast %parallel_loop3A_348 : i32 to vector<16xi32>
      %parallel_loop3A_350 = arith.subi %parallel_loop3A_323, %parallel_loop3A_349 : vector<16xi32>
      %parallel_loop3A_351 = arith.select %parallel_loop3A_347, %parallel_loop3A_350, %parallel_loop3A_323 : vector<16xi1>, vector<16xi32>
      %parallel_loop3A_352 = arith.constant 4096 : i32
      %parallel_loop3A_353 = vector.broadcast %parallel_loop3A_352 : i32 to vector<16xi32>
      %parallel_loop3A_354 = arith.muli %parallel_loop3A_351, %parallel_loop3A_353 : vector<16xi32>
      %parallel_loop3A_355 = arith.constant 8 : i32
      %parallel_loop3A_356 = arith.constant 0 : i32
      %parallel_loop3A_357 = arith.cmpi eq, %parallel_loop3A_355, %parallel_loop3A_356 : i32
      %parallel_loop3A_358 = arith.constant 1 : i32
      %parallel_loop3A_359 = arith.select %parallel_loop3A_357, %parallel_loop3A_358, %parallel_loop3A_355 : i32
      %parallel_loop3A_360 = vector.broadcast %parallel_loop3A_359 : i32 to vector<16xi32>
      %parallel_loop3A_361 = arith.remsi %parallel_loop3A_320, %parallel_loop3A_360 : vector<16xi32>
      %parallel_loop3A_362 = arith.constant 0 : i32
      %parallel_loop3A_363 = vector.broadcast %parallel_loop3A_362 : i32 to vector<16xi32>
      %parallel_loop3A_364 = arith.cmpi ne, %parallel_loop3A_361, %parallel_loop3A_363 : vector<16xi32>
      %parallel_loop3A_365 = arith.constant 0 : i32
      %parallel_loop3A_366 = vector.broadcast %parallel_loop3A_365 : i32 to vector<16xi32>
      %parallel_loop3A_367 = arith.cmpi slt, %parallel_loop3A_361, %parallel_loop3A_366 : vector<16xi32>
      %parallel_loop3A_368 = arith.constant 0 : i32
      %parallel_loop3A_369 = arith.cmpi slt, %parallel_loop3A_359, %parallel_loop3A_368 : i32
      %parallel_loop3A_370 = vector.broadcast %parallel_loop3A_369 : i1 to vector<16xi1>
      %parallel_loop3A_371 = vector.broadcast %parallel_loop3A_370 : vector<16xi1> to vector<16xi1>
      %parallel_loop3A_372 = arith.xori %parallel_loop3A_367, %parallel_loop3A_371 : vector<16xi1>
      %parallel_loop3A_373 = arith.andi %parallel_loop3A_372, %parallel_loop3A_364 : vector<16xi1>
      %parallel_loop3A_374 = vector.broadcast %parallel_loop3A_359 : i32 to vector<16xi32>
      %parallel_loop3A_375 = arith.addi %parallel_loop3A_361, %parallel_loop3A_374 : vector<16xi32>
      %parallel_loop3A_376 = arith.select %parallel_loop3A_373, %parallel_loop3A_375, %parallel_loop3A_361 : vector<16xi1>, vector<16xi32>
      %parallel_loop3A_377 = arith.constant 128 : i32
      %parallel_loop3A_378 = vector.broadcast %parallel_loop3A_377 : i32 to vector<16xi32>
      %parallel_loop3A_379 = arith.muli %parallel_loop3A_376, %parallel_loop3A_378 : vector<16xi32>
      %parallel_loop3A_380 = arith.addi %parallel_loop3A_354, %parallel_loop3A_379 : vector<16xi32>
      %parallel_loop3A_381 = arith.index_cast %parallel_loop3A_273 : i32 to index
      %parallel_loop3A_382 = arith.constant 0 : index
      %parallel_loop3A_383 = tpu.vector_load %arg7[%parallel_loop3A_381, %parallel_loop3A_382] {strides = array<i32>} : memref<512x32xf32, #tpu.memory_space<vmem>>, vector<16xf32>,
      %parallel_loop3A_384 = arith.addi %parallel_loop3A_380, %parallel_loop3A_317 : vector<16xi32>
      tpu.vector_store_idx %arg9[%parallel_loop3A_384], %parallel_loop3A_383 : memref<16384xf32, #tpu.memory_space<vmem>>[vector<16xi32>], vector<16xf32>,
      %parallel_loop3A_385 = arith.constant 16 : i32
      %parallel_loop3A_386 = vector.broadcast %parallel_loop3A_385 : i32 to vector<16xi32>
      %parallel_loop3A_387 = arith.addi %parallel_loop3A_386, %iota3A : vector<16xi32>
      %parallel_loop3A_388 = arith.constant 8 : i32
      %parallel_loop3A_389 = vector.broadcast %parallel_loop3A_388 : i32 to vector<16xi32>
      %parallel_loop3A_390 = arith.divsi %parallel_loop3A_387, %parallel_loop3A_389 : vector<16xi32>
      %parallel_loop3A_391 = arith.constant 0 : i32
      %parallel_loop3A_392 = vector.broadcast %parallel_loop3A_391 : i32 to vector<16xi32>
      %parallel_loop3A_393 = arith.cmpi sgt, %parallel_loop3A_387, %parallel_loop3A_392 : vector<16xi32>
      %parallel_loop3A_394 = arith.extui %parallel_loop3A_393 : vector<16xi1> to vector<16xi32>
      %parallel_loop3A_395 = arith.constant 0 : i32
      %parallel_loop3A_396 = vector.broadcast %parallel_loop3A_395 : i32 to vector<16xi32>
      %parallel_loop3A_397 = arith.cmpi slt, %parallel_loop3A_387, %parallel_loop3A_396 : vector<16xi32>
      %parallel_loop3A_398 = arith.extui %parallel_loop3A_397 : vector<16xi1> to vector<16xi32>
      %parallel_loop3A_399 = arith.subi %parallel_loop3A_394, %parallel_loop3A_398 : vector<16xi32>
      %parallel_loop3A_400 = arith.constant 0 : i32
      %parallel_loop3A_401 = arith.cmpi sgt, %parallel_loop3A_388, %parallel_loop3A_400 : i32
      %parallel_loop3A_402 = arith.extui %parallel_loop3A_401 : i1 to i32
      %parallel_loop3A_403 = arith.constant 0 : i32
      %parallel_loop3A_404 = arith.cmpi slt, %parallel_loop3A_388, %parallel_loop3A_403 : i32
      %parallel_loop3A_405 = arith.extui %parallel_loop3A_404 : i1 to i32
      %parallel_loop3A_406 = arith.subi %parallel_loop3A_402, %parallel_loop3A_405 : i32
      %parallel_loop3A_407 = vector.broadcast %parallel_loop3A_406 : i32 to vector<16xi32>
      %parallel_loop3A_408 = arith.cmpi ne, %parallel_loop3A_399, %parallel_loop3A_407 : vector<16xi32>
      %parallel_loop3A_409 = vector.broadcast %parallel_loop3A_388 : i32 to vector<16xi32>
      %parallel_loop3A_410 = arith.remsi %parallel_loop3A_387, %parallel_loop3A_409 : vector<16xi32>
      %parallel_loop3A_411 = arith.constant 0 : i32
      %parallel_loop3A_412 = vector.broadcast %parallel_loop3A_411 : i32 to vector<16xi32>
      %parallel_loop3A_413 = arith.cmpi ne, %parallel_loop3A_410, %parallel_loop3A_412 : vector<16xi32>
      %parallel_loop3A_414 = arith.andi %parallel_loop3A_408, %parallel_loop3A_413 : vector<16xi1>
      %parallel_loop3A_415 = arith.constant 1 : i32
      %parallel_loop3A_416 = vector.broadcast %parallel_loop3A_415 : i32 to vector<16xi32>
      %parallel_loop3A_417 = arith.subi %parallel_loop3A_390, %parallel_loop3A_416 : vector<16xi32>
      %parallel_loop3A_418 = arith.select %parallel_loop3A_414, %parallel_loop3A_417, %parallel_loop3A_390 : vector<16xi1>, vector<16xi32>
      %parallel_loop3A_419 = arith.constant 4096 : i32
      %parallel_loop3A_420 = vector.broadcast %parallel_loop3A_419 : i32 to vector<16xi32>
      %parallel_loop3A_421 = arith.muli %parallel_loop3A_418, %parallel_loop3A_420 : vector<16xi32>
      %parallel_loop3A_422 = arith.constant 8 : i32
      %parallel_loop3A_423 = arith.constant 0 : i32
      %parallel_loop3A_424 = arith.cmpi eq, %parallel_loop3A_422, %parallel_loop3A_423 : i32
      %parallel_loop3A_425 = arith.constant 1 : i32
      %parallel_loop3A_426 = arith.select %parallel_loop3A_424, %parallel_loop3A_425, %parallel_loop3A_422 : i32
      %parallel_loop3A_427 = vector.broadcast %parallel_loop3A_426 : i32 to vector<16xi32>
      %parallel_loop3A_428 = arith.remsi %parallel_loop3A_387, %parallel_loop3A_427 : vector<16xi32>
      %parallel_loop3A_429 = arith.constant 0 : i32
      %parallel_loop3A_430 = vector.broadcast %parallel_loop3A_429 : i32 to vector<16xi32>
      %parallel_loop3A_431 = arith.cmpi ne, %parallel_loop3A_428, %parallel_loop3A_430 : vector<16xi32>
      %parallel_loop3A_432 = arith.constant 0 : i32
      %parallel_loop3A_433 = vector.broadcast %parallel_loop3A_432 : i32 to vector<16xi32>
      %parallel_loop3A_434 = arith.cmpi slt, %parallel_loop3A_428, %parallel_loop3A_433 : vector<16xi32>
      %parallel_loop3A_435 = arith.constant 0 : i32
      %parallel_loop3A_436 = arith.cmpi slt, %parallel_loop3A_426, %parallel_loop3A_435 : i32
      %parallel_loop3A_437 = vector.broadcast %parallel_loop3A_436 : i1 to vector<16xi1>
      %parallel_loop3A_438 = vector.broadcast %parallel_loop3A_437 : vector<16xi1> to vector<16xi1>
      %parallel_loop3A_439 = arith.xori %parallel_loop3A_434, %parallel_loop3A_438 : vector<16xi1>
      %parallel_loop3A_440 = arith.andi %parallel_loop3A_439, %parallel_loop3A_431 : vector<16xi1>
      %parallel_loop3A_441 = vector.broadcast %parallel_loop3A_426 : i32 to vector<16xi32>
      %parallel_loop3A_442 = arith.addi %parallel_loop3A_428, %parallel_loop3A_441 : vector<16xi32>
      %parallel_loop3A_443 = arith.select %parallel_loop3A_440, %parallel_loop3A_442, %parallel_loop3A_428 : vector<16xi1>, vector<16xi32>
      %parallel_loop3A_444 = arith.constant 128 : i32
      %parallel_loop3A_445 = vector.broadcast %parallel_loop3A_444 : i32 to vector<16xi32>
      %parallel_loop3A_446 = arith.muli %parallel_loop3A_443, %parallel_loop3A_445 : vector<16xi32>
      %parallel_loop3A_447 = arith.addi %parallel_loop3A_421, %parallel_loop3A_446 : vector<16xi32>
      %parallel_loop3A_448 = arith.index_cast %parallel_loop3A_273 : i32 to index
      %parallel_loop3A_449 = arith.constant 16 : index
      %parallel_loop3A_450 = tpu.vector_load %arg7[%parallel_loop3A_448, %parallel_loop3A_449] {strides = array<i32>} : memref<512x32xf32, #tpu.memory_space<vmem>>, vector<16xf32>,
      %parallel_loop3A_451 = arith.addi %parallel_loop3A_447, %parallel_loop3A_317 : vector<16xi32>
      tpu.vector_store_idx %arg9[%parallel_loop3A_451], %parallel_loop3A_450 : memref<16384xf32, #tpu.memory_space<vmem>>[vector<16xi32>], vector<16xf32>,
    } {sc.loop_unroll_factor = 16 : i64, sc.parallel_access}
    %mul3A_24 = arith.constant 4 : i32
    %mul3A_25 = arith.muli %add3A, %mul3A_24 : i32
    %add3A_26 = arith.constant 0 : i32
    %add3A_27 = arith.addi %add3A_26, %mul3A_25 : i32
    %mul3A_28 = arith.constant 1024 : i32
    %mul3A_29 = arith.muli %add3A_27, %mul3A_28 : i32
    %dma_start3A_30 = arith.constant 0 : i32
    %dma_start3A_31 = tpu.memref_slice %arg9[%dma_start3A_30] : memref<16384xf32, #tpu.memory_space<vmem>> -> memref<4096xf32, #tpu.memory_space<vmem>>
    %dma_start3A_32 = tpu.memref_slice %arg4[%mul3A_29] : memref<52428800xf32, #tpu.memory_space<hbm>> -> memref<4096xf32, #tpu.memory_space<hbm>>
    %dma_start3A_33 = tpu.memref_slice %arg4[%mul3A_29] : memref<52428800xf32, #tpu.memory_space<hbm>> -> memref<4096xf32, #tpu.memory_space<hbm>>
    %dma_start3A_34 = arith.constant 0 : i32
    %dma_start3A_35 = tpu.memref_slice %arg9[%dma_start3A_34] : memref<16384xf32, #tpu.memory_space<vmem>> -> memref<4096xf32, #tpu.memory_space<vmem>>
    tpu.enqueue_dma source(%dma_start3A_35 : memref<4096xf32, #tpu.memory_space<vmem>>) target(%dma_start3A_33 : memref<4096xf32, #tpu.memory_space<hbm>>) target_semaphore(%arg15 : memref<!tpu.dma_semaphore, #tpu.memory_space<semaphore_mem>>)
    %mul3A_36 = arith.constant 4 : i32
    %mul3A_37 = arith.muli %add3A, %mul3A_36 : i32
    %add3A_38 = arith.constant 128 : i32
    %add3A_39 = arith.addi %add3A_38, %mul3A_37 : i32
    %mul3A_40 = arith.constant 1024 : i32
    %mul3A_41 = arith.muli %add3A_39, %mul3A_40 : i32
    %dma_start3A_42 = arith.constant 4096 : i32
    %dma_start3A_43 = tpu.memref_slice %arg9[%dma_start3A_42] : memref<16384xf32, #tpu.memory_space<vmem>> -> memref<4096xf32, #tpu.memory_space<vmem>>
    %dma_start3A_44 = tpu.memref_slice %arg4[%mul3A_41] : memref<52428800xf32, #tpu.memory_space<hbm>> -> memref<4096xf32, #tpu.memory_space<hbm>>
    %dma_start3A_45 = tpu.memref_slice %arg4[%mul3A_41] : memref<52428800xf32, #tpu.memory_space<hbm>> -> memref<4096xf32, #tpu.memory_space<hbm>>
    %dma_start3A_46 = arith.constant 4096 : i32
    %dma_start3A_47 = tpu.memref_slice %arg9[%dma_start3A_46] : memref<16384xf32, #tpu.memory_space<vmem>> -> memref<4096xf32, #tpu.memory_space<vmem>>
    tpu.enqueue_dma source(%dma_start3A_47 : memref<4096xf32, #tpu.memory_space<vmem>>) target(%dma_start3A_45 : memref<4096xf32, #tpu.memory_space<hbm>>) target_semaphore(%arg15 : memref<!tpu.dma_semaphore, #tpu.memory_space<semaphore_mem>>)
    %mul3A_48 = arith.constant 4 : i32
    %mul3A_49 = arith.muli %add3A, %mul3A_48 : i32
    %add3A_50 = arith.constant 256 : i32
    %add3A_51 = arith.addi %add3A_50, %mul3A_49 : i32
    %mul3A_52 = arith.constant 1024 : i32
    %mul3A_53 = arith.muli %add3A_51, %mul3A_52 : i32
    %dma_start3A_54 = arith.constant 8192 : i32
    %dma_start3A_55 = tpu.memref_slice %arg9[%dma_start3A_54] : memref<16384xf32, #tpu.memory_space<vmem>> -> memref<4096xf32, #tpu.memory_space<vmem>>
    %dma_start3A_56 = tpu.memref_slice %arg4[%mul3A_53] : memref<52428800xf32, #tpu.memory_space<hbm>> -> memref<4096xf32, #tpu.memory_space<hbm>>
    %dma_start3A_57 = tpu.memref_slice %arg4[%mul3A_53] : memref<52428800xf32, #tpu.memory_space<hbm>> -> memref<4096xf32, #tpu.memory_space<hbm>>
    %dma_start3A_58 = arith.constant 8192 : i32
    %dma_start3A_59 = tpu.memref_slice %arg9[%dma_start3A_58] : memref<16384xf32, #tpu.memory_space<vmem>> -> memref<4096xf32, #tpu.memory_space<vmem>>
    tpu.enqueue_dma source(%dma_start3A_59 : memref<4096xf32, #tpu.memory_space<vmem>>) target(%dma_start3A_57 : memref<4096xf32, #tpu.memory_space<hbm>>) target_semaphore(%arg15 : memref<!tpu.dma_semaphore, #tpu.memory_space<semaphore_mem>>)
    %mul3A_60 = arith.constant 4 : i32
    %mul3A_61 = arith.muli %add3A, %mul3A_60 : i32
    %add3A_62 = arith.constant 384 : i32
    %add3A_63 = arith.addi %add3A_62, %mul3A_61 : i32
    %mul3A_64 = arith.constant 1024 : i32
    %mul3A_65 = arith.muli %add3A_63, %mul3A_64 : i32
    %dma_start3A_66 = arith.constant 12288 : i32
    %dma_start3A_67 = tpu.memref_slice %arg9[%dma_start3A_66] : memref<16384xf32, #tpu.memory_space<vmem>> -> memref<4096xf32, #tpu.memory_space<vmem>>
    %dma_start3A_68 = tpu.memref_slice %arg4[%mul3A_65] : memref<52428800xf32, #tpu.memory_space<hbm>> -> memref<4096xf32, #tpu.memory_space<hbm>>
    %dma_start3A_69 = tpu.memref_slice %arg4[%mul3A_65] : memref<52428800xf32, #tpu.memory_space<hbm>> -> memref<4096xf32, #tpu.memory_space<hbm>>
    %dma_start3A_70 = arith.constant 12288 : i32
    %dma_start3A_71 = tpu.memref_slice %arg9[%dma_start3A_70] : memref<16384xf32, #tpu.memory_space<vmem>> -> memref<4096xf32, #tpu.memory_space<vmem>>
    tpu.enqueue_dma source(%dma_start3A_71 : memref<4096xf32, #tpu.memory_space<vmem>>) target(%dma_start3A_69 : memref<4096xf32, #tpu.memory_space<hbm>>) target_semaphore(%arg15 : memref<!tpu.dma_semaphore, #tpu.memory_space<semaphore_mem>>)
    %add3A_72 = arith.constant 32768 : i32
    %add3A_73 = arith.addi %add3A_72, %mul3A_2 : i32
    %dma_start3A_74 = tpu.memref_slice %arg2[%add3A_73] : memref<1638400xi32, #tpu.memory_space<hbm>> -> memref<512xi32, #tpu.memory_space<hbm>>
    %dma_start3A_75 = tpu.memref_slice %arg2[%add3A_73] : memref<1638400xi32, #tpu.memory_space<hbm>> -> memref<512xi32, #tpu.memory_space<hbm>>
    tpu.enqueue_dma source(%dma_start3A_75 : memref<512xi32, #tpu.memory_space<hbm>>) target(%arg5 : memref<512xi32, #tpu.memory_space<vmem>>) target_semaphore(%arg11 : memref<!tpu.dma_semaphore, #tpu.memory_space<semaphore_mem>>)
    %dma_wait3A_76 = arith.constant 0 : i32
    %dma_wait3A_77 = arith.constant 0 : i32
    %dma_wait3A_78 = tpu.memref_slice %arg3[%dma_wait3A_76, %dma_wait3A_77] : memref<1000000x32xf32, #tpu.memory_space<hbm>> -> memref<1000000x32xf32, #tpu.memory_space<hbm>>
    tpu.wait_indirect_dma semaphore(%arg14 : memref<!tpu.dma_semaphore, #tpu.memory_space<semaphore_mem>>) src(%dma_wait3A_78 : memref<1000000x32xf32, #tpu.memory_space<hbm>>) dst(%arg8 : memref<512x32xf32, #tpu.memory_space<vmem>>)
    %dma_wait3A_79 = tpu.memref_slice %arg2[%mul3A_2] : memref<1638400xi32, #tpu.memory_space<hbm>> -> memref<512xi32, #tpu.memory_space<hbm>>
    %dma_wait3A_80 = tpu.memref_slice %arg2[%mul3A_2] : memref<1638400xi32, #tpu.memory_space<hbm>> -> memref<512xi32, #tpu.memory_space<hbm>>
    tpu.wait_dma2 semaphore(%arg11 : memref<!tpu.dma_semaphore, #tpu.memory_space<semaphore_mem>>) src(%dma_wait3A_80 : memref<512xi32, #tpu.memory_space<hbm>>) dst(%arg5 : memref<512xi32, #tpu.memory_space<vmem>>)
    %dma_start3A_81 = arith.constant 0 : i32
    %dma_start3A_82 = arith.constant 0 : i32
    %dma_start3A_83 = tpu.memref_slice %arg3[%dma_start3A_81, %dma_start3A_82] : memref<1000000x32xf32, #tpu.memory_space<hbm>> -> memref<1000000x32xf32, #tpu.memory_space<hbm>>
    tpu.enqueue_indirect_dma source(%dma_start3A_83 : memref<1000000x32xf32, #tpu.memory_space<hbm>>) target(%arg7 : memref<512x32xf32, #tpu.memory_space<vmem>>) offsets(%arg5 : memref<512xi32, #tpu.memory_space<vmem>>) semaphore(%arg13 : memref<!tpu.dma_semaphore, #tpu.memory_space<semaphore_mem>>)
    %parallel_loop3A_84 = arith.constant 0 : i32
    %parallel_loop3A_85 = arith.constant 512 : i32
    %parallel_loop3A_86 = arith.constant 1 : i32
    scf.for %parallel_loop3A_273 = %parallel_loop3A_84 to %parallel_loop3A_85 step %parallel_loop3A_86  : i32 {
      %parallel_loop3A_274 = arith.constant 128 : i32
      %parallel_loop3A_275 = arith.divsi %parallel_loop3A_273, %parallel_loop3A_274 : i32
      %parallel_loop3A_276 = arith.constant 0 : i32
      %parallel_loop3A_277 = arith.cmpi sgt, %parallel_loop3A_273, %parallel_loop3A_276 : i32
      %parallel_loop3A_278 = arith.extui %parallel_loop3A_277 : i1 to i32
      %parallel_loop3A_279 = arith.constant 0 : i32
      %parallel_loop3A_280 = arith.cmpi slt, %parallel_loop3A_273, %parallel_loop3A_279 : i32
      %parallel_loop3A_281 = arith.extui %parallel_loop3A_280 : i1 to i32
      %parallel_loop3A_282 = arith.subi %parallel_loop3A_278, %parallel_loop3A_281 : i32
      %parallel_loop3A_283 = arith.constant 0 : i32
      %parallel_loop3A_284 = arith.cmpi sgt, %parallel_loop3A_274, %parallel_loop3A_283 : i32
      %parallel_loop3A_285 = arith.extui %parallel_loop3A_284 : i1 to i32
      %parallel_loop3A_286 = arith.constant 0 : i32
      %parallel_loop3A_287 = arith.cmpi slt, %parallel_loop3A_274, %parallel_loop3A_286 : i32
      %parallel_loop3A_288 = arith.extui %parallel_loop3A_287 : i1 to i32
      %parallel_loop3A_289 = arith.subi %parallel_loop3A_285, %parallel_loop3A_288 : i32
      %parallel_loop3A_290 = arith.cmpi ne, %parallel_loop3A_282, %parallel_loop3A_289 : i32
      %parallel_loop3A_291 = arith.remsi %parallel_loop3A_273, %parallel_loop3A_274 : i32
      %parallel_loop3A_292 = arith.constant 0 : i32
      %parallel_loop3A_293 = arith.cmpi ne, %parallel_loop3A_291, %parallel_loop3A_292 : i32
      %parallel_loop3A_294 = arith.andi %parallel_loop3A_290, %parallel_loop3A_293 : i1
      %parallel_loop3A_295 = arith.constant 1 : i32
      %parallel_loop3A_296 = arith.subi %parallel_loop3A_275, %parallel_loop3A_295 : i32
      %parallel_loop3A_297 = arith.select %parallel_loop3A_294, %parallel_loop3A_296, %parallel_loop3A_275 : i32
      %parallel_loop3A_298 = arith.constant 1024 : i32
      %parallel_loop3A_299 = arith.muli %parallel_loop3A_297, %parallel_loop3A_298 : i32
      %parallel_loop3A_300 = arith.constant 128 : i32
      %parallel_loop3A_301 = arith.constant 0 : i32
      %parallel_loop3A_302 = arith.cmpi eq, %parallel_loop3A_300, %parallel_loop3A_301 : i32
      %parallel_loop3A_303 = arith.constant 1 : i32
      %parallel_loop3A_304 = arith.select %parallel_loop3A_302, %parallel_loop3A_303, %parallel_loop3A_300 : i32
      %parallel_loop3A_305 = arith.remsi %parallel_loop3A_273, %parallel_loop3A_304 : i32
      %parallel_loop3A_306 = arith.constant 0 : i32
      %parallel_loop3A_307 = arith.cmpi ne, %parallel_loop3A_305, %parallel_loop3A_306 : i32
      %parallel_loop3A_308 = arith.constant 0 : i32
      %parallel_loop3A_309 = arith.cmpi slt, %parallel_loop3A_305, %parallel_loop3A_308 : i32
      %parallel_loop3A_310 = arith.constant 0 : i32
      %parallel_loop3A_311 = arith.cmpi slt, %parallel_loop3A_304, %parallel_loop3A_310 : i32
      %parallel_loop3A_312 = arith.xori %parallel_loop3A_309, %parallel_loop3A_311 : i1
      %parallel_loop3A_313 = arith.andi %parallel_loop3A_312, %parallel_loop3A_307 : i1
      %parallel_loop3A_314 = arith.addi %parallel_loop3A_305, %parallel_loop3A_304 : i32
      %parallel_loop3A_315 = arith.select %parallel_loop3A_313, %parallel_loop3A_314, %parallel_loop3A_305 : i32
      %parallel_loop3A_316 = arith.addi %parallel_loop3A_299, %parallel_loop3A_315 : i32
      %parallel_loop3A_317 = vector.broadcast %parallel_loop3A_316 : i32 to vector<16xi32>
      %parallel_loop3A_318 = arith.constant 0 : i32
      %parallel_loop3A_319 = vector.broadcast %parallel_loop3A_318 : i32 to vector<16xi32>
      %parallel_loop3A_320 = arith.addi %parallel_loop3A_319, %iota3A : vector<16xi32>
      %parallel_loop3A_321 = arith.constant 8 : i32
      %parallel_loop3A_322 = vector.broadcast %parallel_loop3A_321 : i32 to vector<16xi32>
      %parallel_loop3A_323 = arith.divsi %parallel_loop3A_320, %parallel_loop3A_322 : vector<16xi32>
      %parallel_loop3A_324 = arith.constant 0 : i32
      %parallel_loop3A_325 = vector.broadcast %parallel_loop3A_324 : i32 to vector<16xi32>
      %parallel_loop3A_326 = arith.cmpi sgt, %parallel_loop3A_320, %parallel_loop3A_325 : vector<16xi32>
      %parallel_loop3A_327 = arith.extui %parallel_loop3A_326 : vector<16xi1> to vector<16xi32>
      %parallel_loop3A_328 = arith.constant 0 : i32
      %parallel_loop3A_329 = vector.broadcast %parallel_loop3A_328 : i32 to vector<16xi32>
      %parallel_loop3A_330 = arith.cmpi slt, %parallel_loop3A_320, %parallel_loop3A_329 : vector<16xi32>
      %parallel_loop3A_331 = arith.extui %parallel_loop3A_330 : vector<16xi1> to vector<16xi32>
      %parallel_loop3A_332 = arith.subi %parallel_loop3A_327, %parallel_loop3A_331 : vector<16xi32>
      %parallel_loop3A_333 = arith.constant 0 : i32
      %parallel_loop3A_334 = arith.cmpi sgt, %parallel_loop3A_321, %parallel_loop3A_333 : i32
      %parallel_loop3A_335 = arith.extui %parallel_loop3A_334 : i1 to i32
      %parallel_loop3A_336 = arith.constant 0 : i32
      %parallel_loop3A_337 = arith.cmpi slt, %parallel_loop3A_321, %parallel_loop3A_336 : i32
      %parallel_loop3A_338 = arith.extui %parallel_loop3A_337 : i1 to i32
      %parallel_loop3A_339 = arith.subi %parallel_loop3A_335, %parallel_loop3A_338 : i32
      %parallel_loop3A_340 = vector.broadcast %parallel_loop3A_339 : i32 to vector<16xi32>
      %parallel_loop3A_341 = arith.cmpi ne, %parallel_loop3A_332, %parallel_loop3A_340 : vector<16xi32>
      %parallel_loop3A_342 = vector.broadcast %parallel_loop3A_321 : i32 to vector<16xi32>
      %parallel_loop3A_343 = arith.remsi %parallel_loop3A_320, %parallel_loop3A_342 : vector<16xi32>
      %parallel_loop3A_344 = arith.constant 0 : i32
      %parallel_loop3A_345 = vector.broadcast %parallel_loop3A_344 : i32 to vector<16xi32>
      %parallel_loop3A_346 = arith.cmpi ne, %parallel_loop3A_343, %parallel_loop3A_345 : vector<16xi32>
      %parallel_loop3A_347 = arith.andi %parallel_loop3A_341, %parallel_loop3A_346 : vector<16xi1>
      %parallel_loop3A_348 = arith.constant 1 : i32
      %parallel_loop3A_349 = vector.broadcast %parallel_loop3A_348 : i32 to vector<16xi32>
      %parallel_loop3A_350 = arith.subi %parallel_loop3A_323, %parallel_loop3A_349 : vector<16xi32>
      %parallel_loop3A_351 = arith.select %parallel_loop3A_347, %parallel_loop3A_350, %parallel_loop3A_323 : vector<16xi1>, vector<16xi32>
      %parallel_loop3A_352 = arith.constant 4096 : i32
      %parallel_loop3A_353 = vector.broadcast %parallel_loop3A_352 : i32 to vector<16xi32>
      %parallel_loop3A_354 = arith.muli %parallel_loop3A_351, %parallel_loop3A_353 : vector<16xi32>
      %parallel_loop3A_355 = arith.constant 8 : i32
      %parallel_loop3A_356 = arith.constant 0 : i32
      %parallel_loop3A_357 = arith.cmpi eq, %parallel_loop3A_355, %parallel_loop3A_356 : i32
      %parallel_loop3A_358 = arith.constant 1 : i32
      %parallel_loop3A_359 = arith.select %parallel_loop3A_357, %parallel_loop3A_358, %parallel_loop3A_355 : i32
      %parallel_loop3A_360 = vector.broadcast %parallel_loop3A_359 : i32 to vector<16xi32>
      %parallel_loop3A_361 = arith.remsi %parallel_loop3A_320, %parallel_loop3A_360 : vector<16xi32>
      %parallel_loop3A_362 = arith.constant 0 : i32
      %parallel_loop3A_363 = vector.broadcast %parallel_loop3A_362 : i32 to vector<16xi32>
      %parallel_loop3A_364 = arith.cmpi ne, %parallel_loop3A_361, %parallel_loop3A_363 : vector<16xi32>
      %parallel_loop3A_365 = arith.constant 0 : i32
      %parallel_loop3A_366 = vector.broadcast %parallel_loop3A_365 : i32 to vector<16xi32>
      %parallel_loop3A_367 = arith.cmpi slt, %parallel_loop3A_361, %parallel_loop3A_366 : vector<16xi32>
      %parallel_loop3A_368 = arith.constant 0 : i32
      %parallel_loop3A_369 = arith.cmpi slt, %parallel_loop3A_359, %parallel_loop3A_368 : i32
      %parallel_loop3A_370 = vector.broadcast %parallel_loop3A_369 : i1 to vector<16xi1>
      %parallel_loop3A_371 = vector.broadcast %parallel_loop3A_370 : vector<16xi1> to vector<16xi1>
      %parallel_loop3A_372 = arith.xori %parallel_loop3A_367, %parallel_loop3A_371 : vector<16xi1>
      %parallel_loop3A_373 = arith.andi %parallel_loop3A_372, %parallel_loop3A_364 : vector<16xi1>
      %parallel_loop3A_374 = vector.broadcast %parallel_loop3A_359 : i32 to vector<16xi32>
      %parallel_loop3A_375 = arith.addi %parallel_loop3A_361, %parallel_loop3A_374 : vector<16xi32>
      %parallel_loop3A_376 = arith.select %parallel_loop3A_373, %parallel_loop3A_375, %parallel_loop3A_361 : vector<16xi1>, vector<16xi32>
      %parallel_loop3A_377 = arith.constant 128 : i32
      %parallel_loop3A_378 = vector.broadcast %parallel_loop3A_377 : i32 to vector<16xi32>
      %parallel_loop3A_379 = arith.muli %parallel_loop3A_376, %parallel_loop3A_378 : vector<16xi32>
      %parallel_loop3A_380 = arith.addi %parallel_loop3A_354, %parallel_loop3A_379 : vector<16xi32>
      %parallel_loop3A_381 = arith.index_cast %parallel_loop3A_273 : i32 to index
      %parallel_loop3A_382 = arith.constant 0 : index
      %parallel_loop3A_383 = tpu.vector_load %arg8[%parallel_loop3A_381, %parallel_loop3A_382] {strides = array<i32>} : memref<512x32xf32, #tpu.memory_space<vmem>>, vector<16xf32>,
      %parallel_loop3A_384 = arith.addi %parallel_loop3A_380, %parallel_loop3A_317 : vector<16xi32>
      tpu.vector_store_idx %arg10[%parallel_loop3A_384], %parallel_loop3A_383 : memref<16384xf32, #tpu.memory_space<vmem>>[vector<16xi32>], vector<16xf32>,
      %parallel_loop3A_385 = arith.constant 16 : i32
      %parallel_loop3A_386 = vector.broadcast %parallel_loop3A_385 : i32 to vector<16xi32>
      %parallel_loop3A_387 = arith.addi %parallel_loop3A_386, %iota3A : vector<16xi32>
      %parallel_loop3A_388 = arith.constant 8 : i32
      %parallel_loop3A_389 = vector.broadcast %parallel_loop3A_388 : i32 to vector<16xi32>
      %parallel_loop3A_390 = arith.divsi %parallel_loop3A_387, %parallel_loop3A_389 : vector<16xi32>
      %parallel_loop3A_391 = arith.constant 0 : i32
      %parallel_loop3A_392 = vector.broadcast %parallel_loop3A_391 : i32 to vector<16xi32>
      %parallel_loop3A_393 = arith.cmpi sgt, %parallel_loop3A_387, %parallel_loop3A_392 : vector<16xi32>
      %parallel_loop3A_394 = arith.extui %parallel_loop3A_393 : vector<16xi1> to vector<16xi32>
      %parallel_loop3A_395 = arith.constant 0 : i32
      %parallel_loop3A_396 = vector.broadcast %parallel_loop3A_395 : i32 to vector<16xi32>
      %parallel_loop3A_397 = arith.cmpi slt, %parallel_loop3A_387, %parallel_loop3A_396 : vector<16xi32>
      %parallel_loop3A_398 = arith.extui %parallel_loop3A_397 : vector<16xi1> to vector<16xi32>
      %parallel_loop3A_399 = arith.subi %parallel_loop3A_394, %parallel_loop3A_398 : vector<16xi32>
      %parallel_loop3A_400 = arith.constant 0 : i32
      %parallel_loop3A_401 = arith.cmpi sgt, %parallel_loop3A_388, %parallel_loop3A_400 : i32
      %parallel_loop3A_402 = arith.extui %parallel_loop3A_401 : i1 to i32
      %parallel_loop3A_403 = arith.constant 0 : i32
      %parallel_loop3A_404 = arith.cmpi slt, %parallel_loop3A_388, %parallel_loop3A_403 : i32
      %parallel_loop3A_405 = arith.extui %parallel_loop3A_404 : i1 to i32
      %parallel_loop3A_406 = arith.subi %parallel_loop3A_402, %parallel_loop3A_405 : i32
      %parallel_loop3A_407 = vector.broadcast %parallel_loop3A_406 : i32 to vector<16xi32>
      %parallel_loop3A_408 = arith.cmpi ne, %parallel_loop3A_399, %parallel_loop3A_407 : vector<16xi32>
      %parallel_loop3A_409 = vector.broadcast %parallel_loop3A_388 : i32 to vector<16xi32>
      %parallel_loop3A_410 = arith.remsi %parallel_loop3A_387, %parallel_loop3A_409 : vector<16xi32>
      %parallel_loop3A_411 = arith.constant 0 : i32
      %parallel_loop3A_412 = vector.broadcast %parallel_loop3A_411 : i32 to vector<16xi32>
      %parallel_loop3A_413 = arith.cmpi ne, %parallel_loop3A_410, %parallel_loop3A_412 : vector<16xi32>
      %parallel_loop3A_414 = arith.andi %parallel_loop3A_408, %parallel_loop3A_413 : vector<16xi1>
      %parallel_loop3A_415 = arith.constant 1 : i32
      %parallel_loop3A_416 = vector.broadcast %parallel_loop3A_415 : i32 to vector<16xi32>
      %parallel_loop3A_417 = arith.subi %parallel_loop3A_390, %parallel_loop3A_416 : vector<16xi32>
      %parallel_loop3A_418 = arith.select %parallel_loop3A_414, %parallel_loop3A_417, %parallel_loop3A_390 : vector<16xi1>, vector<16xi32>
      %parallel_loop3A_419 = arith.constant 4096 : i32
      %parallel_loop3A_420 = vector.broadcast %parallel_loop3A_419 : i32 to vector<16xi32>
      %parallel_loop3A_421 = arith.muli %parallel_loop3A_418, %parallel_loop3A_420 : vector<16xi32>
      %parallel_loop3A_422 = arith.constant 8 : i32
      %parallel_loop3A_423 = arith.constant 0 : i32
      %parallel_loop3A_424 = arith.cmpi eq, %parallel_loop3A_422, %parallel_loop3A_423 : i32
      %parallel_loop3A_425 = arith.constant 1 : i32
      %parallel_loop3A_426 = arith.select %parallel_loop3A_424, %parallel_loop3A_425, %parallel_loop3A_422 : i32
      %parallel_loop3A_427 = vector.broadcast %parallel_loop3A_426 : i32 to vector<16xi32>
      %parallel_loop3A_428 = arith.remsi %parallel_loop3A_387, %parallel_loop3A_427 : vector<16xi32>
      %parallel_loop3A_429 = arith.constant 0 : i32
      %parallel_loop3A_430 = vector.broadcast %parallel_loop3A_429 : i32 to vector<16xi32>
      %parallel_loop3A_431 = arith.cmpi ne, %parallel_loop3A_428, %parallel_loop3A_430 : vector<16xi32>
      %parallel_loop3A_432 = arith.constant 0 : i32
      %parallel_loop3A_433 = vector.broadcast %parallel_loop3A_432 : i32 to vector<16xi32>
      %parallel_loop3A_434 = arith.cmpi slt, %parallel_loop3A_428, %parallel_loop3A_433 : vector<16xi32>
      %parallel_loop3A_435 = arith.constant 0 : i32
      %parallel_loop3A_436 = arith.cmpi slt, %parallel_loop3A_426, %parallel_loop3A_435 : i32
      %parallel_loop3A_437 = vector.broadcast %parallel_loop3A_436 : i1 to vector<16xi1>
      %parallel_loop3A_438 = vector.broadcast %parallel_loop3A_437 : vector<16xi1> to vector<16xi1>
      %parallel_loop3A_439 = arith.xori %parallel_loop3A_434, %parallel_loop3A_438 : vector<16xi1>
      %parallel_loop3A_440 = arith.andi %parallel_loop3A_439, %parallel_loop3A_431 : vector<16xi1>
      %parallel_loop3A_441 = vector.broadcast %parallel_loop3A_426 : i32 to vector<16xi32>
      %parallel_loop3A_442 = arith.addi %parallel_loop3A_428, %parallel_loop3A_441 : vector<16xi32>
      %parallel_loop3A_443 = arith.select %parallel_loop3A_440, %parallel_loop3A_442, %parallel_loop3A_428 : vector<16xi1>, vector<16xi32>
      %parallel_loop3A_444 = arith.constant 128 : i32
      %parallel_loop3A_445 = vector.broadcast %parallel_loop3A_444 : i32 to vector<16xi32>
      %parallel_loop3A_446 = arith.muli %parallel_loop3A_443, %parallel_loop3A_445 : vector<16xi32>
      %parallel_loop3A_447 = arith.addi %parallel_loop3A_421, %parallel_loop3A_446 : vector<16xi32>
      %parallel_loop3A_448 = arith.index_cast %parallel_loop3A_273 : i32 to index
      %parallel_loop3A_449 = arith.constant 16 : index
      %parallel_loop3A_450 = tpu.vector_load %arg8[%parallel_loop3A_448, %parallel_loop3A_449] {strides = array<i32>} : memref<512x32xf32, #tpu.memory_space<vmem>>, vector<16xf32>,
      %parallel_loop3A_451 = arith.addi %parallel_loop3A_447, %parallel_loop3A_317 : vector<16xi32>
      tpu.vector_store_idx %arg10[%parallel_loop3A_451], %parallel_loop3A_450 : memref<16384xf32, #tpu.memory_space<vmem>>[vector<16xi32>], vector<16xf32>,
    } {sc.loop_unroll_factor = 16 : i64, sc.parallel_access}
    %mul3A_87 = arith.constant 4 : i32
    %mul3A_88 = arith.muli %add3A, %mul3A_87 : i32
    %add3A_89 = arith.constant 512 : i32
    %add3A_90 = arith.addi %add3A_89, %mul3A_88 : i32
    %mul3A_91 = arith.constant 1024 : i32
    %mul3A_92 = arith.muli %add3A_90, %mul3A_91 : i32
    %dma_start3A_93 = arith.constant 0 : i32
    %dma_start3A_94 = tpu.memref_slice %arg10[%dma_start3A_93] : memref<16384xf32, #tpu.memory_space<vmem>> -> memref<4096xf32, #tpu.memory_space<vmem>>
    %dma_start3A_95 = tpu.memref_slice %arg4[%mul3A_92] : memref<52428800xf32, #tpu.memory_space<hbm>> -> memref<4096xf32, #tpu.memory_space<hbm>>
    %dma_start3A_96 = tpu.memref_slice %arg4[%mul3A_92] : memref<52428800xf32, #tpu.memory_space<hbm>> -> memref<4096xf32, #tpu.memory_space<hbm>>
    %dma_start3A_97 = arith.constant 0 : i32
    %dma_start3A_98 = tpu.memref_slice %arg10[%dma_start3A_97] : memref<16384xf32, #tpu.memory_space<vmem>> -> memref<4096xf32, #tpu.memory_space<vmem>>
    tpu.enqueue_dma source(%dma_start3A_98 : memref<4096xf32, #tpu.memory_space<vmem>>) target(%dma_start3A_96 : memref<4096xf32, #tpu.memory_space<hbm>>) target_semaphore(%arg16 : memref<!tpu.dma_semaphore, #tpu.memory_space<semaphore_mem>>)
    %mul3A_99 = arith.constant 4 : i32
    %mul3A_100 = arith.muli %add3A, %mul3A_99 : i32
    %add3A_101 = arith.constant 640 : i32
    %add3A_102 = arith.addi %add3A_101, %mul3A_100 : i32
    %mul3A_103 = arith.constant 1024 : i32
    %mul3A_104 = arith.muli %add3A_102, %mul3A_103 : i32
    %dma_start3A_105 = arith.constant 4096 : i32
    %dma_start3A_106 = tpu.memref_slice %arg10[%dma_start3A_105] : memref<16384xf32, #tpu.memory_space<vmem>> -> memref<4096xf32, #tpu.memory_space<vmem>>
    %dma_start3A_107 = tpu.memref_slice %arg4[%mul3A_104] : memref<52428800xf32, #tpu.memory_space<hbm>> -> memref<4096xf32, #tpu.memory_space<hbm>>
    %dma_start3A_108 = tpu.memref_slice %arg4[%mul3A_104] : memref<52428800xf32, #tpu.memory_space<hbm>> -> memref<4096xf32, #tpu.memory_space<hbm>>
    %dma_start3A_109 = arith.constant 4096 : i32
    %dma_start3A_110 = tpu.memref_slice %arg10[%dma_start3A_109] : memref<16384xf32, #tpu.memory_space<vmem>> -> memref<4096xf32, #tpu.memory_space<vmem>>
    tpu.enqueue_dma source(%dma_start3A_110 : memref<4096xf32, #tpu.memory_space<vmem>>) target(%dma_start3A_108 : memref<4096xf32, #tpu.memory_space<hbm>>) target_semaphore(%arg16 : memref<!tpu.dma_semaphore, #tpu.memory_space<semaphore_mem>>)
    %mul3A_111 = arith.constant 4 : i32
    %mul3A_112 = arith.muli %add3A, %mul3A_111 : i32
    %add3A_113 = arith.constant 768 : i32
    %add3A_114 = arith.addi %add3A_113, %mul3A_112 : i32
    %mul3A_115 = arith.constant 1024 : i32
    %mul3A_116 = arith.muli %add3A_114, %mul3A_115 : i32
    %dma_start3A_117 = arith.constant 8192 : i32
    %dma_start3A_118 = tpu.memref_slice %arg10[%dma_start3A_117] : memref<16384xf32, #tpu.memory_space<vmem>> -> memref<4096xf32, #tpu.memory_space<vmem>>
    %dma_start3A_119 = tpu.memref_slice %arg4[%mul3A_116] : memref<52428800xf32, #tpu.memory_space<hbm>> -> memref<4096xf32, #tpu.memory_space<hbm>>
    %dma_start3A_120 = tpu.memref_slice %arg4[%mul3A_116] : memref<52428800xf32, #tpu.memory_space<hbm>> -> memref<4096xf32, #tpu.memory_space<hbm>>
    %dma_start3A_121 = arith.constant 8192 : i32
    %dma_start3A_122 = tpu.memref_slice %arg10[%dma_start3A_121] : memref<16384xf32, #tpu.memory_space<vmem>> -> memref<4096xf32, #tpu.memory_space<vmem>>
    tpu.enqueue_dma source(%dma_start3A_122 : memref<4096xf32, #tpu.memory_space<vmem>>) target(%dma_start3A_120 : memref<4096xf32, #tpu.memory_space<hbm>>) target_semaphore(%arg16 : memref<!tpu.dma_semaphore, #tpu.memory_space<semaphore_mem>>)
    %mul3A_123 = arith.constant 4 : i32
    %mul3A_124 = arith.muli %add3A, %mul3A_123 : i32
    %add3A_125 = arith.constant 896 : i32
    %add3A_126 = arith.addi %add3A_125, %mul3A_124 : i32
    %mul3A_127 = arith.constant 1024 : i32
    %mul3A_128 = arith.muli %add3A_126, %mul3A_127 : i32
    %dma_start3A_129 = arith.constant 12288 : i32
    %dma_start3A_130 = tpu.memref_slice %arg10[%dma_start3A_129] : memref<16384xf32, #tpu.memory_space<vmem>> -> memref<4096xf32, #tpu.memory_space<vmem>>
    %dma_start3A_131 = tpu.memref_slice %arg4[%mul3A_128] : memref<52428800xf32, #tpu.memory_space<hbm>> -> memref<4096xf32, #tpu.memory_space<hbm>>
    %dma_start3A_132 = tpu.memref_slice %arg4[%mul3A_128] : memref<52428800xf32, #tpu.memory_space<hbm>> -> memref<4096xf32, #tpu.memory_space<hbm>>
    %dma_start3A_133 = arith.constant 12288 : i32
    %dma_start3A_134 = tpu.memref_slice %arg10[%dma_start3A_133] : memref<16384xf32, #tpu.memory_space<vmem>> -> memref<4096xf32, #tpu.memory_space<vmem>>
    tpu.enqueue_dma source(%dma_start3A_134 : memref<4096xf32, #tpu.memory_space<vmem>>) target(%dma_start3A_132 : memref<4096xf32, #tpu.memory_space<hbm>>) target_semaphore(%arg16 : memref<!tpu.dma_semaphore, #tpu.memory_space<semaphore_mem>>)
    %add3A_135 = arith.constant 49152 : i32
    %add3A_136 = arith.addi %add3A_135, %mul3A_2 : i32
    %dma_start3A_137 = tpu.memref_slice %arg2[%add3A_136] : memref<1638400xi32, #tpu.memory_space<hbm>> -> memref<512xi32, #tpu.memory_space<hbm>>
    %dma_start3A_138 = tpu.memref_slice %arg2[%add3A_136] : memref<1638400xi32, #tpu.memory_space<hbm>> -> memref<512xi32, #tpu.memory_space<hbm>>
    tpu.enqueue_dma source(%dma_start3A_138 : memref<512xi32, #tpu.memory_space<hbm>>) target(%arg6 : memref<512xi32, #tpu.memory_space<vmem>>) target_semaphore(%arg12 : memref<!tpu.dma_semaphore, #tpu.memory_space<semaphore_mem>>)
    %scan3A = arith.constant 0 : i32
    %scan3A_139 = arith.constant 1 : i32
    %scan3A_140 = arith.constant 48 : i32
    %scan3A_141 = arith.addi %scan3A_139, %scan3A_140 : i32
    %scan3A_142 = arith.constant 1 : i32
    scf.for %scan3A_273 = %scan3A_139 to %scan3A_141 step %scan3A_142  : i32 {
      %mul3A_274 = arith.constant 2 : i32
      %mul3A_275 = arith.muli %scan3A_273, %mul3A_274 : i32
      %add3A_276 = arith.constant 0 : i32
      %add3A_277 = arith.addi %mul3A_275, %add3A_276 : i32
      %dma_wait3A_278 = arith.constant 0 : i32
      %dma_wait3A_279 = arith.constant 0 : i32
      %dma_wait3A_280 = tpu.memref_slice %arg3[%dma_wait3A_278, %dma_wait3A_279] : memref<1000000x32xf32, #tpu.memory_space<hbm>> -> memref<1000000x32xf32, #tpu.memory_space<hbm>>
      tpu.wait_indirect_dma semaphore(%arg13 : memref<!tpu.dma_semaphore, #tpu.memory_space<semaphore_mem>>) src(%dma_wait3A_280 : memref<1000000x32xf32, #tpu.memory_space<hbm>>) dst(%arg7 : memref<512x32xf32, #tpu.memory_space<vmem>>)
      %dma_wait3A_281 = tpu.memref_slice %arg2[%mul3A_2] : memref<1638400xi32, #tpu.memory_space<hbm>> -> memref<512xi32, #tpu.memory_space<hbm>>
      %dma_wait3A_282 = tpu.memref_slice %arg2[%mul3A_2] : memref<1638400xi32, #tpu.memory_space<hbm>> -> memref<512xi32, #tpu.memory_space<hbm>>
      tpu.wait_dma2 semaphore(%arg12 : memref<!tpu.dma_semaphore, #tpu.memory_space<semaphore_mem>>) src(%dma_wait3A_282 : memref<512xi32, #tpu.memory_space<hbm>>) dst(%arg6 : memref<512xi32, #tpu.memory_space<vmem>>)
      %dma_start3A_283 = arith.constant 0 : i32
      %dma_start3A_284 = arith.constant 0 : i32
      %dma_start3A_285 = tpu.memref_slice %arg3[%dma_start3A_283, %dma_start3A_284] : memref<1000000x32xf32, #tpu.memory_space<hbm>> -> memref<1000000x32xf32, #tpu.memory_space<hbm>>
      tpu.enqueue_indirect_dma source(%dma_start3A_285 : memref<1000000x32xf32, #tpu.memory_space<hbm>>) target(%arg8 : memref<512x32xf32, #tpu.memory_space<vmem>>) offsets(%arg6 : memref<512xi32, #tpu.memory_space<vmem>>) semaphore(%arg14 : memref<!tpu.dma_semaphore, #tpu.memory_space<semaphore_mem>>)
      %dma_wait3A_286 = arith.constant 0 : i32
      %dma_wait3A_287 = tpu.memref_slice %arg4[%dma_wait3A_286] : memref<52428800xf32, #tpu.memory_space<hbm>> -> memref<16384xf32, #tpu.memory_space<hbm>>
      %dma_wait3A_288 = arith.constant 0 : i32
      %dma_wait3A_289 = tpu.memref_slice %arg4[%dma_wait3A_288] : memref<52428800xf32, #tpu.memory_space<hbm>> -> memref<16384xf32, #tpu.memory_space<hbm>>
      tpu.wait_dma2 semaphore(%arg15 : memref<!tpu.dma_semaphore, #tpu.memory_space<semaphore_mem>>) src(%dma_wait3A_289 : memref<16384xf32, #tpu.memory_space<hbm>>) dst(%arg9 : memref<16384xf32, #tpu.memory_space<vmem>>)
      %parallel_loop3A_290 = arith.constant 0 : i32
      %parallel_loop3A_291 = arith.constant 512 : i32
      %parallel_loop3A_292 = arith.constant 1 : i32
      scf.for %parallel_loop3A_462 = %parallel_loop3A_290 to %parallel_loop3A_291 step %parallel_loop3A_292  : i32 {
        %parallel_loop3A_463 = arith.constant 128 : i32
        %parallel_loop3A_464 = arith.divsi %parallel_loop3A_462, %parallel_loop3A_463 : i32
        %parallel_loop3A_465 = arith.constant 0 : i32
        %parallel_loop3A_466 = arith.cmpi sgt, %parallel_loop3A_462, %parallel_loop3A_465 : i32
        %parallel_loop3A_467 = arith.extui %parallel_loop3A_466 : i1 to i32
        %parallel_loop3A_468 = arith.constant 0 : i32
        %parallel_loop3A_469 = arith.cmpi slt, %parallel_loop3A_462, %parallel_loop3A_468 : i32
        %parallel_loop3A_470 = arith.extui %parallel_loop3A_469 : i1 to i32
        %parallel_loop3A_471 = arith.subi %parallel_loop3A_467, %parallel_loop3A_470 : i32
        %parallel_loop3A_472 = arith.constant 0 : i32
        %parallel_loop3A_473 = arith.cmpi sgt, %parallel_loop3A_463, %parallel_loop3A_472 : i32
        %parallel_loop3A_474 = arith.extui %parallel_loop3A_473 : i1 to i32
        %parallel_loop3A_475 = arith.constant 0 : i32
        %parallel_loop3A_476 = arith.cmpi slt, %parallel_loop3A_463, %parallel_loop3A_475 : i32
        %parallel_loop3A_477 = arith.extui %parallel_loop3A_476 : i1 to i32
        %parallel_loop3A_478 = arith.subi %parallel_loop3A_474, %parallel_loop3A_477 : i32
        %parallel_loop3A_479 = arith.cmpi ne, %parallel_loop3A_471, %parallel_loop3A_478 : i32
        %parallel_loop3A_480 = arith.remsi %parallel_loop3A_462, %parallel_loop3A_463 : i32
        %parallel_loop3A_481 = arith.constant 0 : i32
        %parallel_loop3A_482 = arith.cmpi ne, %parallel_loop3A_480, %parallel_loop3A_481 : i32
        %parallel_loop3A_483 = arith.andi %parallel_loop3A_479, %parallel_loop3A_482 : i1
        %parallel_loop3A_484 = arith.constant 1 : i32
        %parallel_loop3A_485 = arith.subi %parallel_loop3A_464, %parallel_loop3A_484 : i32
        %parallel_loop3A_486 = arith.select %parallel_loop3A_483, %parallel_loop3A_485, %parallel_loop3A_464 : i32
        %parallel_loop3A_487 = arith.constant 1024 : i32
        %parallel_loop3A_488 = arith.muli %parallel_loop3A_486, %parallel_loop3A_487 : i32
        %parallel_loop3A_489 = arith.constant 128 : i32
        %parallel_loop3A_490 = arith.constant 0 : i32
        %parallel_loop3A_491 = arith.cmpi eq, %parallel_loop3A_489, %parallel_loop3A_490 : i32
        %parallel_loop3A_492 = arith.constant 1 : i32
        %parallel_loop3A_493 = arith.select %parallel_loop3A_491, %parallel_loop3A_492, %parallel_loop3A_489 : i32
        %parallel_loop3A_494 = arith.remsi %parallel_loop3A_462, %parallel_loop3A_493 : i32
        %parallel_loop3A_495 = arith.constant 0 : i32
        %parallel_loop3A_496 = arith.cmpi ne, %parallel_loop3A_494, %parallel_loop3A_495 : i32
        %parallel_loop3A_497 = arith.constant 0 : i32
        %parallel_loop3A_498 = arith.cmpi slt, %parallel_loop3A_494, %parallel_loop3A_497 : i32
        %parallel_loop3A_499 = arith.constant 0 : i32
        %parallel_loop3A_500 = arith.cmpi slt, %parallel_loop3A_493, %parallel_loop3A_499 : i32
        %parallel_loop3A_501 = arith.xori %parallel_loop3A_498, %parallel_loop3A_500 : i1
        %parallel_loop3A_502 = arith.andi %parallel_loop3A_501, %parallel_loop3A_496 : i1
        %parallel_loop3A_503 = arith.addi %parallel_loop3A_494, %parallel_loop3A_493 : i32
        %parallel_loop3A_504 = arith.select %parallel_loop3A_502, %parallel_loop3A_503, %parallel_loop3A_494 : i32
        %parallel_loop3A_505 = arith.addi %parallel_loop3A_488, %parallel_loop3A_504 : i32
        %parallel_loop3A_506 = vector.broadcast %parallel_loop3A_505 : i32 to vector<16xi32>
        %parallel_loop3A_507 = arith.constant 0 : i32
        %parallel_loop3A_508 = vector.broadcast %parallel_loop3A_507 : i32 to vector<16xi32>
        %parallel_loop3A_509 = arith.addi %parallel_loop3A_508, %iota3A : vector<16xi32>
        %parallel_loop3A_510 = arith.constant 8 : i32
        %parallel_loop3A_511 = vector.broadcast %parallel_loop3A_510 : i32 to vector<16xi32>
        %parallel_loop3A_512 = arith.divsi %parallel_loop3A_509, %parallel_loop3A_511 : vector<16xi32>
        %parallel_loop3A_513 = arith.constant 0 : i32
        %parallel_loop3A_514 = vector.broadcast %parallel_loop3A_513 : i32 to vector<16xi32>
        %parallel_loop3A_515 = arith.cmpi sgt, %parallel_loop3A_509, %parallel_loop3A_514 : vector<16xi32>
        %parallel_loop3A_516 = arith.extui %parallel_loop3A_515 : vector<16xi1> to vector<16xi32>
        %parallel_loop3A_517 = arith.constant 0 : i32
        %parallel_loop3A_518 = vector.broadcast %parallel_loop3A_517 : i32 to vector<16xi32>
        %parallel_loop3A_519 = arith.cmpi slt, %parallel_loop3A_509, %parallel_loop3A_518 : vector<16xi32>
        %parallel_loop3A_520 = arith.extui %parallel_loop3A_519 : vector<16xi1> to vector<16xi32>
        %parallel_loop3A_521 = arith.subi %parallel_loop3A_516, %parallel_loop3A_520 : vector<16xi32>
        %parallel_loop3A_522 = arith.constant 0 : i32
        %parallel_loop3A_523 = arith.cmpi sgt, %parallel_loop3A_510, %parallel_loop3A_522 : i32
        %parallel_loop3A_524 = arith.extui %parallel_loop3A_523 : i1 to i32
        %parallel_loop3A_525 = arith.constant 0 : i32
        %parallel_loop3A_526 = arith.cmpi slt, %parallel_loop3A_510, %parallel_loop3A_525 : i32
        %parallel_loop3A_527 = arith.extui %parallel_loop3A_526 : i1 to i32
        %parallel_loop3A_528 = arith.subi %parallel_loop3A_524, %parallel_loop3A_527 : i32
        %parallel_loop3A_529 = vector.broadcast %parallel_loop3A_528 : i32 to vector<16xi32>
        %parallel_loop3A_530 = arith.cmpi ne, %parallel_loop3A_521, %parallel_loop3A_529 : vector<16xi32>
        %parallel_loop3A_531 = vector.broadcast %parallel_loop3A_510 : i32 to vector<16xi32>
        %parallel_loop3A_532 = arith.remsi %parallel_loop3A_509, %parallel_loop3A_531 : vector<16xi32>
        %parallel_loop3A_533 = arith.constant 0 : i32
        %parallel_loop3A_534 = vector.broadcast %parallel_loop3A_533 : i32 to vector<16xi32>
        %parallel_loop3A_535 = arith.cmpi ne, %parallel_loop3A_532, %parallel_loop3A_534 : vector<16xi32>
        %parallel_loop3A_536 = arith.andi %parallel_loop3A_530, %parallel_loop3A_535 : vector<16xi1>
        %parallel_loop3A_537 = arith.constant 1 : i32
        %parallel_loop3A_538 = vector.broadcast %parallel_loop3A_537 : i32 to vector<16xi32>
        %parallel_loop3A_539 = arith.subi %parallel_loop3A_512, %parallel_loop3A_538 : vector<16xi32>
        %parallel_loop3A_540 = arith.select %parallel_loop3A_536, %parallel_loop3A_539, %parallel_loop3A_512 : vector<16xi1>, vector<16xi32>
        %parallel_loop3A_541 = arith.constant 4096 : i32
        %parallel_loop3A_542 = vector.broadcast %parallel_loop3A_541 : i32 to vector<16xi32>
        %parallel_loop3A_543 = arith.muli %parallel_loop3A_540, %parallel_loop3A_542 : vector<16xi32>
        %parallel_loop3A_544 = arith.constant 8 : i32
        %parallel_loop3A_545 = arith.constant 0 : i32
        %parallel_loop3A_546 = arith.cmpi eq, %parallel_loop3A_544, %parallel_loop3A_545 : i32
        %parallel_loop3A_547 = arith.constant 1 : i32
        %parallel_loop3A_548 = arith.select %parallel_loop3A_546, %parallel_loop3A_547, %parallel_loop3A_544 : i32
        %parallel_loop3A_549 = vector.broadcast %parallel_loop3A_548 : i32 to vector<16xi32>
        %parallel_loop3A_550 = arith.remsi %parallel_loop3A_509, %parallel_loop3A_549 : vector<16xi32>
        %parallel_loop3A_551 = arith.constant 0 : i32
        %parallel_loop3A_552 = vector.broadcast %parallel_loop3A_551 : i32 to vector<16xi32>
        %parallel_loop3A_553 = arith.cmpi ne, %parallel_loop3A_550, %parallel_loop3A_552 : vector<16xi32>
        %parallel_loop3A_554 = arith.constant 0 : i32
        %parallel_loop3A_555 = vector.broadcast %parallel_loop3A_554 : i32 to vector<16xi32>
        %parallel_loop3A_556 = arith.cmpi slt, %parallel_loop3A_550, %parallel_loop3A_555 : vector<16xi32>
        %parallel_loop3A_557 = arith.constant 0 : i32
        %parallel_loop3A_558 = arith.cmpi slt, %parallel_loop3A_548, %parallel_loop3A_557 : i32
        %parallel_loop3A_559 = vector.broadcast %parallel_loop3A_558 : i1 to vector<16xi1>
        %parallel_loop3A_560 = vector.broadcast %parallel_loop3A_559 : vector<16xi1> to vector<16xi1>
        %parallel_loop3A_561 = arith.xori %parallel_loop3A_556, %parallel_loop3A_560 : vector<16xi1>
        %parallel_loop3A_562 = arith.andi %parallel_loop3A_561, %parallel_loop3A_553 : vector<16xi1>
        %parallel_loop3A_563 = vector.broadcast %parallel_loop3A_548 : i32 to vector<16xi32>
        %parallel_loop3A_564 = arith.addi %parallel_loop3A_550, %parallel_loop3A_563 : vector<16xi32>
        %parallel_loop3A_565 = arith.select %parallel_loop3A_562, %parallel_loop3A_564, %parallel_loop3A_550 : vector<16xi1>, vector<16xi32>
        %parallel_loop3A_566 = arith.constant 128 : i32
        %parallel_loop3A_567 = vector.broadcast %parallel_loop3A_566 : i32 to vector<16xi32>
        %parallel_loop3A_568 = arith.muli %parallel_loop3A_565, %parallel_loop3A_567 : vector<16xi32>
        %parallel_loop3A_569 = arith.addi %parallel_loop3A_543, %parallel_loop3A_568 : vector<16xi32>
        %parallel_loop3A_570 = arith.index_cast %parallel_loop3A_462 : i32 to index
        %parallel_loop3A_571 = arith.constant 0 : index
        %parallel_loop3A_572 = tpu.vector_load %arg7[%parallel_loop3A_570, %parallel_loop3A_571] {strides = array<i32>} : memref<512x32xf32, #tpu.memory_space<vmem>>, vector<16xf32>,
        %parallel_loop3A_573 = arith.addi %parallel_loop3A_569, %parallel_loop3A_506 : vector<16xi32>
        tpu.vector_store_idx %arg9[%parallel_loop3A_573], %parallel_loop3A_572 : memref<16384xf32, #tpu.memory_space<vmem>>[vector<16xi32>], vector<16xf32>,
        %parallel_loop3A_574 = arith.constant 16 : i32
        %parallel_loop3A_575 = vector.broadcast %parallel_loop3A_574 : i32 to vector<16xi32>
        %parallel_loop3A_576 = arith.addi %parallel_loop3A_575, %iota3A : vector<16xi32>
        %parallel_loop3A_577 = arith.constant 8 : i32
        %parallel_loop3A_578 = vector.broadcast %parallel_loop3A_577 : i32 to vector<16xi32>
        %parallel_loop3A_579 = arith.divsi %parallel_loop3A_576, %parallel_loop3A_578 : vector<16xi32>
        %parallel_loop3A_580 = arith.constant 0 : i32
        %parallel_loop3A_581 = vector.broadcast %parallel_loop3A_580 : i32 to vector<16xi32>
        %parallel_loop3A_582 = arith.cmpi sgt, %parallel_loop3A_576, %parallel_loop3A_581 : vector<16xi32>
        %parallel_loop3A_583 = arith.extui %parallel_loop3A_582 : vector<16xi1> to vector<16xi32>
        %parallel_loop3A_584 = arith.constant 0 : i32
        %parallel_loop3A_585 = vector.broadcast %parallel_loop3A_584 : i32 to vector<16xi32>
        %parallel_loop3A_586 = arith.cmpi slt, %parallel_loop3A_576, %parallel_loop3A_585 : vector<16xi32>
        %parallel_loop3A_587 = arith.extui %parallel_loop3A_586 : vector<16xi1> to vector<16xi32>
        %parallel_loop3A_588 = arith.subi %parallel_loop3A_583, %parallel_loop3A_587 : vector<16xi32>
        %parallel_loop3A_589 = arith.constant 0 : i32
        %parallel_loop3A_590 = arith.cmpi sgt, %parallel_loop3A_577, %parallel_loop3A_589 : i32
        %parallel_loop3A_591 = arith.extui %parallel_loop3A_590 : i1 to i32
        %parallel_loop3A_592 = arith.constant 0 : i32
        %parallel_loop3A_593 = arith.cmpi slt, %parallel_loop3A_577, %parallel_loop3A_592 : i32
        %parallel_loop3A_594 = arith.extui %parallel_loop3A_593 : i1 to i32
        %parallel_loop3A_595 = arith.subi %parallel_loop3A_591, %parallel_loop3A_594 : i32
        %parallel_loop3A_596 = vector.broadcast %parallel_loop3A_595 : i32 to vector<16xi32>
        %parallel_loop3A_597 = arith.cmpi ne, %parallel_loop3A_588, %parallel_loop3A_596 : vector<16xi32>
        %parallel_loop3A_598 = vector.broadcast %parallel_loop3A_577 : i32 to vector<16xi32>
        %parallel_loop3A_599 = arith.remsi %parallel_loop3A_576, %parallel_loop3A_598 : vector<16xi32>
        %parallel_loop3A_600 = arith.constant 0 : i32
        %parallel_loop3A_601 = vector.broadcast %parallel_loop3A_600 : i32 to vector<16xi32>
        %parallel_loop3A_602 = arith.cmpi ne, %parallel_loop3A_599, %parallel_loop3A_601 : vector<16xi32>
        %parallel_loop3A_603 = arith.andi %parallel_loop3A_597, %parallel_loop3A_602 : vector<16xi1>
        %parallel_loop3A_604 = arith.constant 1 : i32
        %parallel_loop3A_605 = vector.broadcast %parallel_loop3A_604 : i32 to vector<16xi32>
        %parallel_loop3A_606 = arith.subi %parallel_loop3A_579, %parallel_loop3A_605 : vector<16xi32>
        %parallel_loop3A_607 = arith.select %parallel_loop3A_603, %parallel_loop3A_606, %parallel_loop3A_579 : vector<16xi1>, vector<16xi32>
        %parallel_loop3A_608 = arith.constant 4096 : i32
        %parallel_loop3A_609 = vector.broadcast %parallel_loop3A_608 : i32 to vector<16xi32>
        %parallel_loop3A_610 = arith.muli %parallel_loop3A_607, %parallel_loop3A_609 : vector<16xi32>
        %parallel_loop3A_611 = arith.constant 8 : i32
        %parallel_loop3A_612 = arith.constant 0 : i32
        %parallel_loop3A_613 = arith.cmpi eq, %parallel_loop3A_611, %parallel_loop3A_612 : i32
        %parallel_loop3A_614 = arith.constant 1 : i32
        %parallel_loop3A_615 = arith.select %parallel_loop3A_613, %parallel_loop3A_614, %parallel_loop3A_611 : i32
        %parallel_loop3A_616 = vector.broadcast %parallel_loop3A_615 : i32 to vector<16xi32>
        %parallel_loop3A_617 = arith.remsi %parallel_loop3A_576, %parallel_loop3A_616 : vector<16xi32>
        %parallel_loop3A_618 = arith.constant 0 : i32
        %parallel_loop3A_619 = vector.broadcast %parallel_loop3A_618 : i32 to vector<16xi32>
        %parallel_loop3A_620 = arith.cmpi ne, %parallel_loop3A_617, %parallel_loop3A_619 : vector<16xi32>
        %parallel_loop3A_621 = arith.constant 0 : i32
        %parallel_loop3A_622 = vector.broadcast %parallel_loop3A_621 : i32 to vector<16xi32>
        %parallel_loop3A_623 = arith.cmpi slt, %parallel_loop3A_617, %parallel_loop3A_622 : vector<16xi32>
        %parallel_loop3A_624 = arith.constant 0 : i32
        %parallel_loop3A_625 = arith.cmpi slt, %parallel_loop3A_615, %parallel_loop3A_624 : i32
        %parallel_loop3A_626 = vector.broadcast %parallel_loop3A_625 : i1 to vector<16xi1>
        %parallel_loop3A_627 = vector.broadcast %parallel_loop3A_626 : vector<16xi1> to vector<16xi1>
        %parallel_loop3A_628 = arith.xori %parallel_loop3A_623, %parallel_loop3A_627 : vector<16xi1>
        %parallel_loop3A_629 = arith.andi %parallel_loop3A_628, %parallel_loop3A_620 : vector<16xi1>
        %parallel_loop3A_630 = vector.broadcast %parallel_loop3A_615 : i32 to vector<16xi32>
        %parallel_loop3A_631 = arith.addi %parallel_loop3A_617, %parallel_loop3A_630 : vector<16xi32>
        %parallel_loop3A_632 = arith.select %parallel_loop3A_629, %parallel_loop3A_631, %parallel_loop3A_617 : vector<16xi1>, vector<16xi32>
        %parallel_loop3A_633 = arith.constant 128 : i32
        %parallel_loop3A_634 = vector.broadcast %parallel_loop3A_633 : i32 to vector<16xi32>
        %parallel_loop3A_635 = arith.muli %parallel_loop3A_632, %parallel_loop3A_634 : vector<16xi32>
        %parallel_loop3A_636 = arith.addi %parallel_loop3A_610, %parallel_loop3A_635 : vector<16xi32>
        %parallel_loop3A_637 = arith.index_cast %parallel_loop3A_462 : i32 to index
        %parallel_loop3A_638 = arith.constant 16 : index
        %parallel_loop3A_639 = tpu.vector_load %arg7[%parallel_loop3A_637, %parallel_loop3A_638] {strides = array<i32>} : memref<512x32xf32, #tpu.memory_space<vmem>>, vector<16xf32>,
        %parallel_loop3A_640 = arith.addi %parallel_loop3A_636, %parallel_loop3A_506 : vector<16xi32>
        tpu.vector_store_idx %arg9[%parallel_loop3A_640], %parallel_loop3A_639 : memref<16384xf32, #tpu.memory_space<vmem>>[vector<16xi32>], vector<16xf32>,
      } {sc.loop_unroll_factor = 16 : i64, sc.parallel_access}
      %mul3A_293 = arith.constant 4 : i32
      %mul3A_294 = arith.muli %add3A_277, %mul3A_293 : i32
      %add3A_295 = arith.constant 0 : i32
      %add3A_296 = arith.addi %mul3A_294, %add3A_295 : i32
      %mul3A_297 = arith.constant 128 : i32
      %mul3A_298 = arith.muli %add3A_296, %mul3A_297 : i32
      %mul3A_299 = arith.constant 4 : i32
      %mul3A_300 = arith.muli %add3A, %mul3A_299 : i32
      %add3A_301 = arith.addi %mul3A_298, %mul3A_300 : i32
      %mul3A_302 = arith.constant 1024 : i32
      %mul3A_303 = arith.muli %add3A_301, %mul3A_302 : i32
      %dma_start3A_304 = arith.constant 0 : i32
      %dma_start3A_305 = tpu.memref_slice %arg9[%dma_start3A_304] : memref<16384xf32, #tpu.memory_space<vmem>> -> memref<4096xf32, #tpu.memory_space<vmem>>
      %dma_start3A_306 = tpu.memref_slice %arg4[%mul3A_303] : memref<52428800xf32, #tpu.memory_space<hbm>> -> memref<4096xf32, #tpu.memory_space<hbm>>
      %dma_start3A_307 = tpu.memref_slice %arg4[%mul3A_303] : memref<52428800xf32, #tpu.memory_space<hbm>> -> memref<4096xf32, #tpu.memory_space<hbm>>
      %dma_start3A_308 = arith.constant 0 : i32
      %dma_start3A_309 = tpu.memref_slice %arg9[%dma_start3A_308] : memref<16384xf32, #tpu.memory_space<vmem>> -> memref<4096xf32, #tpu.memory_space<vmem>>
      tpu.enqueue_dma source(%dma_start3A_309 : memref<4096xf32, #tpu.memory_space<vmem>>) target(%dma_start3A_307 : memref<4096xf32, #tpu.memory_space<hbm>>) target_semaphore(%arg15 : memref<!tpu.dma_semaphore, #tpu.memory_space<semaphore_mem>>)
      %mul3A_310 = arith.constant 4 : i32
      %mul3A_311 = arith.muli %add3A_277, %mul3A_310 : i32
      %add3A_312 = arith.constant 1 : i32
      %add3A_313 = arith.addi %mul3A_311, %add3A_312 : i32
      %mul3A_314 = arith.constant 128 : i32
      %mul3A_315 = arith.muli %add3A_313, %mul3A_314 : i32
      %mul3A_316 = arith.constant 4 : i32
      %mul3A_317 = arith.muli %add3A, %mul3A_316 : i32
      %add3A_318 = arith.addi %mul3A_315, %mul3A_317 : i32
      %mul3A_319 = arith.constant 1024 : i32
      %mul3A_320 = arith.muli %add3A_318, %mul3A_319 : i32
      %dma_start3A_321 = arith.constant 4096 : i32
      %dma_start3A_322 = tpu.memref_slice %arg9[%dma_start3A_321] : memref<16384xf32, #tpu.memory_space<vmem>> -> memref<4096xf32, #tpu.memory_space<vmem>>
      %dma_start3A_323 = tpu.memref_slice %arg4[%mul3A_320] : memref<52428800xf32, #tpu.memory_space<hbm>> -> memref<4096xf32, #tpu.memory_space<hbm>>
      %dma_start3A_324 = tpu.memref_slice %arg4[%mul3A_320] : memref<52428800xf32, #tpu.memory_space<hbm>> -> memref<4096xf32, #tpu.memory_space<hbm>>
      %dma_start3A_325 = arith.constant 4096 : i32
      %dma_start3A_326 = tpu.memref_slice %arg9[%dma_start3A_325] : memref<16384xf32, #tpu.memory_space<vmem>> -> memref<4096xf32, #tpu.memory_space<vmem>>
      tpu.enqueue_dma source(%dma_start3A_326 : memref<4096xf32, #tpu.memory_space<vmem>>) target(%dma_start3A_324 : memref<4096xf32, #tpu.memory_space<hbm>>) target_semaphore(%arg15 : memref<!tpu.dma_semaphore, #tpu.memory_space<semaphore_mem>>)
      %mul3A_327 = arith.constant 4 : i32
      %mul3A_328 = arith.muli %add3A_277, %mul3A_327 : i32
      %add3A_329 = arith.constant 2 : i32
      %add3A_330 = arith.addi %mul3A_328, %add3A_329 : i32
      %mul3A_331 = arith.constant 128 : i32
      %mul3A_332 = arith.muli %add3A_330, %mul3A_331 : i32
      %mul3A_333 = arith.constant 4 : i32
      %mul3A_334 = arith.muli %add3A, %mul3A_333 : i32
      %add3A_335 = arith.addi %mul3A_332, %mul3A_334 : i32
      %mul3A_336 = arith.constant 1024 : i32
      %mul3A_337 = arith.muli %add3A_335, %mul3A_336 : i32
      %dma_start3A_338 = arith.constant 8192 : i32
      %dma_start3A_339 = tpu.memref_slice %arg9[%dma_start3A_338] : memref<16384xf32, #tpu.memory_space<vmem>> -> memref<4096xf32, #tpu.memory_space<vmem>>
      %dma_start3A_340 = tpu.memref_slice %arg4[%mul3A_337] : memref<52428800xf32, #tpu.memory_space<hbm>> -> memref<4096xf32, #tpu.memory_space<hbm>>
      %dma_start3A_341 = tpu.memref_slice %arg4[%mul3A_337] : memref<52428800xf32, #tpu.memory_space<hbm>> -> memref<4096xf32, #tpu.memory_space<hbm>>
      %dma_start3A_342 = arith.constant 8192 : i32
      %dma_start3A_343 = tpu.memref_slice %arg9[%dma_start3A_342] : memref<16384xf32, #tpu.memory_space<vmem>> -> memref<4096xf32, #tpu.memory_space<vmem>>
      tpu.enqueue_dma source(%dma_start3A_343 : memref<4096xf32, #tpu.memory_space<vmem>>) target(%dma_start3A_341 : memref<4096xf32, #tpu.memory_space<hbm>>) target_semaphore(%arg15 : memref<!tpu.dma_semaphore, #tpu.memory_space<semaphore_mem>>)
      %mul3A_344 = arith.constant 4 : i32
      %mul3A_345 = arith.muli %add3A_277, %mul3A_344 : i32
      %add3A_346 = arith.constant 3 : i32
      %add3A_347 = arith.addi %mul3A_345, %add3A_346 : i32
      %mul3A_348 = arith.constant 128 : i32
      %mul3A_349 = arith.muli %add3A_347, %mul3A_348 : i32
      %mul3A_350 = arith.constant 4 : i32
      %mul3A_351 = arith.muli %add3A, %mul3A_350 : i32
      %add3A_352 = arith.addi %mul3A_349, %mul3A_351 : i32
      %mul3A_353 = arith.constant 1024 : i32
      %mul3A_354 = arith.muli %add3A_352, %mul3A_353 : i32
      %dma_start3A_355 = arith.constant 12288 : i32
      %dma_start3A_356 = tpu.memref_slice %arg9[%dma_start3A_355] : memref<16384xf32, #tpu.memory_space<vmem>> -> memref<4096xf32, #tpu.memory_space<vmem>>
      %dma_start3A_357 = tpu.memref_slice %arg4[%mul3A_354] : memref<52428800xf32, #tpu.memory_space<hbm>> -> memref<4096xf32, #tpu.memory_space<hbm>>
      %dma_start3A_358 = tpu.memref_slice %arg4[%mul3A_354] : memref<52428800xf32, #tpu.memory_space<hbm>> -> memref<4096xf32, #tpu.memory_space<hbm>>
      %dma_start3A_359 = arith.constant 12288 : i32
      %dma_start3A_360 = tpu.memref_slice %arg9[%dma_start3A_359] : memref<16384xf32, #tpu.memory_space<vmem>> -> memref<4096xf32, #tpu.memory_space<vmem>>
      tpu.enqueue_dma source(%dma_start3A_360 : memref<4096xf32, #tpu.memory_space<vmem>>) target(%dma_start3A_358 : memref<4096xf32, #tpu.memory_space<hbm>>) target_semaphore(%arg15 : memref<!tpu.dma_semaphore, #tpu.memory_space<semaphore_mem>>)
      %add3A_361 = arith.constant 2 : i32
      %add3A_362 = arith.addi %add3A_277, %add3A_361 : i32
      %mul3A_363 = arith.constant 16384 : i32
      %mul3A_364 = arith.muli %add3A_362, %mul3A_363 : i32
      %add3A_365 = arith.addi %mul3A_364, %mul3A_2 : i32
      %dma_start3A_366 = tpu.memref_slice %arg2[%add3A_365] : memref<1638400xi32, #tpu.memory_space<hbm>> -> memref<512xi32, #tpu.memory_space<hbm>>
      %dma_start3A_367 = tpu.memref_slice %arg2[%add3A_365] : memref<1638400xi32, #tpu.memory_space<hbm>> -> memref<512xi32, #tpu.memory_space<hbm>>
      tpu.enqueue_dma source(%dma_start3A_367 : memref<512xi32, #tpu.memory_space<hbm>>) target(%arg5 : memref<512xi32, #tpu.memory_space<vmem>>) target_semaphore(%arg11 : memref<!tpu.dma_semaphore, #tpu.memory_space<semaphore_mem>>)
      %mul3A_368 = arith.constant 2 : i32
      %mul3A_369 = arith.muli %scan3A_273, %mul3A_368 : i32
      %add3A_370 = arith.constant 1 : i32
      %add3A_371 = arith.addi %mul3A_369, %add3A_370 : i32
      %dma_wait3A_372 = arith.constant 0 : i32
      %dma_wait3A_373 = arith.constant 0 : i32
      %dma_wait3A_374 = tpu.memref_slice %arg3[%dma_wait3A_372, %dma_wait3A_373] : memref<1000000x32xf32, #tpu.memory_space<hbm>> -> memref<1000000x32xf32, #tpu.memory_space<hbm>>
      tpu.wait_indirect_dma semaphore(%arg14 : memref<!tpu.dma_semaphore, #tpu.memory_space<semaphore_mem>>) src(%dma_wait3A_374 : memref<1000000x32xf32, #tpu.memory_space<hbm>>) dst(%arg8 : memref<512x32xf32, #tpu.memory_space<vmem>>)
      %dma_wait3A_375 = tpu.memref_slice %arg2[%mul3A_2] : memref<1638400xi32, #tpu.memory_space<hbm>> -> memref<512xi32, #tpu.memory_space<hbm>>
      %dma_wait3A_376 = tpu.memref_slice %arg2[%mul3A_2] : memref<1638400xi32, #tpu.memory_space<hbm>> -> memref<512xi32, #tpu.memory_space<hbm>>
      tpu.wait_dma2 semaphore(%arg11 : memref<!tpu.dma_semaphore, #tpu.memory_space<semaphore_mem>>) src(%dma_wait3A_376 : memref<512xi32, #tpu.memory_space<hbm>>) dst(%arg5 : memref<512xi32, #tpu.memory_space<vmem>>)
      %dma_start3A_377 = arith.constant 0 : i32
      %dma_start3A_378 = arith.constant 0 : i32
      %dma_start3A_379 = tpu.memref_slice %arg3[%dma_start3A_377, %dma_start3A_378] : memref<1000000x32xf32, #tpu.memory_space<hbm>> -> memref<1000000x32xf32, #tpu.memory_space<hbm>>
      tpu.enqueue_indirect_dma source(%dma_start3A_379 : memref<1000000x32xf32, #tpu.memory_space<hbm>>) target(%arg7 : memref<512x32xf32, #tpu.memory_space<vmem>>) offsets(%arg5 : memref<512xi32, #tpu.memory_space<vmem>>) semaphore(%arg13 : memref<!tpu.dma_semaphore, #tpu.memory_space<semaphore_mem>>)
      %dma_wait3A_380 = arith.constant 0 : i32
      %dma_wait3A_381 = tpu.memref_slice %arg4[%dma_wait3A_380] : memref<52428800xf32, #tpu.memory_space<hbm>> -> memref<16384xf32, #tpu.memory_space<hbm>>
      %dma_wait3A_382 = arith.constant 0 : i32
      %dma_wait3A_383 = tpu.memref_slice %arg4[%dma_wait3A_382] : memref<52428800xf32, #tpu.memory_space<hbm>> -> memref<16384xf32, #tpu.memory_space<hbm>>
      tpu.wait_dma2 semaphore(%arg16 : memref<!tpu.dma_semaphore, #tpu.memory_space<semaphore_mem>>) src(%dma_wait3A_383 : memref<16384xf32, #tpu.memory_space<hbm>>) dst(%arg10 : memref<16384xf32, #tpu.memory_space<vmem>>)
      %parallel_loop3A_384 = arith.constant 0 : i32
      %parallel_loop3A_385 = arith.constant 512 : i32
      %parallel_loop3A_386 = arith.constant 1 : i32
      scf.for %parallel_loop3A_462 = %parallel_loop3A_384 to %parallel_loop3A_385 step %parallel_loop3A_386  : i32 {
        %parallel_loop3A_463 = arith.constant 128 : i32
        %parallel_loop3A_464 = arith.divsi %parallel_loop3A_462, %parallel_loop3A_463 : i32
        %parallel_loop3A_465 = arith.constant 0 : i32
        %parallel_loop3A_466 = arith.cmpi sgt, %parallel_loop3A_462, %parallel_loop3A_465 : i32
        %parallel_loop3A_467 = arith.extui %parallel_loop3A_466 : i1 to i32
        %parallel_loop3A_468 = arith.constant 0 : i32
        %parallel_loop3A_469 = arith.cmpi slt, %parallel_loop3A_462, %parallel_loop3A_468 : i32
        %parallel_loop3A_470 = arith.extui %parallel_loop3A_469 : i1 to i32
        %parallel_loop3A_471 = arith.subi %parallel_loop3A_467, %parallel_loop3A_470 : i32
        %parallel_loop3A_472 = arith.constant 0 : i32
        %parallel_loop3A_473 = arith.cmpi sgt, %parallel_loop3A_463, %parallel_loop3A_472 : i32
        %parallel_loop3A_474 = arith.extui %parallel_loop3A_473 : i1 to i32
        %parallel_loop3A_475 = arith.constant 0 : i32
        %parallel_loop3A_476 = arith.cmpi slt, %parallel_loop3A_463, %parallel_loop3A_475 : i32
        %parallel_loop3A_477 = arith.extui %parallel_loop3A_476 : i1 to i32
        %parallel_loop3A_478 = arith.subi %parallel_loop3A_474, %parallel_loop3A_477 : i32
        %parallel_loop3A_479 = arith.cmpi ne, %parallel_loop3A_471, %parallel_loop3A_478 : i32
        %parallel_loop3A_480 = arith.remsi %parallel_loop3A_462, %parallel_loop3A_463 : i32
        %parallel_loop3A_481 = arith.constant 0 : i32
        %parallel_loop3A_482 = arith.cmpi ne, %parallel_loop3A_480, %parallel_loop3A_481 : i32
        %parallel_loop3A_483 = arith.andi %parallel_loop3A_479, %parallel_loop3A_482 : i1
        %parallel_loop3A_484 = arith.constant 1 : i32
        %parallel_loop3A_485 = arith.subi %parallel_loop3A_464, %parallel_loop3A_484 : i32
        %parallel_loop3A_486 = arith.select %parallel_loop3A_483, %parallel_loop3A_485, %parallel_loop3A_464 : i32
        %parallel_loop3A_487 = arith.constant 1024 : i32
        %parallel_loop3A_488 = arith.muli %parallel_loop3A_486, %parallel_loop3A_487 : i32
        %parallel_loop3A_489 = arith.constant 128 : i32
        %parallel_loop3A_490 = arith.constant 0 : i32
        %parallel_loop3A_491 = arith.cmpi eq, %parallel_loop3A_489, %parallel_loop3A_490 : i32
        %parallel_loop3A_492 = arith.constant 1 : i32
        %parallel_loop3A_493 = arith.select %parallel_loop3A_491, %parallel_loop3A_492, %parallel_loop3A_489 : i32
        %parallel_loop3A_494 = arith.remsi %parallel_loop3A_462, %parallel_loop3A_493 : i32
        %parallel_loop3A_495 = arith.constant 0 : i32
        %parallel_loop3A_496 = arith.cmpi ne, %parallel_loop3A_494, %parallel_loop3A_495 : i32
        %parallel_loop3A_497 = arith.constant 0 : i32
        %parallel_loop3A_498 = arith.cmpi slt, %parallel_loop3A_494, %parallel_loop3A_497 : i32
        %parallel_loop3A_499 = arith.constant 0 : i32
        %parallel_loop3A_500 = arith.cmpi slt, %parallel_loop3A_493, %parallel_loop3A_499 : i32
        %parallel_loop3A_501 = arith.xori %parallel_loop3A_498, %parallel_loop3A_500 : i1
        %parallel_loop3A_502 = arith.andi %parallel_loop3A_501, %parallel_loop3A_496 : i1
        %parallel_loop3A_503 = arith.addi %parallel_loop3A_494, %parallel_loop3A_493 : i32
        %parallel_loop3A_504 = arith.select %parallel_loop3A_502, %parallel_loop3A_503, %parallel_loop3A_494 : i32
        %parallel_loop3A_505 = arith.addi %parallel_loop3A_488, %parallel_loop3A_504 : i32
        %parallel_loop3A_506 = vector.broadcast %parallel_loop3A_505 : i32 to vector<16xi32>
        %parallel_loop3A_507 = arith.constant 0 : i32
        %parallel_loop3A_508 = vector.broadcast %parallel_loop3A_507 : i32 to vector<16xi32>
        %parallel_loop3A_509 = arith.addi %parallel_loop3A_508, %iota3A : vector<16xi32>
        %parallel_loop3A_510 = arith.constant 8 : i32
        %parallel_loop3A_511 = vector.broadcast %parallel_loop3A_510 : i32 to vector<16xi32>
        %parallel_loop3A_512 = arith.divsi %parallel_loop3A_509, %parallel_loop3A_511 : vector<16xi32>
        %parallel_loop3A_513 = arith.constant 0 : i32
        %parallel_loop3A_514 = vector.broadcast %parallel_loop3A_513 : i32 to vector<16xi32>
        %parallel_loop3A_515 = arith.cmpi sgt, %parallel_loop3A_509, %parallel_loop3A_514 : vector<16xi32>
        %parallel_loop3A_516 = arith.extui %parallel_loop3A_515 : vector<16xi1> to vector<16xi32>
        %parallel_loop3A_517 = arith.constant 0 : i32
        %parallel_loop3A_518 = vector.broadcast %parallel_loop3A_517 : i32 to vector<16xi32>
        %parallel_loop3A_519 = arith.cmpi slt, %parallel_loop3A_509, %parallel_loop3A_518 : vector<16xi32>
        %parallel_loop3A_520 = arith.extui %parallel_loop3A_519 : vector<16xi1> to vector<16xi32>
        %parallel_loop3A_521 = arith.subi %parallel_loop3A_516, %parallel_loop3A_520 : vector<16xi32>
        %parallel_loop3A_522 = arith.constant 0 : i32
        %parallel_loop3A_523 = arith.cmpi sgt, %parallel_loop3A_510, %parallel_loop3A_522 : i32
        %parallel_loop3A_524 = arith.extui %parallel_loop3A_523 : i1 to i32
        %parallel_loop3A_525 = arith.constant 0 : i32
        %parallel_loop3A_526 = arith.cmpi slt, %parallel_loop3A_510, %parallel_loop3A_525 : i32
        %parallel_loop3A_527 = arith.extui %parallel_loop3A_526 : i1 to i32
        %parallel_loop3A_528 = arith.subi %parallel_loop3A_524, %parallel_loop3A_527 : i32
        %parallel_loop3A_529 = vector.broadcast %parallel_loop3A_528 : i32 to vector<16xi32>
        %parallel_loop3A_530 = arith.cmpi ne, %parallel_loop3A_521, %parallel_loop3A_529 : vector<16xi32>
        %parallel_loop3A_531 = vector.broadcast %parallel_loop3A_510 : i32 to vector<16xi32>
        %parallel_loop3A_532 = arith.remsi %parallel_loop3A_509, %parallel_loop3A_531 : vector<16xi32>
        %parallel_loop3A_533 = arith.constant 0 : i32
        %parallel_loop3A_534 = vector.broadcast %parallel_loop3A_533 : i32 to vector<16xi32>
        %parallel_loop3A_535 = arith.cmpi ne, %parallel_loop3A_532, %parallel_loop3A_534 : vector<16xi32>
        %parallel_loop3A_536 = arith.andi %parallel_loop3A_530, %parallel_loop3A_535 : vector<16xi1>
        %parallel_loop3A_537 = arith.constant 1 : i32
        %parallel_loop3A_538 = vector.broadcast %parallel_loop3A_537 : i32 to vector<16xi32>
        %parallel_loop3A_539 = arith.subi %parallel_loop3A_512, %parallel_loop3A_538 : vector<16xi32>
        %parallel_loop3A_540 = arith.select %parallel_loop3A_536, %parallel_loop3A_539, %parallel_loop3A_512 : vector<16xi1>, vector<16xi32>
        %parallel_loop3A_541 = arith.constant 4096 : i32
        %parallel_loop3A_542 = vector.broadcast %parallel_loop3A_541 : i32 to vector<16xi32>
        %parallel_loop3A_543 = arith.muli %parallel_loop3A_540, %parallel_loop3A_542 : vector<16xi32>
        %parallel_loop3A_544 = arith.constant 8 : i32
        %parallel_loop3A_545 = arith.constant 0 : i32
        %parallel_loop3A_546 = arith.cmpi eq, %parallel_loop3A_544, %parallel_loop3A_545 : i32
        %parallel_loop3A_547 = arith.constant 1 : i32
        %parallel_loop3A_548 = arith.select %parallel_loop3A_546, %parallel_loop3A_547, %parallel_loop3A_544 : i32
        %parallel_loop3A_549 = vector.broadcast %parallel_loop3A_548 : i32 to vector<16xi32>
        %parallel_loop3A_550 = arith.remsi %parallel_loop3A_509, %parallel_loop3A_549 : vector<16xi32>
        %parallel_loop3A_551 = arith.constant 0 : i32
        %parallel_loop3A_552 = vector.broadcast %parallel_loop3A_551 : i32 to vector<16xi32>
        %parallel_loop3A_553 = arith.cmpi ne, %parallel_loop3A_550, %parallel_loop3A_552 : vector<16xi32>
        %parallel_loop3A_554 = arith.constant 0 : i32
        %parallel_loop3A_555 = vector.broadcast %parallel_loop3A_554 : i32 to vector<16xi32>
        %parallel_loop3A_556 = arith.cmpi slt, %parallel_loop3A_550, %parallel_loop3A_555 : vector<16xi32>
        %parallel_loop3A_557 = arith.constant 0 : i32
        %parallel_loop3A_558 = arith.cmpi slt, %parallel_loop3A_548, %parallel_loop3A_557 : i32
        %parallel_loop3A_559 = vector.broadcast %parallel_loop3A_558 : i1 to vector<16xi1>
        %parallel_loop3A_560 = vector.broadcast %parallel_loop3A_559 : vector<16xi1> to vector<16xi1>
        %parallel_loop3A_561 = arith.xori %parallel_loop3A_556, %parallel_loop3A_560 : vector<16xi1>
        %parallel_loop3A_562 = arith.andi %parallel_loop3A_561, %parallel_loop3A_553 : vector<16xi1>
        %parallel_loop3A_563 = vector.broadcast %parallel_loop3A_548 : i32 to vector<16xi32>
        %parallel_loop3A_564 = arith.addi %parallel_loop3A_550, %parallel_loop3A_563 : vector<16xi32>
        %parallel_loop3A_565 = arith.select %parallel_loop3A_562, %parallel_loop3A_564, %parallel_loop3A_550 : vector<16xi1>, vector<16xi32>
        %parallel_loop3A_566 = arith.constant 128 : i32
        %parallel_loop3A_567 = vector.broadcast %parallel_loop3A_566 : i32 to vector<16xi32>
        %parallel_loop3A_568 = arith.muli %parallel_loop3A_565, %parallel_loop3A_567 : vector<16xi32>
        %parallel_loop3A_569 = arith.addi %parallel_loop3A_543, %parallel_loop3A_568 : vector<16xi32>
        %parallel_loop3A_570 = arith.index_cast %parallel_loop3A_462 : i32 to index
        %parallel_loop3A_571 = arith.constant 0 : index
        %parallel_loop3A_572 = tpu.vector_load %arg8[%parallel_loop3A_570, %parallel_loop3A_571] {strides = array<i32>} : memref<512x32xf32, #tpu.memory_space<vmem>>, vector<16xf32>,
        %parallel_loop3A_573 = arith.addi %parallel_loop3A_569, %parallel_loop3A_506 : vector<16xi32>
        tpu.vector_store_idx %arg10[%parallel_loop3A_573], %parallel_loop3A_572 : memref<16384xf32, #tpu.memory_space<vmem>>[vector<16xi32>], vector<16xf32>,
        %parallel_loop3A_574 = arith.constant 16 : i32
        %parallel_loop3A_575 = vector.broadcast %parallel_loop3A_574 : i32 to vector<16xi32>
        %parallel_loop3A_576 = arith.addi %parallel_loop3A_575, %iota3A : vector<16xi32>
        %parallel_loop3A_577 = arith.constant 8 : i32
        %parallel_loop3A_578 = vector.broadcast %parallel_loop3A_577 : i32 to vector<16xi32>
        %parallel_loop3A_579 = arith.divsi %parallel_loop3A_576, %parallel_loop3A_578 : vector<16xi32>
        %parallel_loop3A_580 = arith.constant 0 : i32
        %parallel_loop3A_581 = vector.broadcast %parallel_loop3A_580 : i32 to vector<16xi32>
        %parallel_loop3A_582 = arith.cmpi sgt, %parallel_loop3A_576, %parallel_loop3A_581 : vector<16xi32>
        %parallel_loop3A_583 = arith.extui %parallel_loop3A_582 : vector<16xi1> to vector<16xi32>
        %parallel_loop3A_584 = arith.constant 0 : i32
        %parallel_loop3A_585 = vector.broadcast %parallel_loop3A_584 : i32 to vector<16xi32>
        %parallel_loop3A_586 = arith.cmpi slt, %parallel_loop3A_576, %parallel_loop3A_585 : vector<16xi32>
        %parallel_loop3A_587 = arith.extui %parallel_loop3A_586 : vector<16xi1> to vector<16xi32>
        %parallel_loop3A_588 = arith.subi %parallel_loop3A_583, %parallel_loop3A_587 : vector<16xi32>
        %parallel_loop3A_589 = arith.constant 0 : i32
        %parallel_loop3A_590 = arith.cmpi sgt, %parallel_loop3A_577, %parallel_loop3A_589 : i32
        %parallel_loop3A_591 = arith.extui %parallel_loop3A_590 : i1 to i32
        %parallel_loop3A_592 = arith.constant 0 : i32
        %parallel_loop3A_593 = arith.cmpi slt, %parallel_loop3A_577, %parallel_loop3A_592 : i32
        %parallel_loop3A_594 = arith.extui %parallel_loop3A_593 : i1 to i32
        %parallel_loop3A_595 = arith.subi %parallel_loop3A_591, %parallel_loop3A_594 : i32
        %parallel_loop3A_596 = vector.broadcast %parallel_loop3A_595 : i32 to vector<16xi32>
        %parallel_loop3A_597 = arith.cmpi ne, %parallel_loop3A_588, %parallel_loop3A_596 : vector<16xi32>
        %parallel_loop3A_598 = vector.broadcast %parallel_loop3A_577 : i32 to vector<16xi32>
        %parallel_loop3A_599 = arith.remsi %parallel_loop3A_576, %parallel_loop3A_598 : vector<16xi32>
        %parallel_loop3A_600 = arith.constant 0 : i32
        %parallel_loop3A_601 = vector.broadcast %parallel_loop3A_600 : i32 to vector<16xi32>
        %parallel_loop3A_602 = arith.cmpi ne, %parallel_loop3A_599, %parallel_loop3A_601 : vector<16xi32>
        %parallel_loop3A_603 = arith.andi %parallel_loop3A_597, %parallel_loop3A_602 : vector<16xi1>
        %parallel_loop3A_604 = arith.constant 1 : i32
        %parallel_loop3A_605 = vector.broadcast %parallel_loop3A_604 : i32 to vector<16xi32>
        %parallel_loop3A_606 = arith.subi %parallel_loop3A_579, %parallel_loop3A_605 : vector<16xi32>
        %parallel_loop3A_607 = arith.select %parallel_loop3A_603, %parallel_loop3A_606, %parallel_loop3A_579 : vector<16xi1>, vector<16xi32>
        %parallel_loop3A_608 = arith.constant 4096 : i32
        %parallel_loop3A_609 = vector.broadcast %parallel_loop3A_608 : i32 to vector<16xi32>
        %parallel_loop3A_610 = arith.muli %parallel_loop3A_607, %parallel_loop3A_609 : vector<16xi32>
        %parallel_loop3A_611 = arith.constant 8 : i32
        %parallel_loop3A_612 = arith.constant 0 : i32
        %parallel_loop3A_613 = arith.cmpi eq, %parallel_loop3A_611, %parallel_loop3A_612 : i32
        %parallel_loop3A_614 = arith.constant 1 : i32
        %parallel_loop3A_615 = arith.select %parallel_loop3A_613, %parallel_loop3A_614, %parallel_loop3A_611 : i32
        %parallel_loop3A_616 = vector.broadcast %parallel_loop3A_615 : i32 to vector<16xi32>
        %parallel_loop3A_617 = arith.remsi %parallel_loop3A_576, %parallel_loop3A_616 : vector<16xi32>
        %parallel_loop3A_618 = arith.constant 0 : i32
        %parallel_loop3A_619 = vector.broadcast %parallel_loop3A_618 : i32 to vector<16xi32>
        %parallel_loop3A_620 = arith.cmpi ne, %parallel_loop3A_617, %parallel_loop3A_619 : vector<16xi32>
        %parallel_loop3A_621 = arith.constant 0 : i32
        %parallel_loop3A_622 = vector.broadcast %parallel_loop3A_621 : i32 to vector<16xi32>
        %parallel_loop3A_623 = arith.cmpi slt, %parallel_loop3A_617, %parallel_loop3A_622 : vector<16xi32>
        %parallel_loop3A_624 = arith.constant 0 : i32
        %parallel_loop3A_625 = arith.cmpi slt, %parallel_loop3A_615, %parallel_loop3A_624 : i32
        %parallel_loop3A_626 = vector.broadcast %parallel_loop3A_625 : i1 to vector<16xi1>
        %parallel_loop3A_627 = vector.broadcast %parallel_loop3A_626 : vector<16xi1> to vector<16xi1>
        %parallel_loop3A_628 = arith.xori %parallel_loop3A_623, %parallel_loop3A_627 : vector<16xi1>
        %parallel_loop3A_629 = arith.andi %parallel_loop3A_628, %parallel_loop3A_620 : vector<16xi1>
        %parallel_loop3A_630 = vector.broadcast %parallel_loop3A_615 : i32 to vector<16xi32>
        %parallel_loop3A_631 = arith.addi %parallel_loop3A_617, %parallel_loop3A_630 : vector<16xi32>
        %parallel_loop3A_632 = arith.select %parallel_loop3A_629, %parallel_loop3A_631, %parallel_loop3A_617 : vector<16xi1>, vector<16xi32>
        %parallel_loop3A_633 = arith.constant 128 : i32
        %parallel_loop3A_634 = vector.broadcast %parallel_loop3A_633 : i32 to vector<16xi32>
        %parallel_loop3A_635 = arith.muli %parallel_loop3A_632, %parallel_loop3A_634 : vector<16xi32>
        %parallel_loop3A_636 = arith.addi %parallel_loop3A_610, %parallel_loop3A_635 : vector<16xi32>
        %parallel_loop3A_637 = arith.index_cast %parallel_loop3A_462 : i32 to index
        %parallel_loop3A_638 = arith.constant 16 : index
        %parallel_loop3A_639 = tpu.vector_load %arg8[%parallel_loop3A_637, %parallel_loop3A_638] {strides = array<i32>} : memref<512x32xf32, #tpu.memory_space<vmem>>, vector<16xf32>,
        %parallel_loop3A_640 = arith.addi %parallel_loop3A_636, %parallel_loop3A_506 : vector<16xi32>
        tpu.vector_store_idx %arg10[%parallel_loop3A_640], %parallel_loop3A_639 : memref<16384xf32, #tpu.memory_space<vmem>>[vector<16xi32>], vector<16xf32>,
      } {sc.loop_unroll_factor = 16 : i64, sc.parallel_access}
      %mul3A_387 = arith.constant 4 : i32
      %mul3A_388 = arith.muli %add3A_371, %mul3A_387 : i32
      %add3A_389 = arith.constant 0 : i32
      %add3A_390 = arith.addi %mul3A_388, %add3A_389 : i32
      %mul3A_391 = arith.constant 128 : i32
      %mul3A_392 = arith.muli %add3A_390, %mul3A_391 : i32
      %mul3A_393 = arith.constant 4 : i32
      %mul3A_394 = arith.muli %add3A, %mul3A_393 : i32
      %add3A_395 = arith.addi %mul3A_392, %mul3A_394 : i32
      %mul3A_396 = arith.constant 1024 : i32
      %mul3A_397 = arith.muli %add3A_395, %mul3A_396 : i32
      %dma_start3A_398 = arith.constant 0 : i32
      %dma_start3A_399 = tpu.memref_slice %arg10[%dma_start3A_398] : memref<16384xf32, #tpu.memory_space<vmem>> -> memref<4096xf32, #tpu.memory_space<vmem>>
      %dma_start3A_400 = tpu.memref_slice %arg4[%mul3A_397] : memref<52428800xf32, #tpu.memory_space<hbm>> -> memref<4096xf32, #tpu.memory_space<hbm>>
      %dma_start3A_401 = tpu.memref_slice %arg4[%mul3A_397] : memref<52428800xf32, #tpu.memory_space<hbm>> -> memref<4096xf32, #tpu.memory_space<hbm>>
      %dma_start3A_402 = arith.constant 0 : i32
      %dma_start3A_403 = tpu.memref_slice %arg10[%dma_start3A_402] : memref<16384xf32, #tpu.memory_space<vmem>> -> memref<4096xf32, #tpu.memory_space<vmem>>
      tpu.enqueue_dma source(%dma_start3A_403 : memref<4096xf32, #tpu.memory_space<vmem>>) target(%dma_start3A_401 : memref<4096xf32, #tpu.memory_space<hbm>>) target_semaphore(%arg16 : memref<!tpu.dma_semaphore, #tpu.memory_space<semaphore_mem>>)
      %mul3A_404 = arith.constant 4 : i32
      %mul3A_405 = arith.muli %add3A_371, %mul3A_404 : i32
      %add3A_406 = arith.constant 1 : i32
      %add3A_407 = arith.addi %mul3A_405, %add3A_406 : i32
      %mul3A_408 = arith.constant 128 : i32
      %mul3A_409 = arith.muli %add3A_407, %mul3A_408 : i32
      %mul3A_410 = arith.constant 4 : i32
      %mul3A_411 = arith.muli %add3A, %mul3A_410 : i32
      %add3A_412 = arith.addi %mul3A_409, %mul3A_411 : i32
      %mul3A_413 = arith.constant 1024 : i32
      %mul3A_414 = arith.muli %add3A_412, %mul3A_413 : i32
      %dma_start3A_415 = arith.constant 4096 : i32
      %dma_start3A_416 = tpu.memref_slice %arg10[%dma_start3A_415] : memref<16384xf32, #tpu.memory_space<vmem>> -> memref<4096xf32, #tpu.memory_space<vmem>>
      %dma_start3A_417 = tpu.memref_slice %arg4[%mul3A_414] : memref<52428800xf32, #tpu.memory_space<hbm>> -> memref<4096xf32, #tpu.memory_space<hbm>>
      %dma_start3A_418 = tpu.memref_slice %arg4[%mul3A_414] : memref<52428800xf32, #tpu.memory_space<hbm>> -> memref<4096xf32, #tpu.memory_space<hbm>>
      %dma_start3A_419 = arith.constant 4096 : i32
      %dma_start3A_420 = tpu.memref_slice %arg10[%dma_start3A_419] : memref<16384xf32, #tpu.memory_space<vmem>> -> memref<4096xf32, #tpu.memory_space<vmem>>
      tpu.enqueue_dma source(%dma_start3A_420 : memref<4096xf32, #tpu.memory_space<vmem>>) target(%dma_start3A_418 : memref<4096xf32, #tpu.memory_space<hbm>>) target_semaphore(%arg16 : memref<!tpu.dma_semaphore, #tpu.memory_space<semaphore_mem>>)
      %mul3A_421 = arith.constant 4 : i32
      %mul3A_422 = arith.muli %add3A_371, %mul3A_421 : i32
      %add3A_423 = arith.constant 2 : i32
      %add3A_424 = arith.addi %mul3A_422, %add3A_423 : i32
      %mul3A_425 = arith.constant 128 : i32
      %mul3A_426 = arith.muli %add3A_424, %mul3A_425 : i32
      %mul3A_427 = arith.constant 4 : i32
      %mul3A_428 = arith.muli %add3A, %mul3A_427 : i32
      %add3A_429 = arith.addi %mul3A_426, %mul3A_428 : i32
      %mul3A_430 = arith.constant 1024 : i32
      %mul3A_431 = arith.muli %add3A_429, %mul3A_430 : i32
      %dma_start3A_432 = arith.constant 8192 : i32
      %dma_start3A_433 = tpu.memref_slice %arg10[%dma_start3A_432] : memref<16384xf32, #tpu.memory_space<vmem>> -> memref<4096xf32, #tpu.memory_space<vmem>>
      %dma_start3A_434 = tpu.memref_slice %arg4[%mul3A_431] : memref<52428800xf32, #tpu.memory_space<hbm>> -> memref<4096xf32, #tpu.memory_space<hbm>>
      %dma_start3A_435 = tpu.memref_slice %arg4[%mul3A_431] : memref<52428800xf32, #tpu.memory_space<hbm>> -> memref<4096xf32, #tpu.memory_space<hbm>>
      %dma_start3A_436 = arith.constant 8192 : i32
      %dma_start3A_437 = tpu.memref_slice %arg10[%dma_start3A_436] : memref<16384xf32, #tpu.memory_space<vmem>> -> memref<4096xf32, #tpu.memory_space<vmem>>
      tpu.enqueue_dma source(%dma_start3A_437 : memref<4096xf32, #tpu.memory_space<vmem>>) target(%dma_start3A_435 : memref<4096xf32, #tpu.memory_space<hbm>>) target_semaphore(%arg16 : memref<!tpu.dma_semaphore, #tpu.memory_space<semaphore_mem>>)
      %mul3A_438 = arith.constant 4 : i32
      %mul3A_439 = arith.muli %add3A_371, %mul3A_438 : i32
      %add3A_440 = arith.constant 3 : i32
      %add3A_441 = arith.addi %mul3A_439, %add3A_440 : i32
      %mul3A_442 = arith.constant 128 : i32
      %mul3A_443 = arith.muli %add3A_441, %mul3A_442 : i32
      %mul3A_444 = arith.constant 4 : i32
      %mul3A_445 = arith.muli %add3A, %mul3A_444 : i32
      %add3A_446 = arith.addi %mul3A_443, %mul3A_445 : i32
      %mul3A_447 = arith.constant 1024 : i32
      %mul3A_448 = arith.muli %add3A_446, %mul3A_447 : i32
      %dma_start3A_449 = arith.constant 12288 : i32
      %dma_start3A_450 = tpu.memref_slice %arg10[%dma_start3A_449] : memref<16384xf32, #tpu.memory_space<vmem>> -> memref<4096xf32, #tpu.memory_space<vmem>>
      %dma_start3A_451 = tpu.memref_slice %arg4[%mul3A_448] : memref<52428800xf32, #tpu.memory_space<hbm>> -> memref<4096xf32, #tpu.memory_space<hbm>>
      %dma_start3A_452 = tpu.memref_slice %arg4[%mul3A_448] : memref<52428800xf32, #tpu.memory_space<hbm>> -> memref<4096xf32, #tpu.memory_space<hbm>>
      %dma_start3A_453 = arith.constant 12288 : i32
      %dma_start3A_454 = tpu.memref_slice %arg10[%dma_start3A_453] : memref<16384xf32, #tpu.memory_space<vmem>> -> memref<4096xf32, #tpu.memory_space<vmem>>
      tpu.enqueue_dma source(%dma_start3A_454 : memref<4096xf32, #tpu.memory_space<vmem>>) target(%dma_start3A_452 : memref<4096xf32, #tpu.memory_space<hbm>>) target_semaphore(%arg16 : memref<!tpu.dma_semaphore, #tpu.memory_space<semaphore_mem>>)
      %add3A_455 = arith.constant 2 : i32
      %add3A_456 = arith.addi %add3A_371, %add3A_455 : i32
      %mul3A_457 = arith.constant 16384 : i32
      %mul3A_458 = arith.muli %add3A_456, %mul3A_457 : i32
      %add3A_459 = arith.addi %mul3A_458, %mul3A_2 : i32
      %dma_start3A_460 = tpu.memref_slice %arg2[%add3A_459] : memref<1638400xi32, #tpu.memory_space<hbm>> -> memref<512xi32, #tpu.memory_space<hbm>>
      %dma_start3A_461 = tpu.memref_slice %arg2[%add3A_459] : memref<1638400xi32, #tpu.memory_space<hbm>> -> memref<512xi32, #tpu.memory_space<hbm>>
      tpu.enqueue_dma source(%dma_start3A_461 : memref<512xi32, #tpu.memory_space<hbm>>) target(%arg6 : memref<512xi32, #tpu.memory_space<vmem>>) target_semaphore(%arg12 : memref<!tpu.dma_semaphore, #tpu.memory_space<semaphore_mem>>)
    }
    %scan3A_143 = arith.constant 48 : i32
    %dma_wait3A_144 = arith.constant 0 : i32
    %dma_wait3A_145 = arith.constant 0 : i32
    %dma_wait3A_146 = tpu.memref_slice %arg3[%dma_wait3A_144, %dma_wait3A_145] : memref<1000000x32xf32, #tpu.memory_space<hbm>> -> memref<1000000x32xf32, #tpu.memory_space<hbm>>
    tpu.wait_indirect_dma semaphore(%arg13 : memref<!tpu.dma_semaphore, #tpu.memory_space<semaphore_mem>>) src(%dma_wait3A_146 : memref<1000000x32xf32, #tpu.memory_space<hbm>>) dst(%arg7 : memref<512x32xf32, #tpu.memory_space<vmem>>)
    %dma_wait3A_147 = tpu.memref_slice %arg2[%mul3A_2] : memref<1638400xi32, #tpu.memory_space<hbm>> -> memref<512xi32, #tpu.memory_space<hbm>>
    %dma_wait3A_148 = tpu.memref_slice %arg2[%mul3A_2] : memref<1638400xi32, #tpu.memory_space<hbm>> -> memref<512xi32, #tpu.memory_space<hbm>>
    tpu.wait_dma2 semaphore(%arg12 : memref<!tpu.dma_semaphore, #tpu.memory_space<semaphore_mem>>) src(%dma_wait3A_148 : memref<512xi32, #tpu.memory_space<hbm>>) dst(%arg6 : memref<512xi32, #tpu.memory_space<vmem>>)
    %dma_start3A_149 = arith.constant 0 : i32
    %dma_start3A_150 = arith.constant 0 : i32
    %dma_start3A_151 = tpu.memref_slice %arg3[%dma_start3A_149, %dma_start3A_150] : memref<1000000x32xf32, #tpu.memory_space<hbm>> -> memref<1000000x32xf32, #tpu.memory_space<hbm>>
    tpu.enqueue_indirect_dma source(%dma_start3A_151 : memref<1000000x32xf32, #tpu.memory_space<hbm>>) target(%arg8 : memref<512x32xf32, #tpu.memory_space<vmem>>) offsets(%arg6 : memref<512xi32, #tpu.memory_space<vmem>>) semaphore(%arg14 : memref<!tpu.dma_semaphore, #tpu.memory_space<semaphore_mem>>)
    %dma_wait3A_152 = arith.constant 0 : i32
    %dma_wait3A_153 = tpu.memref_slice %arg4[%dma_wait3A_152] : memref<52428800xf32, #tpu.memory_space<hbm>> -> memref<16384xf32, #tpu.memory_space<hbm>>
    %dma_wait3A_154 = arith.constant 0 : i32
    %dma_wait3A_155 = tpu.memref_slice %arg4[%dma_wait3A_154] : memref<52428800xf32, #tpu.memory_space<hbm>> -> memref<16384xf32, #tpu.memory_space<hbm>>
    tpu.wait_dma2 semaphore(%arg15 : memref<!tpu.dma_semaphore, #tpu.memory_space<semaphore_mem>>) src(%dma_wait3A_155 : memref<16384xf32, #tpu.memory_space<hbm>>) dst(%arg9 : memref<16384xf32, #tpu.memory_space<vmem>>)
    %parallel_loop3A_156 = arith.constant 0 : i32
    %parallel_loop3A_157 = arith.constant 512 : i32
    %parallel_loop3A_158 = arith.constant 1 : i32
    scf.for %parallel_loop3A_273 = %parallel_loop3A_156 to %parallel_loop3A_157 step %parallel_loop3A_158  : i32 {
      %parallel_loop3A_274 = arith.constant 128 : i32
      %parallel_loop3A_275 = arith.divsi %parallel_loop3A_273, %parallel_loop3A_274 : i32
      %parallel_loop3A_276 = arith.constant 0 : i32
      %parallel_loop3A_277 = arith.cmpi sgt, %parallel_loop3A_273, %parallel_loop3A_276 : i32
      %parallel_loop3A_278 = arith.extui %parallel_loop3A_277 : i1 to i32
      %parallel_loop3A_279 = arith.constant 0 : i32
      %parallel_loop3A_280 = arith.cmpi slt, %parallel_loop3A_273, %parallel_loop3A_279 : i32
      %parallel_loop3A_281 = arith.extui %parallel_loop3A_280 : i1 to i32
      %parallel_loop3A_282 = arith.subi %parallel_loop3A_278, %parallel_loop3A_281 : i32
      %parallel_loop3A_283 = arith.constant 0 : i32
      %parallel_loop3A_284 = arith.cmpi sgt, %parallel_loop3A_274, %parallel_loop3A_283 : i32
      %parallel_loop3A_285 = arith.extui %parallel_loop3A_284 : i1 to i32
      %parallel_loop3A_286 = arith.constant 0 : i32
      %parallel_loop3A_287 = arith.cmpi slt, %parallel_loop3A_274, %parallel_loop3A_286 : i32
      %parallel_loop3A_288 = arith.extui %parallel_loop3A_287 : i1 to i32
      %parallel_loop3A_289 = arith.subi %parallel_loop3A_285, %parallel_loop3A_288 : i32
      %parallel_loop3A_290 = arith.cmpi ne, %parallel_loop3A_282, %parallel_loop3A_289 : i32
      %parallel_loop3A_291 = arith.remsi %parallel_loop3A_273, %parallel_loop3A_274 : i32
      %parallel_loop3A_292 = arith.constant 0 : i32
      %parallel_loop3A_293 = arith.cmpi ne, %parallel_loop3A_291, %parallel_loop3A_292 : i32
      %parallel_loop3A_294 = arith.andi %parallel_loop3A_290, %parallel_loop3A_293 : i1
      %parallel_loop3A_295 = arith.constant 1 : i32
      %parallel_loop3A_296 = arith.subi %parallel_loop3A_275, %parallel_loop3A_295 : i32
      %parallel_loop3A_297 = arith.select %parallel_loop3A_294, %parallel_loop3A_296, %parallel_loop3A_275 : i32
      %parallel_loop3A_298 = arith.constant 1024 : i32
      %parallel_loop3A_299 = arith.muli %parallel_loop3A_297, %parallel_loop3A_298 : i32
      %parallel_loop3A_300 = arith.constant 128 : i32
      %parallel_loop3A_301 = arith.constant 0 : i32
      %parallel_loop3A_302 = arith.cmpi eq, %parallel_loop3A_300, %parallel_loop3A_301 : i32
      %parallel_loop3A_303 = arith.constant 1 : i32
      %parallel_loop3A_304 = arith.select %parallel_loop3A_302, %parallel_loop3A_303, %parallel_loop3A_300 : i32
      %parallel_loop3A_305 = arith.remsi %parallel_loop3A_273, %parallel_loop3A_304 : i32
      %parallel_loop3A_306 = arith.constant 0 : i32
      %parallel_loop3A_307 = arith.cmpi ne, %parallel_loop3A_305, %parallel_loop3A_306 : i32
      %parallel_loop3A_308 = arith.constant 0 : i32
      %parallel_loop3A_309 = arith.cmpi slt, %parallel_loop3A_305, %parallel_loop3A_308 : i32
      %parallel_loop3A_310 = arith.constant 0 : i32
      %parallel_loop3A_311 = arith.cmpi slt, %parallel_loop3A_304, %parallel_loop3A_310 : i32
      %parallel_loop3A_312 = arith.xori %parallel_loop3A_309, %parallel_loop3A_311 : i1
      %parallel_loop3A_313 = arith.andi %parallel_loop3A_312, %parallel_loop3A_307 : i1
      %parallel_loop3A_314 = arith.addi %parallel_loop3A_305, %parallel_loop3A_304 : i32
      %parallel_loop3A_315 = arith.select %parallel_loop3A_313, %parallel_loop3A_314, %parallel_loop3A_305 : i32
      %parallel_loop3A_316 = arith.addi %parallel_loop3A_299, %parallel_loop3A_315 : i32
      %parallel_loop3A_317 = vector.broadcast %parallel_loop3A_316 : i32 to vector<16xi32>
      %parallel_loop3A_318 = arith.constant 0 : i32
      %parallel_loop3A_319 = vector.broadcast %parallel_loop3A_318 : i32 to vector<16xi32>
      %parallel_loop3A_320 = arith.addi %parallel_loop3A_319, %iota3A : vector<16xi32>
      %parallel_loop3A_321 = arith.constant 8 : i32
      %parallel_loop3A_322 = vector.broadcast %parallel_loop3A_321 : i32 to vector<16xi32>
      %parallel_loop3A_323 = arith.divsi %parallel_loop3A_320, %parallel_loop3A_322 : vector<16xi32>
      %parallel_loop3A_324 = arith.constant 0 : i32
      %parallel_loop3A_325 = vector.broadcast %parallel_loop3A_324 : i32 to vector<16xi32>
      %parallel_loop3A_326 = arith.cmpi sgt, %parallel_loop3A_320, %parallel_loop3A_325 : vector<16xi32>
      %parallel_loop3A_327 = arith.extui %parallel_loop3A_326 : vector<16xi1> to vector<16xi32>
      %parallel_loop3A_328 = arith.constant 0 : i32
      %parallel_loop3A_329 = vector.broadcast %parallel_loop3A_328 : i32 to vector<16xi32>
      %parallel_loop3A_330 = arith.cmpi slt, %parallel_loop3A_320, %parallel_loop3A_329 : vector<16xi32>
      %parallel_loop3A_331 = arith.extui %parallel_loop3A_330 : vector<16xi1> to vector<16xi32>
      %parallel_loop3A_332 = arith.subi %parallel_loop3A_327, %parallel_loop3A_331 : vector<16xi32>
      %parallel_loop3A_333 = arith.constant 0 : i32
      %parallel_loop3A_334 = arith.cmpi sgt, %parallel_loop3A_321, %parallel_loop3A_333 : i32
      %parallel_loop3A_335 = arith.extui %parallel_loop3A_334 : i1 to i32
      %parallel_loop3A_336 = arith.constant 0 : i32
      %parallel_loop3A_337 = arith.cmpi slt, %parallel_loop3A_321, %parallel_loop3A_336 : i32
      %parallel_loop3A_338 = arith.extui %parallel_loop3A_337 : i1 to i32
      %parallel_loop3A_339 = arith.subi %parallel_loop3A_335, %parallel_loop3A_338 : i32
      %parallel_loop3A_340 = vector.broadcast %parallel_loop3A_339 : i32 to vector<16xi32>
      %parallel_loop3A_341 = arith.cmpi ne, %parallel_loop3A_332, %parallel_loop3A_340 : vector<16xi32>
      %parallel_loop3A_342 = vector.broadcast %parallel_loop3A_321 : i32 to vector<16xi32>
      %parallel_loop3A_343 = arith.remsi %parallel_loop3A_320, %parallel_loop3A_342 : vector<16xi32>
      %parallel_loop3A_344 = arith.constant 0 : i32
      %parallel_loop3A_345 = vector.broadcast %parallel_loop3A_344 : i32 to vector<16xi32>
      %parallel_loop3A_346 = arith.cmpi ne, %parallel_loop3A_343, %parallel_loop3A_345 : vector<16xi32>
      %parallel_loop3A_347 = arith.andi %parallel_loop3A_341, %parallel_loop3A_346 : vector<16xi1>
      %parallel_loop3A_348 = arith.constant 1 : i32
      %parallel_loop3A_349 = vector.broadcast %parallel_loop3A_348 : i32 to vector<16xi32>
      %parallel_loop3A_350 = arith.subi %parallel_loop3A_323, %parallel_loop3A_349 : vector<16xi32>
      %parallel_loop3A_351 = arith.select %parallel_loop3A_347, %parallel_loop3A_350, %parallel_loop3A_323 : vector<16xi1>, vector<16xi32>
      %parallel_loop3A_352 = arith.constant 4096 : i32
      %parallel_loop3A_353 = vector.broadcast %parallel_loop3A_352 : i32 to vector<16xi32>
      %parallel_loop3A_354 = arith.muli %parallel_loop3A_351, %parallel_loop3A_353 : vector<16xi32>
      %parallel_loop3A_355 = arith.constant 8 : i32
      %parallel_loop3A_356 = arith.constant 0 : i32
      %parallel_loop3A_357 = arith.cmpi eq, %parallel_loop3A_355, %parallel_loop3A_356 : i32
      %parallel_loop3A_358 = arith.constant 1 : i32
      %parallel_loop3A_359 = arith.select %parallel_loop3A_357, %parallel_loop3A_358, %parallel_loop3A_355 : i32
      %parallel_loop3A_360 = vector.broadcast %parallel_loop3A_359 : i32 to vector<16xi32>
      %parallel_loop3A_361 = arith.remsi %parallel_loop3A_320, %parallel_loop3A_360 : vector<16xi32>
      %parallel_loop3A_362 = arith.constant 0 : i32
      %parallel_loop3A_363 = vector.broadcast %parallel_loop3A_362 : i32 to vector<16xi32>
      %parallel_loop3A_364 = arith.cmpi ne, %parallel_loop3A_361, %parallel_loop3A_363 : vector<16xi32>
      %parallel_loop3A_365 = arith.constant 0 : i32
      %parallel_loop3A_366 = vector.broadcast %parallel_loop3A_365 : i32 to vector<16xi32>
      %parallel_loop3A_367 = arith.cmpi slt, %parallel_loop3A_361, %parallel_loop3A_366 : vector<16xi32>
      %parallel_loop3A_368 = arith.constant 0 : i32
      %parallel_loop3A_369 = arith.cmpi slt, %parallel_loop3A_359, %parallel_loop3A_368 : i32
      %parallel_loop3A_370 = vector.broadcast %parallel_loop3A_369 : i1 to vector<16xi1>
      %parallel_loop3A_371 = vector.broadcast %parallel_loop3A_370 : vector<16xi1> to vector<16xi1>
      %parallel_loop3A_372 = arith.xori %parallel_loop3A_367, %parallel_loop3A_371 : vector<16xi1>
      %parallel_loop3A_373 = arith.andi %parallel_loop3A_372, %parallel_loop3A_364 : vector<16xi1>
      %parallel_loop3A_374 = vector.broadcast %parallel_loop3A_359 : i32 to vector<16xi32>
      %parallel_loop3A_375 = arith.addi %parallel_loop3A_361, %parallel_loop3A_374 : vector<16xi32>
      %parallel_loop3A_376 = arith.select %parallel_loop3A_373, %parallel_loop3A_375, %parallel_loop3A_361 : vector<16xi1>, vector<16xi32>
      %parallel_loop3A_377 = arith.constant 128 : i32
      %parallel_loop3A_378 = vector.broadcast %parallel_loop3A_377 : i32 to vector<16xi32>
      %parallel_loop3A_379 = arith.muli %parallel_loop3A_376, %parallel_loop3A_378 : vector<16xi32>
      %parallel_loop3A_380 = arith.addi %parallel_loop3A_354, %parallel_loop3A_379 : vector<16xi32>
      %parallel_loop3A_381 = arith.index_cast %parallel_loop3A_273 : i32 to index
      %parallel_loop3A_382 = arith.constant 0 : index
      %parallel_loop3A_383 = tpu.vector_load %arg7[%parallel_loop3A_381, %parallel_loop3A_382] {strides = array<i32>} : memref<512x32xf32, #tpu.memory_space<vmem>>, vector<16xf32>,
      %parallel_loop3A_384 = arith.addi %parallel_loop3A_380, %parallel_loop3A_317 : vector<16xi32>
      tpu.vector_store_idx %arg9[%parallel_loop3A_384], %parallel_loop3A_383 : memref<16384xf32, #tpu.memory_space<vmem>>[vector<16xi32>], vector<16xf32>,
      %parallel_loop3A_385 = arith.constant 16 : i32
      %parallel_loop3A_386 = vector.broadcast %parallel_loop3A_385 : i32 to vector<16xi32>
      %parallel_loop3A_387 = arith.addi %parallel_loop3A_386, %iota3A : vector<16xi32>
      %parallel_loop3A_388 = arith.constant 8 : i32
      %parallel_loop3A_389 = vector.broadcast %parallel_loop3A_388 : i32 to vector<16xi32>
      %parallel_loop3A_390 = arith.divsi %parallel_loop3A_387, %parallel_loop3A_389 : vector<16xi32>
      %parallel_loop3A_391 = arith.constant 0 : i32
      %parallel_loop3A_392 = vector.broadcast %parallel_loop3A_391 : i32 to vector<16xi32>
      %parallel_loop3A_393 = arith.cmpi sgt, %parallel_loop3A_387, %parallel_loop3A_392 : vector<16xi32>
      %parallel_loop3A_394 = arith.extui %parallel_loop3A_393 : vector<16xi1> to vector<16xi32>
      %parallel_loop3A_395 = arith.constant 0 : i32
      %parallel_loop3A_396 = vector.broadcast %parallel_loop3A_395 : i32 to vector<16xi32>
      %parallel_loop3A_397 = arith.cmpi slt, %parallel_loop3A_387, %parallel_loop3A_396 : vector<16xi32>
      %parallel_loop3A_398 = arith.extui %parallel_loop3A_397 : vector<16xi1> to vector<16xi32>
      %parallel_loop3A_399 = arith.subi %parallel_loop3A_394, %parallel_loop3A_398 : vector<16xi32>
      %parallel_loop3A_400 = arith.constant 0 : i32
      %parallel_loop3A_401 = arith.cmpi sgt, %parallel_loop3A_388, %parallel_loop3A_400 : i32
      %parallel_loop3A_402 = arith.extui %parallel_loop3A_401 : i1 to i32
      %parallel_loop3A_403 = arith.constant 0 : i32
      %parallel_loop3A_404 = arith.cmpi slt, %parallel_loop3A_388, %parallel_loop3A_403 : i32
      %parallel_loop3A_405 = arith.extui %parallel_loop3A_404 : i1 to i32
      %parallel_loop3A_406 = arith.subi %parallel_loop3A_402, %parallel_loop3A_405 : i32
      %parallel_loop3A_407 = vector.broadcast %parallel_loop3A_406 : i32 to vector<16xi32>
      %parallel_loop3A_408 = arith.cmpi ne, %parallel_loop3A_399, %parallel_loop3A_407 : vector<16xi32>
      %parallel_loop3A_409 = vector.broadcast %parallel_loop3A_388 : i32 to vector<16xi32>
      %parallel_loop3A_410 = arith.remsi %parallel_loop3A_387, %parallel_loop3A_409 : vector<16xi32>
      %parallel_loop3A_411 = arith.constant 0 : i32
      %parallel_loop3A_412 = vector.broadcast %parallel_loop3A_411 : i32 to vector<16xi32>
      %parallel_loop3A_413 = arith.cmpi ne, %parallel_loop3A_410, %parallel_loop3A_412 : vector<16xi32>
      %parallel_loop3A_414 = arith.andi %parallel_loop3A_408, %parallel_loop3A_413 : vector<16xi1>
      %parallel_loop3A_415 = arith.constant 1 : i32
      %parallel_loop3A_416 = vector.broadcast %parallel_loop3A_415 : i32 to vector<16xi32>
      %parallel_loop3A_417 = arith.subi %parallel_loop3A_390, %parallel_loop3A_416 : vector<16xi32>
      %parallel_loop3A_418 = arith.select %parallel_loop3A_414, %parallel_loop3A_417, %parallel_loop3A_390 : vector<16xi1>, vector<16xi32>
      %parallel_loop3A_419 = arith.constant 4096 : i32
      %parallel_loop3A_420 = vector.broadcast %parallel_loop3A_419 : i32 to vector<16xi32>
      %parallel_loop3A_421 = arith.muli %parallel_loop3A_418, %parallel_loop3A_420 : vector<16xi32>
      %parallel_loop3A_422 = arith.constant 8 : i32
      %parallel_loop3A_423 = arith.constant 0 : i32
      %parallel_loop3A_424 = arith.cmpi eq, %parallel_loop3A_422, %parallel_loop3A_423 : i32
      %parallel_loop3A_425 = arith.constant 1 : i32
      %parallel_loop3A_426 = arith.select %parallel_loop3A_424, %parallel_loop3A_425, %parallel_loop3A_422 : i32
      %parallel_loop3A_427 = vector.broadcast %parallel_loop3A_426 : i32 to vector<16xi32>
      %parallel_loop3A_428 = arith.remsi %parallel_loop3A_387, %parallel_loop3A_427 : vector<16xi32>
      %parallel_loop3A_429 = arith.constant 0 : i32
      %parallel_loop3A_430 = vector.broadcast %parallel_loop3A_429 : i32 to vector<16xi32>
      %parallel_loop3A_431 = arith.cmpi ne, %parallel_loop3A_428, %parallel_loop3A_430 : vector<16xi32>
      %parallel_loop3A_432 = arith.constant 0 : i32
      %parallel_loop3A_433 = vector.broadcast %parallel_loop3A_432 : i32 to vector<16xi32>
      %parallel_loop3A_434 = arith.cmpi slt, %parallel_loop3A_428, %parallel_loop3A_433 : vector<16xi32>
      %parallel_loop3A_435 = arith.constant 0 : i32
      %parallel_loop3A_436 = arith.cmpi slt, %parallel_loop3A_426, %parallel_loop3A_435 : i32
      %parallel_loop3A_437 = vector.broadcast %parallel_loop3A_436 : i1 to vector<16xi1>
      %parallel_loop3A_438 = vector.broadcast %parallel_loop3A_437 : vector<16xi1> to vector<16xi1>
      %parallel_loop3A_439 = arith.xori %parallel_loop3A_434, %parallel_loop3A_438 : vector<16xi1>
      %parallel_loop3A_440 = arith.andi %parallel_loop3A_439, %parallel_loop3A_431 : vector<16xi1>
      %parallel_loop3A_441 = vector.broadcast %parallel_loop3A_426 : i32 to vector<16xi32>
      %parallel_loop3A_442 = arith.addi %parallel_loop3A_428, %parallel_loop3A_441 : vector<16xi32>
      %parallel_loop3A_443 = arith.select %parallel_loop3A_440, %parallel_loop3A_442, %parallel_loop3A_428 : vector<16xi1>, vector<16xi32>
      %parallel_loop3A_444 = arith.constant 128 : i32
      %parallel_loop3A_445 = vector.broadcast %parallel_loop3A_444 : i32 to vector<16xi32>
      %parallel_loop3A_446 = arith.muli %parallel_loop3A_443, %parallel_loop3A_445 : vector<16xi32>
      %parallel_loop3A_447 = arith.addi %parallel_loop3A_421, %parallel_loop3A_446 : vector<16xi32>
      %parallel_loop3A_448 = arith.index_cast %parallel_loop3A_273 : i32 to index
      %parallel_loop3A_449 = arith.constant 16 : index
      %parallel_loop3A_450 = tpu.vector_load %arg7[%parallel_loop3A_448, %parallel_loop3A_449] {strides = array<i32>} : memref<512x32xf32, #tpu.memory_space<vmem>>, vector<16xf32>,
      %parallel_loop3A_451 = arith.addi %parallel_loop3A_447, %parallel_loop3A_317 : vector<16xi32>
      tpu.vector_store_idx %arg9[%parallel_loop3A_451], %parallel_loop3A_450 : memref<16384xf32, #tpu.memory_space<vmem>>[vector<16xi32>], vector<16xf32>,
    } {sc.loop_unroll_factor = 16 : i64, sc.parallel_access}
    %mul3A_159 = arith.constant 4 : i32
    %mul3A_160 = arith.muli %add3A, %mul3A_159 : i32
    %add3A_161 = arith.constant 50176 : i32
    %add3A_162 = arith.addi %add3A_161, %mul3A_160 : i32
    %mul3A_163 = arith.constant 1024 : i32
    %mul3A_164 = arith.muli %add3A_162, %mul3A_163 : i32
    %dma_start3A_165 = arith.constant 0 : i32
    %dma_start3A_166 = tpu.memref_slice %arg9[%dma_start3A_165] : memref<16384xf32, #tpu.memory_space<vmem>> -> memref<4096xf32, #tpu.memory_space<vmem>>
    %dma_start3A_167 = tpu.memref_slice %arg4[%mul3A_164] : memref<52428800xf32, #tpu.memory_space<hbm>> -> memref<4096xf32, #tpu.memory_space<hbm>>
    %dma_start3A_168 = tpu.memref_slice %arg4[%mul3A_164] : memref<52428800xf32, #tpu.memory_space<hbm>> -> memref<4096xf32, #tpu.memory_space<hbm>>
    %dma_start3A_169 = arith.constant 0 : i32
    %dma_start3A_170 = tpu.memref_slice %arg9[%dma_start3A_169] : memref<16384xf32, #tpu.memory_space<vmem>> -> memref<4096xf32, #tpu.memory_space<vmem>>
    tpu.enqueue_dma source(%dma_start3A_170 : memref<4096xf32, #tpu.memory_space<vmem>>) target(%dma_start3A_168 : memref<4096xf32, #tpu.memory_space<hbm>>) target_semaphore(%arg15 : memref<!tpu.dma_semaphore, #tpu.memory_space<semaphore_mem>>)
    %mul3A_171 = arith.constant 4 : i32
    %mul3A_172 = arith.muli %add3A, %mul3A_171 : i32
    %add3A_173 = arith.constant 50304 : i32
    %add3A_174 = arith.addi %add3A_173, %mul3A_172 : i32
    %mul3A_175 = arith.constant 1024 : i32
    %mul3A_176 = arith.muli %add3A_174, %mul3A_175 : i32
    %dma_start3A_177 = arith.constant 4096 : i32
    %dma_start3A_178 = tpu.memref_slice %arg9[%dma_start3A_177] : memref<16384xf32, #tpu.memory_space<vmem>> -> memref<4096xf32, #tpu.memory_space<vmem>>
    %dma_start3A_179 = tpu.memref_slice %arg4[%mul3A_176] : memref<52428800xf32, #tpu.memory_space<hbm>> -> memref<4096xf32, #tpu.memory_space<hbm>>
    %dma_start3A_180 = tpu.memref_slice %arg4[%mul3A_176] : memref<52428800xf32, #tpu.memory_space<hbm>> -> memref<4096xf32, #tpu.memory_space<hbm>>
    %dma_start3A_181 = arith.constant 4096 : i32
    %dma_start3A_182 = tpu.memref_slice %arg9[%dma_start3A_181] : memref<16384xf32, #tpu.memory_space<vmem>> -> memref<4096xf32, #tpu.memory_space<vmem>>
    tpu.enqueue_dma source(%dma_start3A_182 : memref<4096xf32, #tpu.memory_space<vmem>>) target(%dma_start3A_180 : memref<4096xf32, #tpu.memory_space<hbm>>) target_semaphore(%arg15 : memref<!tpu.dma_semaphore, #tpu.memory_space<semaphore_mem>>)
    %mul3A_183 = arith.constant 4 : i32
    %mul3A_184 = arith.muli %add3A, %mul3A_183 : i32
    %add3A_185 = arith.constant 50432 : i32
    %add3A_186 = arith.addi %add3A_185, %mul3A_184 : i32
    %mul3A_187 = arith.constant 1024 : i32
    %mul3A_188 = arith.muli %add3A_186, %mul3A_187 : i32
    %dma_start3A_189 = arith.constant 8192 : i32
    %dma_start3A_190 = tpu.memref_slice %arg9[%dma_start3A_189] : memref<16384xf32, #tpu.memory_space<vmem>> -> memref<4096xf32, #tpu.memory_space<vmem>>
    %dma_start3A_191 = tpu.memref_slice %arg4[%mul3A_188] : memref<52428800xf32, #tpu.memory_space<hbm>> -> memref<4096xf32, #tpu.memory_space<hbm>>
    %dma_start3A_192 = tpu.memref_slice %arg4[%mul3A_188] : memref<52428800xf32, #tpu.memory_space<hbm>> -> memref<4096xf32, #tpu.memory_space<hbm>>
    %dma_start3A_193 = arith.constant 8192 : i32
    %dma_start3A_194 = tpu.memref_slice %arg9[%dma_start3A_193] : memref<16384xf32, #tpu.memory_space<vmem>> -> memref<4096xf32, #tpu.memory_space<vmem>>
    tpu.enqueue_dma source(%dma_start3A_194 : memref<4096xf32, #tpu.memory_space<vmem>>) target(%dma_start3A_192 : memref<4096xf32, #tpu.memory_space<hbm>>) target_semaphore(%arg15 : memref<!tpu.dma_semaphore, #tpu.memory_space<semaphore_mem>>)
    %mul3A_195 = arith.constant 4 : i32
    %mul3A_196 = arith.muli %add3A, %mul3A_195 : i32
    %add3A_197 = arith.constant 50560 : i32
    %add3A_198 = arith.addi %add3A_197, %mul3A_196 : i32
    %mul3A_199 = arith.constant 1024 : i32
    %mul3A_200 = arith.muli %add3A_198, %mul3A_199 : i32
    %dma_start3A_201 = arith.constant 12288 : i32
    %dma_start3A_202 = tpu.memref_slice %arg9[%dma_start3A_201] : memref<16384xf32, #tpu.memory_space<vmem>> -> memref<4096xf32, #tpu.memory_space<vmem>>
    %dma_start3A_203 = tpu.memref_slice %arg4[%mul3A_200] : memref<52428800xf32, #tpu.memory_space<hbm>> -> memref<4096xf32, #tpu.memory_space<hbm>>
    %dma_start3A_204 = tpu.memref_slice %arg4[%mul3A_200] : memref<52428800xf32, #tpu.memory_space<hbm>> -> memref<4096xf32, #tpu.memory_space<hbm>>
    %dma_start3A_205 = arith.constant 12288 : i32
    %dma_start3A_206 = tpu.memref_slice %arg9[%dma_start3A_205] : memref<16384xf32, #tpu.memory_space<vmem>> -> memref<4096xf32, #tpu.memory_space<vmem>>
    tpu.enqueue_dma source(%dma_start3A_206 : memref<4096xf32, #tpu.memory_space<vmem>>) target(%dma_start3A_204 : memref<4096xf32, #tpu.memory_space<hbm>>) target_semaphore(%arg15 : memref<!tpu.dma_semaphore, #tpu.memory_space<semaphore_mem>>)
    %dma_wait3A_207 = arith.constant 0 : i32
    %dma_wait3A_208 = arith.constant 0 : i32
    %dma_wait3A_209 = tpu.memref_slice %arg3[%dma_wait3A_207, %dma_wait3A_208] : memref<1000000x32xf32, #tpu.memory_space<hbm>> -> memref<1000000x32xf32, #tpu.memory_space<hbm>>
    tpu.wait_indirect_dma semaphore(%arg14 : memref<!tpu.dma_semaphore, #tpu.memory_space<semaphore_mem>>) src(%dma_wait3A_209 : memref<1000000x32xf32, #tpu.memory_space<hbm>>) dst(%arg8 : memref<512x32xf32, #tpu.memory_space<vmem>>)
    %dma_wait3A_210 = arith.constant 0 : i32
    %dma_wait3A_211 = tpu.memref_slice %arg4[%dma_wait3A_210] : memref<52428800xf32, #tpu.memory_space<hbm>> -> memref<16384xf32, #tpu.memory_space<hbm>>
    %dma_wait3A_212 = arith.constant 0 : i32
    %dma_wait3A_213 = tpu.memref_slice %arg4[%dma_wait3A_212] : memref<52428800xf32, #tpu.memory_space<hbm>> -> memref<16384xf32, #tpu.memory_space<hbm>>
    tpu.wait_dma2 semaphore(%arg16 : memref<!tpu.dma_semaphore, #tpu.memory_space<semaphore_mem>>) src(%dma_wait3A_213 : memref<16384xf32, #tpu.memory_space<hbm>>) dst(%arg10 : memref<16384xf32, #tpu.memory_space<vmem>>)
    %parallel_loop3A_214 = arith.constant 0 : i32
    %parallel_loop3A_215 = arith.constant 512 : i32
    %parallel_loop3A_216 = arith.constant 1 : i32
    scf.for %parallel_loop3A_273 = %parallel_loop3A_214 to %parallel_loop3A_215 step %parallel_loop3A_216  : i32 {
      %parallel_loop3A_274 = arith.constant 128 : i32
      %parallel_loop3A_275 = arith.divsi %parallel_loop3A_273, %parallel_loop3A_274 : i32
      %parallel_loop3A_276 = arith.constant 0 : i32
      %parallel_loop3A_277 = arith.cmpi sgt, %parallel_loop3A_273, %parallel_loop3A_276 : i32
      %parallel_loop3A_278 = arith.extui %parallel_loop3A_277 : i1 to i32
      %parallel_loop3A_279 = arith.constant 0 : i32
      %parallel_loop3A_280 = arith.cmpi slt, %parallel_loop3A_273, %parallel_loop3A_279 : i32
      %parallel_loop3A_281 = arith.extui %parallel_loop3A_280 : i1 to i32
      %parallel_loop3A_282 = arith.subi %parallel_loop3A_278, %parallel_loop3A_281 : i32
      %parallel_loop3A_283 = arith.constant 0 : i32
      %parallel_loop3A_284 = arith.cmpi sgt, %parallel_loop3A_274, %parallel_loop3A_283 : i32
      %parallel_loop3A_285 = arith.extui %parallel_loop3A_284 : i1 to i32
      %parallel_loop3A_286 = arith.constant 0 : i32
      %parallel_loop3A_287 = arith.cmpi slt, %parallel_loop3A_274, %parallel_loop3A_286 : i32
      %parallel_loop3A_288 = arith.extui %parallel_loop3A_287 : i1 to i32
      %parallel_loop3A_289 = arith.subi %parallel_loop3A_285, %parallel_loop3A_288 : i32
      %parallel_loop3A_290 = arith.cmpi ne, %parallel_loop3A_282, %parallel_loop3A_289 : i32
      %parallel_loop3A_291 = arith.remsi %parallel_loop3A_273, %parallel_loop3A_274 : i32
      %parallel_loop3A_292 = arith.constant 0 : i32
      %parallel_loop3A_293 = arith.cmpi ne, %parallel_loop3A_291, %parallel_loop3A_292 : i32
      %parallel_loop3A_294 = arith.andi %parallel_loop3A_290, %parallel_loop3A_293 : i1
      %parallel_loop3A_295 = arith.constant 1 : i32
      %parallel_loop3A_296 = arith.subi %parallel_loop3A_275, %parallel_loop3A_295 : i32
      %parallel_loop3A_297 = arith.select %parallel_loop3A_294, %parallel_loop3A_296, %parallel_loop3A_275 : i32
      %parallel_loop3A_298 = arith.constant 1024 : i32
      %parallel_loop3A_299 = arith.muli %parallel_loop3A_297, %parallel_loop3A_298 : i32
      %parallel_loop3A_300 = arith.constant 128 : i32
      %parallel_loop3A_301 = arith.constant 0 : i32
      %parallel_loop3A_302 = arith.cmpi eq, %parallel_loop3A_300, %parallel_loop3A_301 : i32
      %parallel_loop3A_303 = arith.constant 1 : i32
      %parallel_loop3A_304 = arith.select %parallel_loop3A_302, %parallel_loop3A_303, %parallel_loop3A_300 : i32
      %parallel_loop3A_305 = arith.remsi %parallel_loop3A_273, %parallel_loop3A_304 : i32
      %parallel_loop3A_306 = arith.constant 0 : i32
      %parallel_loop3A_307 = arith.cmpi ne, %parallel_loop3A_305, %parallel_loop3A_306 : i32
      %parallel_loop3A_308 = arith.constant 0 : i32
      %parallel_loop3A_309 = arith.cmpi slt, %parallel_loop3A_305, %parallel_loop3A_308 : i32
      %parallel_loop3A_310 = arith.constant 0 : i32
      %parallel_loop3A_311 = arith.cmpi slt, %parallel_loop3A_304, %parallel_loop3A_310 : i32
      %parallel_loop3A_312 = arith.xori %parallel_loop3A_309, %parallel_loop3A_311 : i1
      %parallel_loop3A_313 = arith.andi %parallel_loop3A_312, %parallel_loop3A_307 : i1
      %parallel_loop3A_314 = arith.addi %parallel_loop3A_305, %parallel_loop3A_304 : i32
      %parallel_loop3A_315 = arith.select %parallel_loop3A_313, %parallel_loop3A_314, %parallel_loop3A_305 : i32
      %parallel_loop3A_316 = arith.addi %parallel_loop3A_299, %parallel_loop3A_315 : i32
      %parallel_loop3A_317 = vector.broadcast %parallel_loop3A_316 : i32 to vector<16xi32>
      %parallel_loop3A_318 = arith.constant 0 : i32
      %parallel_loop3A_319 = vector.broadcast %parallel_loop3A_318 : i32 to vector<16xi32>
      %parallel_loop3A_320 = arith.addi %parallel_loop3A_319, %iota3A : vector<16xi32>
      %parallel_loop3A_321 = arith.constant 8 : i32
      %parallel_loop3A_322 = vector.broadcast %parallel_loop3A_321 : i32 to vector<16xi32>
      %parallel_loop3A_323 = arith.divsi %parallel_loop3A_320, %parallel_loop3A_322 : vector<16xi32>
      %parallel_loop3A_324 = arith.constant 0 : i32
      %parallel_loop3A_325 = vector.broadcast %parallel_loop3A_324 : i32 to vector<16xi32>
      %parallel_loop3A_326 = arith.cmpi sgt, %parallel_loop3A_320, %parallel_loop3A_325 : vector<16xi32>
      %parallel_loop3A_327 = arith.extui %parallel_loop3A_326 : vector<16xi1> to vector<16xi32>
      %parallel_loop3A_328 = arith.constant 0 : i32
      %parallel_loop3A_329 = vector.broadcast %parallel_loop3A_328 : i32 to vector<16xi32>
      %parallel_loop3A_330 = arith.cmpi slt, %parallel_loop3A_320, %parallel_loop3A_329 : vector<16xi32>
      %parallel_loop3A_331 = arith.extui %parallel_loop3A_330 : vector<16xi1> to vector<16xi32>
      %parallel_loop3A_332 = arith.subi %parallel_loop3A_327, %parallel_loop3A_331 : vector<16xi32>
      %parallel_loop3A_333 = arith.constant 0 : i32
      %parallel_loop3A_334 = arith.cmpi sgt, %parallel_loop3A_321, %parallel_loop3A_333 : i32
      %parallel_loop3A_335 = arith.extui %parallel_loop3A_334 : i1 to i32
      %parallel_loop3A_336 = arith.constant 0 : i32
      %parallel_loop3A_337 = arith.cmpi slt, %parallel_loop3A_321, %parallel_loop3A_336 : i32
      %parallel_loop3A_338 = arith.extui %parallel_loop3A_337 : i1 to i32
      %parallel_loop3A_339 = arith.subi %parallel_loop3A_335, %parallel_loop3A_338 : i32
      %parallel_loop3A_340 = vector.broadcast %parallel_loop3A_339 : i32 to vector<16xi32>
      %parallel_loop3A_341 = arith.cmpi ne, %parallel_loop3A_332, %parallel_loop3A_340 : vector<16xi32>
      %parallel_loop3A_342 = vector.broadcast %parallel_loop3A_321 : i32 to vector<16xi32>
      %parallel_loop3A_343 = arith.remsi %parallel_loop3A_320, %parallel_loop3A_342 : vector<16xi32>
      %parallel_loop3A_344 = arith.constant 0 : i32
      %parallel_loop3A_345 = vector.broadcast %parallel_loop3A_344 : i32 to vector<16xi32>
      %parallel_loop3A_346 = arith.cmpi ne, %parallel_loop3A_343, %parallel_loop3A_345 : vector<16xi32>
      %parallel_loop3A_347 = arith.andi %parallel_loop3A_341, %parallel_loop3A_346 : vector<16xi1>
      %parallel_loop3A_348 = arith.constant 1 : i32
      %parallel_loop3A_349 = vector.broadcast %parallel_loop3A_348 : i32 to vector<16xi32>
      %parallel_loop3A_350 = arith.subi %parallel_loop3A_323, %parallel_loop3A_349 : vector<16xi32>
      %parallel_loop3A_351 = arith.select %parallel_loop3A_347, %parallel_loop3A_350, %parallel_loop3A_323 : vector<16xi1>, vector<16xi32>
      %parallel_loop3A_352 = arith.constant 4096 : i32
      %parallel_loop3A_353 = vector.broadcast %parallel_loop3A_352 : i32 to vector<16xi32>
      %parallel_loop3A_354 = arith.muli %parallel_loop3A_351, %parallel_loop3A_353 : vector<16xi32>
      %parallel_loop3A_355 = arith.constant 8 : i32
      %parallel_loop3A_356 = arith.constant 0 : i32
      %parallel_loop3A_357 = arith.cmpi eq, %parallel_loop3A_355, %parallel_loop3A_356 : i32
      %parallel_loop3A_358 = arith.constant 1 : i32
      %parallel_loop3A_359 = arith.select %parallel_loop3A_357, %parallel_loop3A_358, %parallel_loop3A_355 : i32
      %parallel_loop3A_360 = vector.broadcast %parallel_loop3A_359 : i32 to vector<16xi32>
      %parallel_loop3A_361 = arith.remsi %parallel_loop3A_320, %parallel_loop3A_360 : vector<16xi32>
      %parallel_loop3A_362 = arith.constant 0 : i32
      %parallel_loop3A_363 = vector.broadcast %parallel_loop3A_362 : i32 to vector<16xi32>
      %parallel_loop3A_364 = arith.cmpi ne, %parallel_loop3A_361, %parallel_loop3A_363 : vector<16xi32>
      %parallel_loop3A_365 = arith.constant 0 : i32
      %parallel_loop3A_366 = vector.broadcast %parallel_loop3A_365 : i32 to vector<16xi32>
      %parallel_loop3A_367 = arith.cmpi slt, %parallel_loop3A_361, %parallel_loop3A_366 : vector<16xi32>
      %parallel_loop3A_368 = arith.constant 0 : i32
      %parallel_loop3A_369 = arith.cmpi slt, %parallel_loop3A_359, %parallel_loop3A_368 : i32
      %parallel_loop3A_370 = vector.broadcast %parallel_loop3A_369 : i1 to vector<16xi1>
      %parallel_loop3A_371 = vector.broadcast %parallel_loop3A_370 : vector<16xi1> to vector<16xi1>
      %parallel_loop3A_372 = arith.xori %parallel_loop3A_367, %parallel_loop3A_371 : vector<16xi1>
      %parallel_loop3A_373 = arith.andi %parallel_loop3A_372, %parallel_loop3A_364 : vector<16xi1>
      %parallel_loop3A_374 = vector.broadcast %parallel_loop3A_359 : i32 to vector<16xi32>
      %parallel_loop3A_375 = arith.addi %parallel_loop3A_361, %parallel_loop3A_374 : vector<16xi32>
      %parallel_loop3A_376 = arith.select %parallel_loop3A_373, %parallel_loop3A_375, %parallel_loop3A_361 : vector<16xi1>, vector<16xi32>
      %parallel_loop3A_377 = arith.constant 128 : i32
      %parallel_loop3A_378 = vector.broadcast %parallel_loop3A_377 : i32 to vector<16xi32>
      %parallel_loop3A_379 = arith.muli %parallel_loop3A_376, %parallel_loop3A_378 : vector<16xi32>
      %parallel_loop3A_380 = arith.addi %parallel_loop3A_354, %parallel_loop3A_379 : vector<16xi32>
      %parallel_loop3A_381 = arith.index_cast %parallel_loop3A_273 : i32 to index
      %parallel_loop3A_382 = arith.constant 0 : index
      %parallel_loop3A_383 = tpu.vector_load %arg8[%parallel_loop3A_381, %parallel_loop3A_382] {strides = array<i32>} : memref<512x32xf32, #tpu.memory_space<vmem>>, vector<16xf32>,
      %parallel_loop3A_384 = arith.addi %parallel_loop3A_380, %parallel_loop3A_317 : vector<16xi32>
      tpu.vector_store_idx %arg10[%parallel_loop3A_384], %parallel_loop3A_383 : memref<16384xf32, #tpu.memory_space<vmem>>[vector<16xi32>], vector<16xf32>,
      %parallel_loop3A_385 = arith.constant 16 : i32
      %parallel_loop3A_386 = vector.broadcast %parallel_loop3A_385 : i32 to vector<16xi32>
      %parallel_loop3A_387 = arith.addi %parallel_loop3A_386, %iota3A : vector<16xi32>
      %parallel_loop3A_388 = arith.constant 8 : i32
      %parallel_loop3A_389 = vector.broadcast %parallel_loop3A_388 : i32 to vector<16xi32>
      %parallel_loop3A_390 = arith.divsi %parallel_loop3A_387, %parallel_loop3A_389 : vector<16xi32>
      %parallel_loop3A_391 = arith.constant 0 : i32
      %parallel_loop3A_392 = vector.broadcast %parallel_loop3A_391 : i32 to vector<16xi32>
      %parallel_loop3A_393 = arith.cmpi sgt, %parallel_loop3A_387, %parallel_loop3A_392 : vector<16xi32>
      %parallel_loop3A_394 = arith.extui %parallel_loop3A_393 : vector<16xi1> to vector<16xi32>
      %parallel_loop3A_395 = arith.constant 0 : i32
      %parallel_loop3A_396 = vector.broadcast %parallel_loop3A_395 : i32 to vector<16xi32>
      %parallel_loop3A_397 = arith.cmpi slt, %parallel_loop3A_387, %parallel_loop3A_396 : vector<16xi32>
      %parallel_loop3A_398 = arith.extui %parallel_loop3A_397 : vector<16xi1> to vector<16xi32>
      %parallel_loop3A_399 = arith.subi %parallel_loop3A_394, %parallel_loop3A_398 : vector<16xi32>
      %parallel_loop3A_400 = arith.constant 0 : i32
      %parallel_loop3A_401 = arith.cmpi sgt, %parallel_loop3A_388, %parallel_loop3A_400 : i32
      %parallel_loop3A_402 = arith.extui %parallel_loop3A_401 : i1 to i32
      %parallel_loop3A_403 = arith.constant 0 : i32
      %parallel_loop3A_404 = arith.cmpi slt, %parallel_loop3A_388, %parallel_loop3A_403 : i32
      %parallel_loop3A_405 = arith.extui %parallel_loop3A_404 : i1 to i32
      %parallel_loop3A_406 = arith.subi %parallel_loop3A_402, %parallel_loop3A_405 : i32
      %parallel_loop3A_407 = vector.broadcast %parallel_loop3A_406 : i32 to vector<16xi32>
      %parallel_loop3A_408 = arith.cmpi ne, %parallel_loop3A_399, %parallel_loop3A_407 : vector<16xi32>
      %parallel_loop3A_409 = vector.broadcast %parallel_loop3A_388 : i32 to vector<16xi32>
      %parallel_loop3A_410 = arith.remsi %parallel_loop3A_387, %parallel_loop3A_409 : vector<16xi32>
      %parallel_loop3A_411 = arith.constant 0 : i32
      %parallel_loop3A_412 = vector.broadcast %parallel_loop3A_411 : i32 to vector<16xi32>
      %parallel_loop3A_413 = arith.cmpi ne, %parallel_loop3A_410, %parallel_loop3A_412 : vector<16xi32>
      %parallel_loop3A_414 = arith.andi %parallel_loop3A_408, %parallel_loop3A_413 : vector<16xi1>
      %parallel_loop3A_415 = arith.constant 1 : i32
      %parallel_loop3A_416 = vector.broadcast %parallel_loop3A_415 : i32 to vector<16xi32>
      %parallel_loop3A_417 = arith.subi %parallel_loop3A_390, %parallel_loop3A_416 : vector<16xi32>
      %parallel_loop3A_418 = arith.select %parallel_loop3A_414, %parallel_loop3A_417, %parallel_loop3A_390 : vector<16xi1>, vector<16xi32>
      %parallel_loop3A_419 = arith.constant 4096 : i32
      %parallel_loop3A_420 = vector.broadcast %parallel_loop3A_419 : i32 to vector<16xi32>
      %parallel_loop3A_421 = arith.muli %parallel_loop3A_418, %parallel_loop3A_420 : vector<16xi32>
      %parallel_loop3A_422 = arith.constant 8 : i32
      %parallel_loop3A_423 = arith.constant 0 : i32
      %parallel_loop3A_424 = arith.cmpi eq, %parallel_loop3A_422, %parallel_loop3A_423 : i32
      %parallel_loop3A_425 = arith.constant 1 : i32
      %parallel_loop3A_426 = arith.select %parallel_loop3A_424, %parallel_loop3A_425, %parallel_loop3A_422 : i32
      %parallel_loop3A_427 = vector.broadcast %parallel_loop3A_426 : i32 to vector<16xi32>
      %parallel_loop3A_428 = arith.remsi %parallel_loop3A_387, %parallel_loop3A_427 : vector<16xi32>
      %parallel_loop3A_429 = arith.constant 0 : i32
      %parallel_loop3A_430 = vector.broadcast %parallel_loop3A_429 : i32 to vector<16xi32>
      %parallel_loop3A_431 = arith.cmpi ne, %parallel_loop3A_428, %parallel_loop3A_430 : vector<16xi32>
      %parallel_loop3A_432 = arith.constant 0 : i32
      %parallel_loop3A_433 = vector.broadcast %parallel_loop3A_432 : i32 to vector<16xi32>
      %parallel_loop3A_434 = arith.cmpi slt, %parallel_loop3A_428, %parallel_loop3A_433 : vector<16xi32>
      %parallel_loop3A_435 = arith.constant 0 : i32
      %parallel_loop3A_436 = arith.cmpi slt, %parallel_loop3A_426, %parallel_loop3A_435 : i32
      %parallel_loop3A_437 = vector.broadcast %parallel_loop3A_436 : i1 to vector<16xi1>
      %parallel_loop3A_438 = vector.broadcast %parallel_loop3A_437 : vector<16xi1> to vector<16xi1>
      %parallel_loop3A_439 = arith.xori %parallel_loop3A_434, %parallel_loop3A_438 : vector<16xi1>
      %parallel_loop3A_440 = arith.andi %parallel_loop3A_439, %parallel_loop3A_431 : vector<16xi1>
      %parallel_loop3A_441 = vector.broadcast %parallel_loop3A_426 : i32 to vector<16xi32>
      %parallel_loop3A_442 = arith.addi %parallel_loop3A_428, %parallel_loop3A_441 : vector<16xi32>
      %parallel_loop3A_443 = arith.select %parallel_loop3A_440, %parallel_loop3A_442, %parallel_loop3A_428 : vector<16xi1>, vector<16xi32>
      %parallel_loop3A_444 = arith.constant 128 : i32
      %parallel_loop3A_445 = vector.broadcast %parallel_loop3A_444 : i32 to vector<16xi32>
      %parallel_loop3A_446 = arith.muli %parallel_loop3A_443, %parallel_loop3A_445 : vector<16xi32>
      %parallel_loop3A_447 = arith.addi %parallel_loop3A_421, %parallel_loop3A_446 : vector<16xi32>
      %parallel_loop3A_448 = arith.index_cast %parallel_loop3A_273 : i32 to index
      %parallel_loop3A_449 = arith.constant 16 : index
      %parallel_loop3A_450 = tpu.vector_load %arg8[%parallel_loop3A_448, %parallel_loop3A_449] {strides = array<i32>} : memref<512x32xf32, #tpu.memory_space<vmem>>, vector<16xf32>,
      %parallel_loop3A_451 = arith.addi %parallel_loop3A_447, %parallel_loop3A_317 : vector<16xi32>
      tpu.vector_store_idx %arg10[%parallel_loop3A_451], %parallel_loop3A_450 : memref<16384xf32, #tpu.memory_space<vmem>>[vector<16xi32>], vector<16xf32>,
    } {sc.loop_unroll_factor = 16 : i64, sc.parallel_access}
    %mul3A_217 = arith.constant 4 : i32
    %mul3A_218 = arith.muli %add3A, %mul3A_217 : i32
    %add3A_219 = arith.constant 50688 : i32
    %add3A_220 = arith.addi %add3A_219, %mul3A_218 : i32
    %mul3A_221 = arith.constant 1024 : i32
    %mul3A_222 = arith.muli %add3A_220, %mul3A_221 : i32
    %dma_start3A_223 = arith.constant 0 : i32
    %dma_start3A_224 = tpu.memref_slice %arg10[%dma_start3A_223] : memref<16384xf32, #tpu.memory_space<vmem>> -> memref<4096xf32, #tpu.memory_space<vmem>>
    %dma_start3A_225 = tpu.memref_slice %arg4[%mul3A_222] : memref<52428800xf32, #tpu.memory_space<hbm>> -> memref<4096xf32, #tpu.memory_space<hbm>>
    %dma_start3A_226 = tpu.memref_slice %arg4[%mul3A_222] : memref<52428800xf32, #tpu.memory_space<hbm>> -> memref<4096xf32, #tpu.memory_space<hbm>>
    %dma_start3A_227 = arith.constant 0 : i32
    %dma_start3A_228 = tpu.memref_slice %arg10[%dma_start3A_227] : memref<16384xf32, #tpu.memory_space<vmem>> -> memref<4096xf32, #tpu.memory_space<vmem>>
    tpu.enqueue_dma source(%dma_start3A_228 : memref<4096xf32, #tpu.memory_space<vmem>>) target(%dma_start3A_226 : memref<4096xf32, #tpu.memory_space<hbm>>) target_semaphore(%arg16 : memref<!tpu.dma_semaphore, #tpu.memory_space<semaphore_mem>>)
    %mul3A_229 = arith.constant 4 : i32
    %mul3A_230 = arith.muli %add3A, %mul3A_229 : i32
    %add3A_231 = arith.constant 50816 : i32
    %add3A_232 = arith.addi %add3A_231, %mul3A_230 : i32
    %mul3A_233 = arith.constant 1024 : i32
    %mul3A_234 = arith.muli %add3A_232, %mul3A_233 : i32
    %dma_start3A_235 = arith.constant 4096 : i32
    %dma_start3A_236 = tpu.memref_slice %arg10[%dma_start3A_235] : memref<16384xf32, #tpu.memory_space<vmem>> -> memref<4096xf32, #tpu.memory_space<vmem>>
    %dma_start3A_237 = tpu.memref_slice %arg4[%mul3A_234] : memref<52428800xf32, #tpu.memory_space<hbm>> -> memref<4096xf32, #tpu.memory_space<hbm>>
    %dma_start3A_238 = tpu.memref_slice %arg4[%mul3A_234] : memref<52428800xf32, #tpu.memory_space<hbm>> -> memref<4096xf32, #tpu.memory_space<hbm>>
    %dma_start3A_239 = arith.constant 4096 : i32
    %dma_start3A_240 = tpu.memref_slice %arg10[%dma_start3A_239] : memref<16384xf32, #tpu.memory_space<vmem>> -> memref<4096xf32, #tpu.memory_space<vmem>>
    tpu.enqueue_dma source(%dma_start3A_240 : memref<4096xf32, #tpu.memory_space<vmem>>) target(%dma_start3A_238 : memref<4096xf32, #tpu.memory_space<hbm>>) target_semaphore(%arg16 : memref<!tpu.dma_semaphore, #tpu.memory_space<semaphore_mem>>)
    %mul3A_241 = arith.constant 4 : i32
    %mul3A_242 = arith.muli %add3A, %mul3A_241 : i32
    %add3A_243 = arith.constant 50944 : i32
    %add3A_244 = arith.addi %add3A_243, %mul3A_242 : i32
    %mul3A_245 = arith.constant 1024 : i32
    %mul3A_246 = arith.muli %add3A_244, %mul3A_245 : i32
    %dma_start3A_247 = arith.constant 8192 : i32
    %dma_start3A_248 = tpu.memref_slice %arg10[%dma_start3A_247] : memref<16384xf32, #tpu.memory_space<vmem>> -> memref<4096xf32, #tpu.memory_space<vmem>>
    %dma_start3A_249 = tpu.memref_slice %arg4[%mul3A_246] : memref<52428800xf32, #tpu.memory_space<hbm>> -> memref<4096xf32, #tpu.memory_space<hbm>>
    %dma_start3A_250 = tpu.memref_slice %arg4[%mul3A_246] : memref<52428800xf32, #tpu.memory_space<hbm>> -> memref<4096xf32, #tpu.memory_space<hbm>>
    %dma_start3A_251 = arith.constant 8192 : i32
    %dma_start3A_252 = tpu.memref_slice %arg10[%dma_start3A_251] : memref<16384xf32, #tpu.memory_space<vmem>> -> memref<4096xf32, #tpu.memory_space<vmem>>
    tpu.enqueue_dma source(%dma_start3A_252 : memref<4096xf32, #tpu.memory_space<vmem>>) target(%dma_start3A_250 : memref<4096xf32, #tpu.memory_space<hbm>>) target_semaphore(%arg16 : memref<!tpu.dma_semaphore, #tpu.memory_space<semaphore_mem>>)
    %mul3A_253 = arith.constant 4 : i32
    %mul3A_254 = arith.muli %add3A, %mul3A_253 : i32
    %add3A_255 = arith.constant 51072 : i32
    %add3A_256 = arith.addi %add3A_255, %mul3A_254 : i32
    %mul3A_257 = arith.constant 1024 : i32
    %mul3A_258 = arith.muli %add3A_256, %mul3A_257 : i32
    %dma_start3A_259 = arith.constant 12288 : i32
    %dma_start3A_260 = tpu.memref_slice %arg10[%dma_start3A_259] : memref<16384xf32, #tpu.memory_space<vmem>> -> memref<4096xf32, #tpu.memory_space<vmem>>
    %dma_start3A_261 = tpu.memref_slice %arg4[%mul3A_258] : memref<52428800xf32, #tpu.memory_space<hbm>> -> memref<4096xf32, #tpu.memory_space<hbm>>
    %dma_start3A_262 = tpu.memref_slice %arg4[%mul3A_258] : memref<52428800xf32, #tpu.memory_space<hbm>> -> memref<4096xf32, #tpu.memory_space<hbm>>
    %dma_start3A_263 = arith.constant 12288 : i32
    %dma_start3A_264 = tpu.memref_slice %arg10[%dma_start3A_263] : memref<16384xf32, #tpu.memory_space<vmem>> -> memref<4096xf32, #tpu.memory_space<vmem>>
    tpu.enqueue_dma source(%dma_start3A_264 : memref<4096xf32, #tpu.memory_space<vmem>>) target(%dma_start3A_262 : memref<4096xf32, #tpu.memory_space<hbm>>) target_semaphore(%arg16 : memref<!tpu.dma_semaphore, #tpu.memory_space<semaphore_mem>>)
    %dma_wait3A_265 = arith.constant 0 : i32
    %dma_wait3A_266 = tpu.memref_slice %arg4[%dma_wait3A_265] : memref<52428800xf32, #tpu.memory_space<hbm>> -> memref<16384xf32, #tpu.memory_space<hbm>>
    %dma_wait3A_267 = arith.constant 0 : i32
    %dma_wait3A_268 = tpu.memref_slice %arg4[%dma_wait3A_267] : memref<52428800xf32, #tpu.memory_space<hbm>> -> memref<16384xf32, #tpu.memory_space<hbm>>
    tpu.wait_dma2 semaphore(%arg15 : memref<!tpu.dma_semaphore, #tpu.memory_space<semaphore_mem>>) src(%dma_wait3A_268 : memref<16384xf32, #tpu.memory_space<hbm>>) dst(%arg9 : memref<16384xf32, #tpu.memory_space<vmem>>)
    %dma_wait3A_269 = arith.constant 0 : i32
    %dma_wait3A_270 = tpu.memref_slice %arg4[%dma_wait3A_269] : memref<52428800xf32, #tpu.memory_space<hbm>> -> memref<16384xf32, #tpu.memory_space<hbm>>
    %dma_wait3A_271 = arith.constant 0 : i32
    %dma_wait3A_272 = tpu.memref_slice %arg4[%dma_wait3A_271] : memref<52428800xf32, #tpu.memory_space<hbm>> -> memref<16384xf32, #tpu.memory_space<hbm>>
    tpu.wait_dma2 semaphore(%arg16 : memref<!tpu.dma_semaphore, #tpu.memory_space<semaphore_mem>>) src(%dma_wait3A_272 : memref<16384xf32, #tpu.memory_space<hbm>>) dst(%arg10 : memref<16384xf32, #tpu.memory_space<vmem>>)
    return
  }
}

</mosaic_0001>

<sc_bundles>
// kernel: kernel.3.cloned.1.call-start
scs
__scs_entry_jumppad:
0x0: {  	(pc) =	sbr.rel $0x88, $3  }
0x1: {  	(tag) =	ssettag $0x0;
	lr =	simm.s32 $0x1  }
0x2: {  	[smem:$0x3F9F] =	sst lr;
	_ =	strace $0xD0000000  }
0x3: {  	_ = 	snop  }
0x4: {  	_ = 	snop  }
0x5: {  	_ = 	snop  }
0x6: {  	_ = 	snop  }
0x7: {  	_ = 	snop  }
__scs_overlays_trampoline_lowered:
0x8: {  	[smem:$0x3FAE] =	sst s0  }
0x9: {  	[smem:$0x3FAF] =	sst s1  }
0xa: {  	[smem:$0x3FB0] =	sst s2  }
0xb: {  	[smem:$0x3FB1] =	sst s3  }
0xc: {  	[smem:$0x3FB2] =	sst s4  }
0xd: {  	[smem:$0x3FB3] =	sst s5  }
0xe: {  	[smem:$0x3FB4] =	sst s6  }
0xf: {  	[smem:$0x3FB5] =	sst s7  }
0x10: {  	[smem:$0x3FB6] =	sst s8  }
0x11: {  	[smem:$0x3FB7] =	sst s9;
	s0 =	simm.s32 @!p0 $0x0  }
0x12: {  	s1 =	sld [smem:$0x3F9D];
	s0 =	simm.s32 @p0 $0x1  }
0x13: {  	[smem:$0x3FB8] =	sst s0;
	s0 =	simm.s32 @!p1 $0x0  }
0x14: {  	s2 =	sld [smem:$0x3F9C];
	s0 =	simm.s32 @p1 $0x1  }
0x15: {  	[smem:$0x3FB9] =	sst s0;
	s0 =	simm.s32 @!p2 $0x0  }
0x16: {  	s3 =	sld [smem:$0x3FDB];
	s0 =	simm.s32 @p2 $0x1  }
0x17: {  	s4 =	simm.s32 $0x1BF5;
	[smem:$0x3FBB] =	sst s0  }
0x18: {  	s0 =	sld [smem:$0x3F9E];
	_ =	swait.ge [sflag:s4], $0x0  }
0x19: {  	s7 =	sld [smem:$0x3F9F]  }
0x1a: {  	s8 =	sadd.s32 $0xFFFFE003, lr  }
0x1b: {  	s9 =	sadd.s32 $0xFFFFFEF7, lr;
	s5 =	simm.s32 $0xFFFFFFFF;
	p2 =	slt.u32 s8, $0xFFFFF086  }
0x1c: {  	p1 =	slt.u32 s9, $0xF7A;
	s5 =	simm.s32 @!p2 $0x0  }
0x1d: {  	s5 =	simm.s32 @p1 $0x1;
	p0 =	seq.s32 s7, s2  }
0x1e: {  	s7 =	smul.u32 @!p0 $0xF7A, s2;
	p2 =	seq.s32 @!p0 s5, $0x0  }
0x1f: {  	s9 =	smul.u32 $0xF7A, s1;
	s8 =	simm.s32 @!p0 $0x1BF5;
	p2 =	por !p2, p0  }
0x20: {  	[sflag:s8] =	ssyncset.s32 @!p0 $0xFFFFF086;
	s6 =	sadd.s32 @!p0 s3, s7;
	s7 =	simm.s32 @!p0 $0x108  }
0x21: {  	s3 =	sadd.s32 s3, s9;
	s6 =	sadd.s32 @!p0 $0x88, s6;
	s7 =	simm.s32 @p2 $0x1082  }
0x22: {  	[simem:s7], [sflag:s8] =	dma.local @!p0 [hbm:s6], $0xF7A  }
0x23: {  	s9 =	sor.u32 $0xD0000000, s2;
	s6 =	simm.s32 $0x108;
	_ =	swait.ge @!p0 [sflag:s8], $0x0  }
0x24: {  	s3 =	sadd.s32 $0x88, s3;
	s6 =	simm.s32 @!p1 $0x1082;
	[sflag:s4] =	ssyncset.s32 $0xFFFFF086  }
0x25: {  	[simem:s6], [sflag:s4] =	dma.local [hbm:s3], $0xF7A  }
0x26: {  	[smem:$0x3F9F] =	sst s1;
	(tag) =	ssettag s2;
	_ =	strace s9  }
0x27: {  	s1 =	sld [smem:$0x3FAF]  }
0x28: {  	s2 =	sld [smem:$0x3FB0]  }
0x29: {  	s4 =	sld [smem:$0x3FB2]  }
0x2a: {  	p0 =	seq.s32 s5, $0x0;
	s5 =	sld [smem:$0x3FB3]  }
0x2b: {  	s6 =	sld [smem:$0x3FB4]  }
0x2c: {  	s7 =	sld [smem:$0x3FB5]  }
0x2d: {  	s3 =	simm.s32 $0x108;
	s8 =	sld [smem:$0x3FB6]  }
0x2e: {  	s3 =	simm.s32 @!p0 $0x1082;
	s9 =	sld [smem:$0x3FB7]  }
0x2f: {  	lr =	sadd.s32 s0, s3;
	s0 =	sld [smem:$0x3FAE]  }
0x30: {  	s3 =	sld [smem:$0x3FB1]  }
0x31: {  	[smem:$0x3FBA] =	sst s10  }
0x32: {  	s10 =	sld [smem:$0x3FB8];
	_ =	sdelay $0x3  }
0x33: {  	p0 =	seq.s32 s10, $0x1;
	s10 =	sld [smem:$0x3FBA];
	_ =	sdelay $0x3  }
0x34: {  	[smem:$0x3FBA] =	sst s10  }
0x35: {  	s10 =	sld [smem:$0x3FB9];
	_ =	sdelay $0x3  }
0x36: {  	p1 =	seq.s32 s10, $0x1;
	s10 =	sld [smem:$0x3FBA];
	_ =	sdelay $0x3  }
0x37: {  	[smem:$0x3FBA] =	sst s10  }
0x38: {  	s10 =	sld [smem:$0x3FBB]  }
0x39: {  	_ = 	snop;
	(pc) =	sbr.ind lr, $3  }
0x3a: {  	_ = 	snop  }
0x3b: {  	_ = 	snop  }
0x3c: {  	p2 =	seq.s32 s10, $0x1;
	s10 =	sld [smem:$0x3FBA]  }
0x3d: {  	_ =	shalt  }
0x3e: {  	_ =	shalt  }
0x3f: {  	_ =	shalt  }
0x40: {  	_ =	shalt  }
0x41: {  	_ =	shalt  }
0x42: {  	_ =	shalt  }
0x43: {  	_ =	shalt  }
0x44: {  	_ =	shalt  }
0x45: {  	_ =	shalt  }
0x46: {  	_ =	shalt  }
0x47: {  	_ =	shalt  }
0x48: {  	_ =	shalt  }
0x49: {  	_ =	shalt  }
0x4a: {  	_ =	shalt  }
0x4b: {  	_ =	shalt  }
0x4c: {  	_ =	shalt  }
0x4d: {  	_ =	shalt  }
0x4e: {  	_ =	shalt  }
0x4f: {  	_ =	shalt  }
0x50: {  	_ =	shalt  }
0x51: {  	_ =	shalt  }
0x52: {  	_ =	shalt  }
0x53: {  	_ =	shalt  }
0x54: {  	_ =	shalt  }
0x55: {  	_ =	shalt  }
0x56: {  	_ =	shalt  }
0x57: {  	_ =	shalt  }
0x58: {  	_ =	shalt  }
0x59: {  	_ =	shalt  }
0x5a: {  	_ =	shalt  }
0x5b: {  	_ =	shalt  }
0x5c: {  	_ =	shalt  }
0x5d: {  	_ =	shalt  }
0x5e: {  	_ =	shalt  }
0x5f: {  	_ =	shalt  }
0x60: {  	_ =	shalt  }
0x61: {  	_ =	shalt  }
0x62: {  	_ =	shalt  }
0x63: {  	_ =	shalt  }
0x64: {  	_ =	shalt  }
0x65: {  	_ =	shalt  }
0x66: {  	_ =	shalt  }
0x67: {  	_ =	shalt  }
0x68: {  	_ =	shalt  }
0x69: {  	_ =	shalt  }
0x6a: {  	_ =	shalt  }
0x6b: {  	_ =	shalt  }
0x6c: {  	_ =	shalt  }
0x6d: {  	_ =	shalt  }
0x6e: {  	_ =	shalt  }
0x6f: {  	_ =	shalt  }
0x70: {  	_ =	shalt  }
0x71: {  	_ =	shalt  }
0x72: {  	_ =	shalt  }
0x73: {  	_ =	shalt  }
0x74: {  	_ =	shalt  }
0x75: {  	_ =	shalt  }
0x76: {  	_ =	shalt  }
0x77: {  	_ =	shalt  }
0x78: {  	_ =	shalt  }
0x79: {  	_ =	shalt  }
0x7a: {  	_ =	shalt  }
0x7b: {  	_ =	shalt  }
0x7c: {  	_ =	shalt  }
0x7d: {  	_ =	shalt  }
0x7e: {  	_ =	shalt  }
0x7f: {  	_ =	shalt  }
0x80: {  	_ =	shalt  }
0x81: {  	_ =	shalt  }
0x82: {  	_ =	shalt  }
0x83: {  	_ =	shalt  }
0x84: {  	_ =	shalt  }
0x85: {  	_ =	shalt  }
0x86: {  	_ =	shalt  }
0x87: {  	_ =	shalt  }
.Lfunc_end0:
.L_simem_size_0:
called_computation_lowered:
.L_overlay_start_0:
0x88: {  	s2 =	sld [smem:$0x3FD9]  }
0x89: {  	s3 =	sld [smem:$0x3FFE];
	_ =	sdelay $0x1  }
0x8a: {  	s1 =	srdreg.scid  }
0x8b: {  	s0 =	sand.u32 $0x1, s1  }
0x8c: {  	s17 =	sshll.u32 s0, $0xA;
	s2 =	sadd.s32 s3, s2  }
0x8d: {  	s2 =	sadd.s32 s2, s17  }
0x8e: {  	[smem:$0x3FC6] =	sst s2  }
0x8f: {  	_ = 	snop  }
0x90: {  	s2 =	sld [smem:$0x3FD0];
	(tm) =	ssettm $0x1  }
0x91: {  	s18 =	sld [smem:$0x3FFB];
	_ =	sdelay $0x3  }
0x92: {  	_ =	strace s18  }
0x93: {  	s3 =	sld [smem:$0x3FFC];
	_ =	sdelay $0x3  }
0x94: {  	_ =	strace s3  }
0x95: {  	s3 =	sld [smem:$0x3FFD];
	_ =	sdelay $0x3  }
0x96: {  	_ =	strace s3  }
0x97: {  	_ =	strace $0x8FFFFFFF  }
0x98: {  	s19 =	sld [smem:$0x3FDB];
	_ =	sdelay $0x1  }
0x99: {  	s4 =	simm.s32 $_scs_section_size  }
0x9a: {  	s5 =	simm.s32 $_size__tile_overlayer_lowered;
	s6 =	simm.s32 $_tile_overlayer_lowered  }
0x9b: {  	s22 =	simm.s32 $0x1BFF;
	s21 =	sshll.u32 s6, $0x1;
	s3 =	sadd.s32 s4, s19  }
0x9c: {  	s7 =	simm.s32 $0x0;
	s20 =	sshll.u32 s5, $0x1;
	s5 =	sadd.s32 s21, s3  }
0x9d: {  	[timem:s7], [sflag:s22] =	dma.local [hbm:s5], s20  }
0x9e: {  	_ =	swait.ge [sflag:s22], s20  }
0x9f: {  	s4 =	ssub.s32 $0x0, s20;
	[sflag:s22] =	ssyncset.done $0x0  }
0xa0: {  	[sflag:s22] =	ssyncadd.s32 s4;
	_ =	sdelay $0x1  }
0xa1: {  	s23 =	simm.s32 $0x1B8B  }
0xa2: {  	_ =	swait.ge [sflag:s23], $0x1  }
0xa3: {  	[sflag:s23] =	ssyncset.done $0x0  }
0xa4: {  	s25 =	simm.s32 $0x1B8E;
	s24 =	sld [smem:$0x3FFE];
	[sflag:s23] =	ssyncadd.s32 $0xFFFFFFFF  }
0xa5: {  	s26 =	simm.s32 $execute0_lowered;
	[smem:$0x3FD2] =	sst s25  }
0xa6: {  	s5 =	sshll.u32 s26, $0x1;
	_ =	strace $0x80000046;
	[dreg:$0x1] =	wrdreg $0xFFFFFFFF  }
0xa7: {  	s28 =	simm.s32 $_size_execute0_lowered;
	s3 =	sadd.s32 s3, s5;
	[dreg:$0x0] =	wrdreg $0x0  }
0xa8: {  	s5 =	sshll.u32 s28, $0x1;
	[dreg:$0x2] =	wrdreg s3  }
0xa9: {  	[dreg:$0x3] =	wrdreg s5  }
0xaa: {  	[dreg:$0x4] =	wrdreg $0xC0  }
0xab: {  	_ =	task [dreg:s7], $0x5FFFF  }
0xac: {  	[dreg:$0x1] =	wrdreg $0xFFFFFFFF  }
0xad: {  	[dreg:$0x0] =	wrdreg $0x60  }
0xae: {  	[dreg:$0x2] =	wrdreg s24  }
0xaf: {  	[dreg:$0x3] =	wrdreg s2  }
0xb0: {  	[dreg:$0x4] =	wrdreg $0x9  }
0xb1: {  	_ =	task.clear_ibuf [dreg:s7], $0x5FFFF;
	_ =	strace $0x90000046  }
0xb2: {  	s29 =	simm.s32 $0x9;
	_ =	strace $0x80000048  }
0xb3: {  	_ =	swait.ge [sflag:s29], $0x1  }
0xb4: {  	[sflag:s29] =	ssyncadd.s32 $0xFFFFFFFF  }
0xb5: {  	_ =	strace $0x90000048  }
0xb6: {  	_ =	sfence  }
0xb7: {  	s30 =	sld [smem:$0x0];
	_ =	sdelay $0x2  }
0xb8: {  	s31 =	sshll.u32 s1, $0xD;
	s1 =	sshrl.u32 s1, $0x2  }
0xb9: {  	s3 =	sand.u32 $0x4000, s31;
	s1 =	sadd.s32 s1, s30  }
0xba: {  	s0 =	sor.u32 s3, s0;
	s1 =	sshll.u32 s1, $0x11  }
0xbb: {  	s0 =	sor.u32 s1, s0  }
0xbc: {  	s0 =	sadd.s32 $0x8F2B, s0  }
0xbd: {  	[sflag:s0] =	ssyncadd.remote.s32 $0x1  }
0xbe: {  	_ =	sfence.sel $0xFFFF  }
0xbf: {  	[dreg:$0x0] =	wrdreg $0xFFFFFFFF;
	(pc) =	sbr.abs _section_cstart, $3  }
0xc0: {  	[dreg:$0x1] =	wrdreg $0xFFFFFFFF  }
0xc1: {  	_ =	task.clear_ibuf [dreg:s7], $0x2FFFF;
	_ =	strace $0x9FFFFFFF  }
0xc2: {  	(tm) =	ssettm $0x7FFFFFFF  }
0xc3: {  	_ =	shalt  }
tec
execute0_lowered:
.L_overlay_start_1:
0x0: {  	(tag) =	ssettag $0x1  }
0x1: {  	s0 =	rddreg [dreg:$0x0]  }
0x2: {  	s8 =	rddreg [dreg:$0x1];
	s3 =	simm.s32 $0x0  }
0x3: {  	s1 =	srdreg.scid;
	[smem:$0x7FF] =	sst s3;
	s10 =	sadd.s32 $0x4000, s8  }
0x4: {  	s12 =	sadd.s32 $0x8000, s8;
	_ =	strace $0x80000047;
	[dreg:$0x6] =	wrdreg s10  }
0x5: {  	s2 =	stileid.u32;
	s13 =	sadd.s32 $0xC000, s8;
	[dreg:$0x9] =	wrdreg s12  }
0x6: {  	s1 =	sand.u32 $0x1, s1;
	s16 =	sadd.s32 $0x14000, s8;
	[dreg:$0xb] =	wrdreg s13  }
0x7: {  	s2 =	sshll.u32 s2, $0x1;
	s17 =	sadd.s32 $0x18000, s8;
	[dreg:$0x10] =	wrdreg s16  }
0x8: {  	s6 =	ssub.s32 $0x2, s1;
	s1 =	sor.u32 s1, s2;
	[dreg:$0x11] =	wrdreg s17  }
0x9: {  	s31 =	sshrl.u32 s6, $0x1;
	s7 =	sshll.u32 s1, $0x6;
	s1 =	sshll.u32 s1, $0x9  }
0xa: {  	s2 =	ssub.s32 s6, s31;
	s6 =	sadd.s32 s1, s10;
	[dreg:$0x4] =	wrdreg s1  }
0xb: {  	s4 =	sadd.s32 $0x600, s0;
	s18 =	sadd.s32 s1, s17;
	[dreg:$0x8] =	wrdreg s6  }
0xc: {  	s7 =	sadd.s32 s4, s7;
	[dreg:$0x14] =	wrdreg s18  }
0xd: {  	s21 =	sor.u32 $0x8000, s1;
	[dreg:$0x3] =	wrdreg s7  }
0xe: {  	s22 =	sor.u32 $0xC000, s1;
	[dreg:$0x18] =	wrdreg s21  }
0xf: {  	s11 =	sadd.s32 s8, s1;
	[dreg:$0x19] =	wrdreg s22  }
0x10: {  	s9 =	sadd.s32 $0x800, s7;
	[dreg:$0x7] =	wrdreg s11  }
0x11: {  	s6 =	sadd.s32 s1, s12;
	[dreg:$0x5] =	wrdreg s9  }
0x12: {  	s14 =	sadd.s32 $0x1000, s7;
	[dreg:$0xa] =	wrdreg s6  }
0x13: {  	s5 =	sadd.s32 $0xF42A00, s0;
	s0 =	smax.u32 s2, $0x1;
	[dreg:$0xe] =	wrdreg s14  }
0x14: {  	v0 =	vimm.s32 $0x1380;
	vm0 =	vcmask $0x300;
	v1 =	vimm.s32 $0x3380;
	s20 =	sadd.s32 $0x1800, s7;
	[dreg:$0x16] =	wrdreg s0  }
0x15: {  	vm1 =	vcmask $0x704;
	v0 =	vsel vm0, $0x0, v0;
	v1 =	vsel vm0, $0x2000, v1;
	s23 =	sadd.s32 $0x620000, s11;
	[dreg:$0x17] =	wrdreg s20  }
0x16: {  	vm15 =	vcmask $0xB08;
	v0 =	vsel vm1, $0x80, v0;
	v1 =	vsel vm1, $0x2080, v1;
	s24 =	sadd.s32 $0x624000, s11;
	[dreg:$0x1a] =	wrdreg s23  }
0x17: {  	vm4 =	vcmask $0xF0C;
	v0 =	vsel vm15, $0x100, v0;
	v1 =	vsel vm15, $0x2100, v1;
	s25 =	sadd.s32 $0x628000, s11;
	[dreg:$0x1b] =	wrdreg s24  }
0x18: {  	vm5 =	vcmask $0x1310;
	v0 =	vsel vm4, $0x180, v0;
	v1 =	vsel vm4, $0x2180, v1;
	s26 =	sadd.s32 $0x62C000, s11;
	[dreg:$0x1c] =	wrdreg s25  }
0x19: {  	vm6 =	vcmask $0x1714;
	v0 =	vsel vm5, $0x200, v0;
	v1 =	vsel vm5, $0x2200, v1;
	s28 =	sadd.s32 $0x630000, s11;
	[dreg:$0x1d] =	wrdreg s26  }
0x1a: {  	vm7 =	vcmask $0x1B18;
	s29 =	sadd.s32 $0x634000, s11;
	v0 =	vsel vm6, $0x280, v0;
	v1 =	vsel vm6, $0x2280, v1;
	[dreg:$0x1e] =	wrdreg s28  }
0x1b: {  	vm8 =	vcmask $0x1F1C;
	s30 =	sadd.s32 $0x638000, s11;
	[dreg:$0x1f] =	wrdreg s29;
	v0 =	vsel vm7, $0x300, v0;
	v1 =	vsel vm7, $0x2300, v1  }
0x1c: {  	vm9 =	vcmask $0x2320;
	s31 =	sadd.s32 $0x63C000, s11;
	[smem:$0x7FC] =	sst s30;
	v0 =	vsel vm8, $0x380, v0;
	v1 =	vsel vm8, $0x2380, v1  }
0x1d: {  	vm10 =	vcmask $0x2724;
	s6 =	sadd.s32 s1, s13;
	[smem:$0x7FD] =	sst s31;
	v0 =	vsel vm9, $0x1000, v0;
	v1 =	vsel vm9, $0x3000, v1  }
0x1e: {  	vm11 =	vcmask $0x2B28;
	s9 =	sadd.s32 $0x10000, s8;
	[dreg:$0xd] =	wrdreg s6;
	v0 =	vsel vm10, $0x1080, v0;
	v1 =	vsel vm10, $0x3080, v1  }
0x1f: {  	vm12 =	vcmask $0x2F2C;
	s8 =	sadd.s32 $0x1C000, s8;
	[dreg:$0xc] =	wrdreg s9;
	v0 =	vsel vm11, $0x1100, v0;
	v1 =	vsel vm11, $0x3100, v1  }
0x20: {  	vm13 =	vcmask $0x3330;
	s10 =	simm.s32 $0x6;
	s15 =	sadd.s32 s1, s9;
	[dreg:$0x12] =	wrdreg s8;
	v0 =	vsel vm12, $0x1180, v0;
	v1 =	vsel vm12, $0x3180, v1  }
0x21: {  	vm14 =	vcmask $0x3734;
	s26 =	simm.s32 $0x8400;
	s6 =	sadd.s32 s1, s16;
	[dreg:$0xf] =	wrdreg s15;
	v0 =	vsel vm13, $0x1200, v0;
	v1 =	vsel vm13, $0x3200, v1  }
0x22: {  	vm15 =	vcmask $0x3B38;
	s19 =	sadd.s32 s1, s8;
	s8 =	simm.s32 $0xC400;
	[dreg:$0x13] =	wrdreg s6;
	v0 =	vsel vm14, $0x1280, v0;
	v1 =	vsel vm14, $0x3280, v1  }
0x23: {  	s1 =	simm.s32 $0x0;
	[dreg:$0x15] =	wrdreg s19;
	s6 =	simm.s32 $0x200;
	v0 =	vsel vm15, $0x1300, v0;
	v1 =	vsel vm15, $0x3300, v1  }
.LBB2_1:
0x24: {  	[smem:$0x7FB] =	sst s1  }
0x25: {  	s0 =	rddreg [dreg:$0x3]  }
0x26: {  	[tilespmem:s3], [sflag:$0x1] =	stream.linear.gather [hbm4b:s0+s3], $0x200, $0x38;
	[tilespmem:$0x10400] =	vst v63  }
0x27: {  	s17 =	rddreg [dreg:$0x5];
	s18 =	simm.s32 $0x1  }
0x28: {  	[tilespmem:s6], [sflag:$0x2] =	stream.linear.gather [hbm4b:s17+s3], $0x200, $0x38;
	[tilespmem:$0x10400] =	vst v63  }
0x29: {  	_ =	swait.ge [sflag:s18], $0x200  }
0x2a: {  	[sflag:s18] =	ssyncset.done $0x0  }
0x2b: {  	s19 =	simm.s32 $0x400;
	s20 =	simm.s32 $0x3;
	[sflag:s18] =	ssyncadd.s32 $0xFFFFFE00  }
0x2c: {  	[tilespmem:s19], [sflag:$0x3] =	stream.indirect.gather [hbm4b:s5+s6], $0x20, s3, s6, $0xb8;
	[tilespmem:$0x10400] =	vst v63  }
0x2d: {  	_ =	swait.ge [sflag:s20], $0x4000  }
0x2e: {  	[sflag:s20] =	ssyncset.done $0x0  }
0x2f: {  	s21 =	simm.s32 $0x2;
	[sflag:s20] =	ssyncadd.s32 $0xFFFFC000  }
0x30: {  	_ =	swait.ge [sflag:s21], $0x200  }
0x31: {  	[sflag:s21] =	ssyncset.done $0x0  }
0x32: {  	s22 =	simm.s32 $0x4400;
	s11 =	simm.s32 $0x500;
	[sflag:s21] =	ssyncadd.s32 $0xFFFFFE00  }
0x33: {  	[tilespmem:s22], [sflag:$0x4] =	stream.indirect.gather [hbm4b:s5+s6], $0x20, s6, s6, $0xb8;
	[tilespmem:$0x10400] =	vst v63  }
0x34: {  	v4 =	vld [tilespmem:s11+$0x80]  }
0x35: {  	v7 =	vld [tilespmem:s11+$0xA0]  }
0x36: {  	v2 =	vld [tilespmem:s11+$0xE0]  }
0x37: {  	v3 =	vld [tilespmem:s11+$0xFFFFFF00]  }
0x38: {  	s23 =	simm.s32 $0x4;
	v6 =	vld [tilespmem:s11+$0xFFFFFF20]  }
0x39: {  	s14 =	sand.u32 $0xC00, s3;
	s2 =	simm.s32 $0x3;
	s0 =	sand.u32 $0x74, s23;
	v5 =	vld [tilespmem:s11+$0xFFFFFF40]  }
0x3a: {  	s9 =	simm.s32 $0x2;
	s2 =	sand.u32 $0x73, s2;
	s7 =	sor.u32 s0, s14;
	v8 =	vld [tilespmem:s11+$0xFFFFFF60]  }
0x3b: {  	s29 =	simm.s32 $0x1;
	s24 =	sand.u32 $0x72, s9;
	s13 =	sor.u32 s2, s14;
	v10 =	vor.u32 s7, v0;
	v9 =	vld [tilespmem:s11+$0xFFFFFF80]  }
0x3c: {  	s25 =	simm.s32 $0xF;
	s0 =	sand.u32 $0x71, s29;
	v12 =	vor.u32 s13, v0;
	s19 =	sor.u32 s24, s14;
	v11 =	vld [tilespmem:s11+$0xFFFFFFA0]  }
0x3d: {  	s28 =	simm.s32 $0x7;
	s2 =	sand.u32 $0x7F, s25;
	s25 =	sor.u32 s0, s14;
	v14 =	vor.u32 s19, v0;
	v13 =	vld [tilespmem:s11+$0xFFFFFFC0]  }
0x3e: {  	s30 =	simm.s32 $0x5;
	s9 =	sand.u32 $0x77, s28;
	v20 =	vor.u32 s25, v0;
	s22 =	sor.u32 s2, s14;
	v15 =	vld [tilespmem:s11+$0x40]  }
0x3f: {  	s28 =	simm.s32 $0x6;
	s15 =	sor.u32 s9, s14;
	s9 =	sand.u32 $0x75, s30;
	v16 =	vld [tilespmem:s11+$0x0];
	v17 =	vor.u32 s22, v0  }
0x40: {  	s28 =	sand.u32 $0x76, s28;
	v18 =	vor.u32 s15, v0;
	s20 =	sor.u32 s9, s14;
	s2 =	simm.s32 $0x0;
	v19 =	vld [tilespmem:s11+$0xFFFFFFE0];
	[tilespmem:v10+s26+$0x0] =	vst.idx.msk $0xffff, v9  }
0x41: {  	s16 =	simm.s32 $0x8;
	s28 =	sor.u32 s28, s14;
	v21 =	vor.u32 s20, v0;
	s12 =	sand.u32 $0x70, s2;
	v9 =	vld [tilespmem:s11+$0xC0];
	[tilespmem:v12+s26+$0x0] =	vst.idx.msk $0xffff, v8  }
0x42: {  	s31 =	sand.u32 $0x78, s16;
	s17 =	simm.s32 $0xD;
	v24 =	vor.u32 s28, v0;
	s0 =	sor.u32 s12, s14;
	v12 =	vld [tilespmem:s11+$0x20];
	[tilespmem:v14+s26+$0x0] =	vst.idx.msk $0xffff, v5  }
0x43: {  	s9 =	sand.u32 $0x7D, s17;
	s21 =	sor.u32 s31, s14;
	v10 =	vor.u32 s0, v0;
	[tilespmem:v20+s26+$0x0] =	vst.idx.msk $0xffff, v6;
	v20 =	vld [tilespmem:s11+$0x60]  }
0x44: {  	s1 =	simm.s32 $0xA;
	s29 =	sor.u32 s9, s14;
	v14 =	vor.u32 s21, v0;
	[tilespmem:v17+s26+$0x0] =	vst.idx.msk $0xffff, v2;
	v23 =	vld [tilespmem:s11+$0xFFFFFF70]  }
0x45: {  	s23 =	simm.s32 $0xB;
	s30 =	simm.s32 $0xC;
	s18 =	sand.u32 $0x7A, s1;
	[tilespmem:v18+s26+$0x0] =	vst.idx.msk $0xffff, v19;
	v19 =	vor.u32 s29, v0;
	v22 =	vld [tilespmem:s11+$0xFFFFFF50]  }
0x46: {  	s30 =	sand.u32 $0x7C, s30;
	s16 =	sor.u32 s18, s14;
	s24 =	sand.u32 $0x7B, s23;
	[tilespmem:v21+s26+$0x0] =	vst.idx.msk $0xffff, v11;
	v5 =	vld [tilespmem:s11+$0xFFFFFF90]  }
0x47: {  	s17 =	simm.s32 $0x9;
	s9 =	sor.u32 s30, s14;
	s31 =	simm.s32 $0xE;
	v17 =	vor.u32 s16, v0;
	[tilespmem:v24+s26+$0x0] =	vst.idx.msk $0xffff, v13;
	v8 =	vld [tilespmem:s11+$0xFFFFFFF0]  }
0x48: {  	s17 =	sand.u32 $0x79, s17;
	s31 =	sand.u32 $0x7E, s31;
	s12 =	sor.u32 s24, s14;
	v11 =	vor.u32 s9, v0;
	v18 =	vld [tilespmem:s11+$0xFFFFFFB0];
	[tilespmem:v10+s26+$0x0] =	vst.idx.msk $0xffff, v3  }
0x49: {  	s30 =	sor.u32 s31, s14;
	s14 =	sor.u32 s17, s14;
	v10 =	vor.u32 s12, v0;
	[tilespmem:v14+s26+$0x0] =	vst.idx.msk $0xffff, v16;
	v3 =	vld [tilespmem:s11+$0xF0]  }
0x4a: {  	v16 =	vor.u32 s14, v0;
	[tilespmem:v19+s26+$0x0] =	vst.idx.msk $0xffff, v7;
	v19 =	vld [tilespmem:s11+$0xFFFFFFD0]  }
0x4b: {  	v14 =	vor.u32 s30, v0;
	v2 =	vld [tilespmem:s11+$0xFFFFFF10]  }
0x4c: {  	v63 =	vor.u32 s19, v1;
	[tilespmem:v17+s26+$0x0] =	vst.idx.msk $0xffff, v15;
	v6 =	vld [tilespmem:s11+$0x10]  }
0x4d: {  	v25 =	vor.u32 s13, v1;
	[tilespmem:v11+s26+$0x0] =	vst.idx.msk $0xffff, v4;
	v21 =	vld [tilespmem:s11+$0xB0]  }
0x4e: {  	v7 =	vor.u32 s29, v1;
	v13 =	vld [tilespmem:s11+$0x90];
	[tilespmem:v10+s26+$0x0] =	vst.idx.msk $0xffff, v20  }
0x4f: {  	[tilespmem:v16+s26+$0x0] =	vst.idx.msk $0xffff, v12;
	v16 =	vld [tilespmem:s11+$0x50]  }
0x50: {  	[tilespmem:v14+s26+$0x0] =	vst.idx.msk $0xffff, v9;
	v9 =	vor.u32 s20, v1;
	v14 =	vld [tilespmem:s11+$0xFFFFFF30]  }
0x51: {  	v11 =	vor.u32 s7, v1;
	[tilespmem:v63+s26+$0x0] =	vst.idx.msk $0xffff, v22;
	v22 =	vor.u32 s28, v1;
	v15 =	vld [tilespmem:s11+$0x70]  }
0x52: {  	[tilespmem:v25+s26+$0x0] =	vst.idx.msk $0xffff, v23;
	v10 =	vor.u32 s14, v1;
	v12 =	vor.u32 s15, v1;
	v20 =	vld [tilespmem:s11+$0xD0]  }
0x53: {  	s13 =	simm.s32 $0x700;
	v17 =	vld [tilespmem:s11+$0x30];
	[tilespmem:v7+s26+$0x0] =	vst.idx.msk $0xffff, v21;
	v7 =	vor.u32 s21, v1;
	v21 =	vor.u32 s30, v1;
	s11 =	simm.s32 $0x80  }
.LBB2_2:
0x54: {  	s7 =	sadd.s32 $0x12, s2  }
0x55: {  	s15 =	sadd.s32 $0x15, s2;
	v4 =	vld [tilespmem:s13+$0x80];
	[tilespmem:v9+s26+$0x0] =	vst.idx.msk $0xffff, v18;
	s14 =	smov.u32 s2;
	s2 =	sadd.s32 $0x10, s2  }
0x56: {  	v18 =	vor.u32 s12, v1;
	s17 =	sadd.s32 $0x11, s14;
	s21 =	sand.u32 $0x75, s15;
	s30 =	sadd.s32 $0x19, s14;
	v9 =	vld [tilespmem:s13+$0xA0];
	[tilespmem:v22+s26+$0x0] =	vst.idx.msk $0xffff, v19  }
0x57: {  	s20 =	sand.u32 $0x70, s2;
	s7 =	sand.u32 $0x72, s7;
	s12 =	sadd.s32 $0x1B, s14;
	v19 =	vld [tilespmem:s13+$0xE0];
	[tilespmem:v11+s26+$0x0] =	vst.idx.msk $0xffff, v5  }
0x58: {  	s15 =	sand.u32 $0xC00, s11;
	s19 =	sadd.s32 $0x13, s14;
	s12 =	sand.u32 $0x7B, s12;
	v5 =	vor.u32 s9, v1;
	v22 =	vld [tilespmem:s13+$0xFFFFFF00];
	[tilespmem:v21+s26+$0x0] =	vst.idx.msk $0xffff, v20  }
0x59: {  	s28 =	sadd.s32 $0x1C, s14;
	s9 =	sand.u32 $0x73, s19;
	s19 =	sadd.s32 $0x14, s14;
	v20 =	vld [tilespmem:s13+$0xFFFFFF20];
	[tilespmem:v12+s26+$0x0] =	vst.idx.msk $0xffff, v8;
	v8 =	vor.u32 s16, v1  }
0x5a: {  	s29 =	sadd.s32 $0x1D, s14;
	v11 =	vor.u32 s25, v1;
	s9 =	sor.u32 s9, s15;
	s16 =	sand.u32 $0x74, s19;
	v12 =	vld [tilespmem:s13+$0xFFFFFF40];
	[tilespmem:v10+s26+$0x0] =	vst.idx.msk $0xffff, v17;
	v10 =	vor.u32 s22, v1  }
0x5b: {  	v23 =	vor.u32 s0, v1;
	v21 =	vor.u32 s9, v0;
	s19 =	sadd.s32 $0x16, s14;
	s16 =	sor.u32 s16, s15;
	s22 =	sadd.s32 $0x1F, s14;
	v17 =	vld [tilespmem:s13+$0xFFFFFF60];
	[tilespmem:v18+s26+$0x0] =	vst.idx.msk $0xffff, v15  }
0x5c: {  	s0 =	sand.u32 $0x71, s17;
	s17 =	sand.u32 $0x76, s19;
	s19 =	sadd.s32 $0x17, s14;
	v18 =	vor.u32 s16, v0;
	v15 =	vld [tilespmem:s13+$0xFFFFFF80];
	[tilespmem:v7+s26+$0x0] =	vst.idx.msk $0xffff, v6  }
0x5d: {  	s25 =	sadd.s32 $0x18, s14;
	s19 =	sand.u32 $0x77, s19;
	s22 =	sand.u32 $0x7F, s22;
	v6 =	vld [tilespmem:s13+$0xFFFFFFA0];
	[tilespmem:v5+s26+$0x0] =	vst.idx.msk $0xffff, v13  }
0x5e: {  	s7 =	sor.u32 s7, s15;
	s31 =	sor.u32 s19, s15;
	s19 =	sand.u32 $0x78, s25;
	v13 =	vld [tilespmem:s13+$0xFFFFFFC0];
	[tilespmem:v8+s26+$0x0] =	vst.idx.msk $0xffff, v16  }
0x5f: {  	s23 =	sadd.s32 $0x1A, s14;
	s22 =	sor.u32 s22, s15;
	v5 =	vor.u32 s7, v0;
	v7 =	vor.u32 s31, v0;
	s18 =	sor.u32 s19, s15;
	v16 =	vld [tilespmem:s13+$0x40];
	[tilespmem:v10+s26+$0x0] =	vst.idx.msk $0xffff, v3  }
0x60: {  	s25 =	sor.u32 s0, s15;
	s19 =	sor.u32 s17, s15;
	s17 =	sand.u32 $0x7A, s23;
	v24 =	vor.u32 s18, v0;
	v8 =	vor.u32 s22, v0;
	v3 =	vld [tilespmem:s13+$0x0];
	[tilespmem:v11+s26+$0x0] =	vst.idx.msk $0xffff, v14  }
0x61: {  	s21 =	sor.u32 s21, s15;
	v25 =	vor.u32 s9, v1;
	s9 =	sand.u32 $0x7C, s28;
	s23 =	sand.u32 $0x7D, s29;
	v14 =	vld [tilespmem:s13+$0xFFFFFFE0];
	[tilespmem:v23+s26+$0x0] =	vst.idx.msk $0xffff, v2  }
0x62: {  	s9 =	sor.u32 s9, s15;
	s0 =	sor.u32 s20, s15;
	v11 =	vor.u32 s16, v1;
	s16 =	sand.u32 $0x79, s30;
	v2 =	vor.u32 s25, v0;
	[tilespmem:v18+s26+$0x0] =	vst.idx.msk $0xffff, v15;
	v23 =	vld [tilespmem:s13+$0xC0]  }
0x63: {  	s12 =	sor.u32 s12, s15;
	s23 =	sor.u32 s23, s15;
	s20 =	sor.u32 s16, s15;
	v15 =	vor.u32 s0, v0;
	[tilespmem:v21+s26+$0x0] =	vst.idx.msk $0xffff, v17;
	v17 =	vor.u32 s21, v0;
	v21 =	vld [tilespmem:s13+$0x20]  }
0x64: {  	p0 =	slt.u32 s2, $0x1F0;
	s16 =	sor.u32 s17, s15;
	v10 =	vor.u32 s20, v1;
	[tilespmem:v5+s26+$0x0] =	vst.idx.msk $0xffff, v12;
	v26 =	vld [tilespmem:s13+$0xFFFFFF70]  }
0x65: {  	v28 =	vor.u32 s19, v0;
	v12 =	vor.u32 s31, v1;
	v27 =	vld [tilespmem:s13+$0xFFFFFF50];
	[tilespmem:v8+s26+$0x0] =	vst.idx.msk $0xffff, v19  }
0x66: {  	v5 =	vld [tilespmem:s13+$0xFFFFFF90];
	[tilespmem:v7+s26+$0x0] =	vst.idx.msk $0xffff, v14;
	v7 =	vor.u32 s18, v1;
	v14 =	vor.u32 s16, v0  }
0x67: {  	s14 =	sadd.s32 $0x1E, s14;
	v19 =	vor.u32 s23, v0;
	[tilespmem:v2+s26+$0x0] =	vst.idx.msk $0xffff, v20;
	v20 =	vld [tilespmem:s13+$0x60]  }
0x68: {  	s14 =	sand.u32 $0x7E, s14;
	[tilespmem:v15+s26+$0x0] =	vst.idx.msk $0xffff, v22;
	v8 =	vld [tilespmem:s13+$0xFFFFFFF0]  }
0x69: {  	s14 =	sor.u32 s14, s15;
	v15 =	vor.u32 s12, v0;
	v2 =	vld [tilespmem:s13+$0xFFFFFF10];
	[tilespmem:v17+s26+$0x0] =	vst.idx.msk $0xffff, v6;
	v17 =	vor.u32 s9, v0  }
0x6a: {  	v22 =	vor.u32 s14, v0;
	[tilespmem:v24+s26+$0x0] =	vst.idx.msk $0xffff, v3;
	v3 =	vld [tilespmem:s13+$0xF0]  }
0x6b: {  	v6 =	vld [tilespmem:s13+$0x10];
	[tilespmem:v14+s26+$0x0] =	vst.idx.msk $0xffff, v16  }
0x6c: {  	v14 =	vor.u32 s20, v0;
	v18 =	vld [tilespmem:s13+$0xFFFFFFB0];
	[tilespmem:v19+s26+$0x0] =	vst.idx.msk $0xffff, v9  }
0x6d: {  	v24 =	vor.u32 s23, v1;
	[tilespmem:v28+s26+$0x0] =	vst.idx.msk $0xffff, v13;
	v16 =	vld [tilespmem:s13+$0xB0]  }
0x6e: {  	v9 =	vor.u32 s21, v1;
	v28 =	vor.u32 s7, v1;
	v19 =	vld [tilespmem:s13+$0xFFFFFFD0];
	[tilespmem:v15+s26+$0x0] =	vst.idx.msk $0xffff, v20  }
0x6f: {  	v15 =	vld [tilespmem:s13+$0x70];
	[tilespmem:v17+s26+$0x0] =	vst.idx.msk $0xffff, v4  }
.Ltmp0:
0x70: {  	v13 =	vld [tilespmem:s13+$0x90];
	[tilespmem:v22+s26+$0x0] =	vst.idx.msk $0xffff, v23;
	(pc) =	sbr.rel @p0 .LBB2_2-.Ltmp0, $4  }
0x71: {  	v22 =	vor.u32 s19, v1;
	[tilespmem:v14+s26+$0x0] =	vst.idx.msk $0xffff, v21;
	v20 =	vld [tilespmem:s13+$0xD0]  }
0x72: {  	v17 =	vld [tilespmem:s13+$0x30];
	[tilespmem:v24+s26+$0x0] =	vst.idx.msk $0xffff, v16  }
0x73: {  	v21 =	vor.u32 s14, v1;
	[tilespmem:v28+s26+$0x0] =	vst.idx.msk $0xffff, v27;
	v16 =	vld [tilespmem:s13+$0x50]  }
0x74: {  	s11 =	sadd.s32 $0x80, s11;
	v14 =	vld [tilespmem:s13+$0xFFFFFF30];
	[tilespmem:v25+s26+$0x0] =	vst.idx.msk $0xffff, v26;
	s13 =	sadd.s32 $0x200, s13  }
0x75: {  	_ =	sdelay $0x3  }
0x76: {  	[tilespmem:v9+s26+$0x0] =	vst.idx.msk $0xffff, v18  }
0x77: {  	[tilespmem:v22+s26+$0x0] =	vst.idx.msk $0xffff, v19  }
0x78: {  	v4 =	vor.u32 s12, v1;
	[tilespmem:v11+s26+$0x0] =	vst.idx.msk $0xffff, v5  }
0x79: {  	v5 =	vor.u32 s9, v1;
	[tilespmem:v12+s26+$0x0] =	vst.idx.msk $0xffff, v8  }
0x7a: {  	v8 =	vor.u32 s16, v1;
	[tilespmem:v7+s26+$0x0] =	vst.idx.msk $0xffff, v6  }
0x7b: {  	v9 =	vor.u32 s22, v1;
	[tilespmem:v21+s26+$0x0] =	vst.idx.msk $0xffff, v20  }
0x7c: {  	[tilespmem:v10+s26+$0x0] =	vst.idx.msk $0xffff, v17;
	v10 =	vor.u32 s25, v1  }
0x7d: {  	[tilespmem:v4+s26+$0x0] =	vst.idx.msk $0xffff, v15;
	v4 =	vor.u32 s0, v1  }
0x7e: {  	[tilespmem:v5+s26+$0x0] =	vst.idx.msk $0xffff, v13  }
0x7f: {  	[tilespmem:v8+s26+$0x0] =	vst.idx.msk $0xffff, v16  }
0x80: {  	[tilespmem:v9+s26+$0x0] =	vst.idx.msk $0xffff, v3  }
0x81: {  	[tilespmem:v10+s26+$0x0] =	vst.idx.msk $0xffff, v14  }
0x82: {  	[tilespmem:v4+s26+$0x0] =	vst.idx.msk $0xffff, v2  }
0x83: {  	s9 =	simm.s32 $0x0;
	s1 =	rddreg [dreg:$0x7]  }
0x84: {  	[hbm4b:s1+s9] =	stream.linear.scatter [tilespmem:s26], [sflag:$0x5], $0x1000, $0x38;
	[tilespmem:$0x10400] =	vst v63  }
0x85: {  	s2 =	simm.s32 $0x9400;
	s11 =	rddreg [dreg:$0x8]  }
0x86: {  	[hbm4b:s11+s9] =	stream.linear.scatter [tilespmem:s2], [sflag:$0x5], $0x1000, $0x38;
	[tilespmem:$0x10400] =	vst v63  }
0x87: {  	s13 =	simm.s32 $0xA400;
	s12 =	rddreg [dreg:$0xa]  }
0x88: {  	[hbm4b:s12+s9] =	stream.linear.scatter [tilespmem:s13], [sflag:$0x5], $0x1000, $0x38;
	[tilespmem:$0x10400] =	vst v63  }
0x89: {  	s15 =	simm.s32 $0xB400;
	s14 =	rddreg [dreg:$0xd]  }
0x8a: {  	[hbm4b:s14+s9] =	stream.linear.scatter [tilespmem:s15], [sflag:$0x5], $0x1000, $0x38;
	[tilespmem:$0x10400] =	vst v63  }
0x8b: {  	s17 =	simm.s32 $0x4;
	s16 =	rddreg [dreg:$0xe]  }
0x8c: {  	[tilespmem:s9], [sflag:$0x1] =	stream.linear.gather [hbm4b:s16+s9], $0x200, $0x38;
	[tilespmem:$0x10400] =	vst v63  }
0x8d: {  	_ =	swait.ge [sflag:s17], $0x4000  }
0x8e: {  	[sflag:s17] =	ssyncset.done $0x0  }
0x8f: {  	s18 =	simm.s32 $0x1;
	[sflag:s17] =	ssyncadd.s32 $0xFFFFC000  }
0x90: {  	_ =	swait.ge [sflag:s18], $0x200  }
0x91: {  	[sflag:s18] =	ssyncset.done $0x0  }
0x92: {  	s19 =	simm.s32 $0x400;
	s11 =	simm.s32 $0x4500;
	[sflag:s18] =	ssyncadd.s32 $0xFFFFFE00  }
0x93: {  	[tilespmem:s19], [sflag:$0x3] =	stream.indirect.gather [hbm4b:s5+s6], $0x20, s9, s6, $0xb8;
	[tilespmem:$0x10400] =	vst v63  }
0x94: {  	v4 =	vld [tilespmem:s11+$0x80]  }
0x95: {  	v7 =	vld [tilespmem:s11+$0xA0]  }
0x96: {  	v2 =	vld [tilespmem:s11+$0xE0]  }
0x97: {  	v3 =	vld [tilespmem:s11+$0xFFFFFF00]  }
0x98: {  	s20 =	simm.s32 $0x4;
	s21 =	simm.s32 $0x3;
	s22 =	simm.s32 $0x2;
	v6 =	vld [tilespmem:s11+$0xFFFFFF20]  }
0x99: {  	s24 =	simm.s32 $0xF;
	s2 =	sand.u32 $0x74, s20;
	s14 =	sand.u32 $0xC00, s9;
	v5 =	vld [tilespmem:s11+$0xFFFFFF40]  }
0x9a: {  	s28 =	simm.s32 $0x1;
	s0 =	sand.u32 $0x73, s21;
	s7 =	sor.u32 s2, s14;
	v8 =	vld [tilespmem:s11+$0xFFFFFF60]  }
0x9b: {  	s23 =	sand.u32 $0x72, s22;
	s29 =	sand.u32 $0x71, s28;
	s13 =	sor.u32 s0, s14;
	v10 =	vor.u32 s7, v0;
	v9 =	vld [tilespmem:s11+$0xFFFFFF80]  }
0x9c: {  	s25 =	simm.s32 $0x7;
	s0 =	sand.u32 $0x7F, s24;
	v12 =	vor.u32 s13, v0;
	s19 =	sor.u32 s23, s14;
	v11 =	vld [tilespmem:s11+$0xFFFFFFA0]  }
0x9d: {  	s17 =	simm.s32 $0xA;
	s9 =	sand.u32 $0x77, s25;
	s25 =	sor.u32 s29, s14;
	v13 =	vld [tilespmem:s11+$0xFFFFFFC0];
	v14 =	vor.u32 s19, v0  }
0x9e: {  	s30 =	simm.s32 $0x5;
	s22 =	sor.u32 s0, s14;
	s23 =	sand.u32 $0x7A, s17;
	v15 =	vld [tilespmem:s11+$0x40];
	v20 =	vor.u32 s25, v0  }
0x9f: {  	v17 =	vor.u32 s22, v0;
	s17 =	simm.s32 $0x6;
	s15 =	sor.u32 s9, s14;
	v16 =	vld [tilespmem:s11+$0x0];
	s9 =	sand.u32 $0x75, s30  }
0xa0: {  	s2 =	simm.s32 $0x0;
	v19 =	vld [tilespmem:s11+$0xFFFFFFE0];
	s17 =	sand.u32 $0x76, s17;
	v18 =	vor.u32 s15, v0;
	s20 =	sor.u32 s9, s14;
	[tilespmem:v10+s8+$0x0] =	vst.idx.msk $0xffff, v9  }
0xa1: {  	s1 =	simm.s32 $0x8;
	s31 =	sand.u32 $0x70, s2;
	s17 =	sor.u32 s17, s14;
	v21 =	vor.u32 s20, v0;
	v9 =	vld [tilespmem:s11+$0xC0];
	[tilespmem:v12+s8+$0x0] =	vst.idx.msk $0xffff, v8  }
0xa2: {  	s16 =	sand.u32 $0x78, s1;
	s0 =	sor.u32 s31, s14;
	v24 =	vor.u32 s17, v0;
	v12 =	vld [tilespmem:s11+$0x20];
	[tilespmem:v14+s8+$0x0] =	vst.idx.msk $0xffff, v5  }
0xa3: {  	s21 =	sor.u32 s16, s14;
	s18 =	simm.s32 $0xD;
	v10 =	vor.u32 s0, v0;
	[tilespmem:v20+s8+$0x0] =	vst.idx.msk $0xffff, v6;
	v20 =	vld [tilespmem:s11+$0x60]  }
0xa4: {  	s24 =	simm.s32 $0xB;
	s16 =	sor.u32 s23, s14;
	s9 =	sand.u32 $0x7D, s18;
	v14 =	vor.u32 s21, v0;
	[tilespmem:v17+s8+$0x0] =	vst.idx.msk $0xffff, v2;
	v23 =	vld [tilespmem:s11+$0xFFFFFF70]  }
0xa5: {  	s28 =	sand.u32 $0x7B, s24;
	s29 =	simm.s32 $0xC;
	s18 =	sor.u32 s9, s14;
	v17 =	vor.u32 s16, v0;
	v22 =	vld [tilespmem:s11+$0xFFFFFF50];
	[tilespmem:v18+s8+$0x0] =	vst.idx.msk $0xffff, v19  }
0xa6: {  	s12 =	sor.u32 s28, s14;
	s23 =	sand.u32 $0x7C, s29;
	v5 =	vld [tilespmem:s11+$0xFFFFFF90];
	v19 =	vor.u32 s18, v0;
	[tilespmem:v21+s8+$0x0] =	vst.idx.msk $0xffff, v11  }
0xa7: {  	s28 =	simm.s32 $0xE;
	s29 =	simm.s32 $0x9;
	v63 =	vor.u32 s19, v1;
	s9 =	sor.u32 s23, s14;
	v8 =	vld [tilespmem:s11+$0xFFFFFFF0];
	[tilespmem:v24+s8+$0x0] =	vst.idx.msk $0xffff, v13  }
0xa8: {  	s30 =	sand.u32 $0x7E, s28;
	s31 =	sand.u32 $0x79, s29;
	v11 =	vor.u32 s9, v0;
	v18 =	vld [tilespmem:s11+$0xFFFFFFB0];
	[tilespmem:v10+s8+$0x0] =	vst.idx.msk $0xffff, v3  }
0xa9: {  	s23 =	sor.u32 s30, s14;
	s14 =	sor.u32 s31, s14;
	v10 =	vor.u32 s12, v0;
	[tilespmem:v14+s8+$0x0] =	vst.idx.msk $0xffff, v16;
	v3 =	vld [tilespmem:s11+$0xF0]  }
0xaa: {  	[tilespmem:v17+s8+$0x0] =	vst.idx.msk $0xffff, v15;
	v16 =	vor.u32 s14, v0;
	v2 =	vld [tilespmem:s11+$0xFFFFFF10]  }
0xab: {  	v14 =	vor.u32 s23, v0;
	v6 =	vld [tilespmem:s11+$0x10];
	[tilespmem:v19+s8+$0x0] =	vst.idx.msk $0xffff, v7  }
0xac: {  	v25 =	vor.u32 s13, v1;
	v19 =	vld [tilespmem:s11+$0xFFFFFFD0];
	[tilespmem:v63+s8+$0x0] =	vst.idx.msk $0xffff, v22  }
0xad: {  	v21 =	vld [tilespmem:s11+$0xB0];
	[tilespmem:v11+s8+$0x0] =	vst.idx.msk $0xffff, v4  }
0xae: {  	v7 =	vor.u32 s18, v1;
	v13 =	vld [tilespmem:s11+$0x90];
	[tilespmem:v10+s8+$0x0] =	vst.idx.msk $0xffff, v20  }
0xaf: {  	[tilespmem:v16+s8+$0x0] =	vst.idx.msk $0xffff, v12;
	v16 =	vld [tilespmem:s11+$0x50]  }
0xb0: {  	[tilespmem:v14+s8+$0x0] =	vst.idx.msk $0xffff, v9;
	v9 =	vor.u32 s20, v1;
	v14 =	vld [tilespmem:s11+$0xFFFFFF30]  }
0xb1: {  	v22 =	vor.u32 s17, v1;
	[tilespmem:v25+s8+$0x0] =	vst.idx.msk $0xffff, v23;
	v15 =	vld [tilespmem:s11+$0x70]  }
0xb2: {  	v11 =	vor.u32 s7, v1;
	v10 =	vor.u32 s14, v1;
	v12 =	vor.u32 s15, v1;
	v20 =	vld [tilespmem:s11+$0xD0]  }
0xb3: {  	s13 =	simm.s32 $0x4700;
	v17 =	vld [tilespmem:s11+$0x30];
	s11 =	simm.s32 $0x80;
	[tilespmem:v7+s8+$0x0] =	vst.idx.msk $0xffff, v21;
	v7 =	vor.u32 s21, v1;
	v21 =	vor.u32 s23, v1  }
.LBB2_4:
0xb4: {  	s7 =	sadd.s32 $0x12, s2  }
0xb5: {  	s15 =	sadd.s32 $0x15, s2;
	v4 =	vld [tilespmem:s13+$0x80];
	[tilespmem:v9+s8+$0x0] =	vst.idx.msk $0xffff, v18;
	s14 =	smov.u32 s2;
	s2 =	sadd.s32 $0x10, s2  }
0xb6: {  	v18 =	vor.u32 s12, v1;
	s17 =	sadd.s32 $0x11, s14;
	s21 =	sand.u32 $0x75, s15;
	s30 =	sadd.s32 $0x19, s14;
	v9 =	vld [tilespmem:s13+$0xA0];
	[tilespmem:v22+s8+$0x0] =	vst.idx.msk $0xffff, v19  }
0xb7: {  	s20 =	sand.u32 $0x70, s2;
	s7 =	sand.u32 $0x72, s7;
	s12 =	sadd.s32 $0x1B, s14;
	v19 =	vld [tilespmem:s13+$0xE0];
	[tilespmem:v11+s8+$0x0] =	vst.idx.msk $0xffff, v5  }
0xb8: {  	s15 =	sand.u32 $0xC00, s11;
	s18 =	sadd.s32 $0x13, s14;
	s12 =	sand.u32 $0x7B, s12;
	v5 =	vor.u32 s9, v1;
	v22 =	vld [tilespmem:s13+$0xFFFFFF00];
	[tilespmem:v21+s8+$0x0] =	vst.idx.msk $0xffff, v20  }
0xb9: {  	s23 =	sadd.s32 $0x1C, s14;
	s9 =	sand.u32 $0x73, s18;
	s18 =	sadd.s32 $0x14, s14;
	v20 =	vld [tilespmem:s13+$0xFFFFFF20];
	[tilespmem:v12+s8+$0x0] =	vst.idx.msk $0xffff, v8;
	v8 =	vor.u32 s16, v1  }
0xba: {  	v11 =	vor.u32 s25, v1;
	s9 =	sor.u32 s9, s15;
	s16 =	sand.u32 $0x74, s18;
	s18 =	sadd.s32 $0x1D, s14;
	v12 =	vld [tilespmem:s13+$0xFFFFFF40];
	[tilespmem:v10+s8+$0x0] =	vst.idx.msk $0xffff, v17;
	v10 =	vor.u32 s22, v1  }
0xbb: {  	v23 =	vor.u32 s0, v1;
	s19 =	sadd.s32 $0x16, s14;
	v21 =	vor.u32 s9, v0;
	s16 =	sor.u32 s16, s15;
	s22 =	sadd.s32 $0x1F, s14;
	v17 =	vld [tilespmem:s13+$0xFFFFFF60];
	[tilespmem:v18+s8+$0x0] =	vst.idx.msk $0xffff, v15  }
0xbc: {  	s0 =	sand.u32 $0x71, s17;
	s17 =	sand.u32 $0x76, s19;
	s19 =	sadd.s32 $0x17, s14;
	v18 =	vor.u32 s16, v0;
	v15 =	vld [tilespmem:s13+$0xFFFFFF80];
	[tilespmem:v7+s8+$0x0] =	vst.idx.msk $0xffff, v6  }
0xbd: {  	s25 =	sadd.s32 $0x18, s14;
	s19 =	sand.u32 $0x77, s19;
	s22 =	sand.u32 $0x7F, s22;
	v6 =	vld [tilespmem:s13+$0xFFFFFFA0];
	[tilespmem:v5+s8+$0x0] =	vst.idx.msk $0xffff, v13  }
0xbe: {  	s7 =	sor.u32 s7, s15;
	s28 =	sor.u32 s19, s15;
	s19 =	sand.u32 $0x78, s25;
	v13 =	vld [tilespmem:s13+$0xFFFFFFC0];
	[tilespmem:v8+s8+$0x0] =	vst.idx.msk $0xffff, v16  }
0xbf: {  	s31 =	sadd.s32 $0x1A, s14;
	s29 =	sor.u32 s19, s15;
	v7 =	vor.u32 s28, v0;
	s22 =	sor.u32 s22, s15;
	v5 =	vor.u32 s7, v0;
	v16 =	vld [tilespmem:s13+$0x40];
	[tilespmem:v10+s8+$0x0] =	vst.idx.msk $0xffff, v3  }
0xc0: {  	s25 =	sor.u32 s0, s15;
	s19 =	sor.u32 s17, s15;
	s17 =	sand.u32 $0x7A, s31;
	v24 =	vor.u32 s29, v0;
	v8 =	vor.u32 s22, v0;
	v3 =	vld [tilespmem:s13+$0x0];
	[tilespmem:v11+s8+$0x0] =	vst.idx.msk $0xffff, v14  }
0xc1: {  	s21 =	sor.u32 s21, s15;
	v25 =	vor.u32 s9, v1;
	s9 =	sand.u32 $0x7C, s23;
	s18 =	sand.u32 $0x7D, s18;
	v14 =	vld [tilespmem:s13+$0xFFFFFFE0];
	[tilespmem:v23+s8+$0x0] =	vst.idx.msk $0xffff, v2  }
0xc2: {  	s0 =	sor.u32 s20, s15;
	s9 =	sor.u32 s9, s15;
	v11 =	vor.u32 s16, v1;
	s16 =	sand.u32 $0x79, s30;
	v2 =	vor.u32 s25, v0;
	[tilespmem:v18+s8+$0x0] =	vst.idx.msk $0xffff, v15;
	v23 =	vld [tilespmem:s13+$0xC0]  }
0xc3: {  	s12 =	sor.u32 s12, s15;
	s18 =	sor.u32 s18, s15;
	s20 =	sor.u32 s16, s15;
	v15 =	vor.u32 s0, v0;
	[tilespmem:v21+s8+$0x0] =	vst.idx.msk $0xffff, v17;
	v17 =	vor.u32 s21, v0;
	v21 =	vld [tilespmem:s13+$0x20]  }
0xc4: {  	p0 =	slt.u32 s2, $0x1F0;
	s16 =	sor.u32 s17, s15;
	v10 =	vor.u32 s20, v1;
	[tilespmem:v5+s8+$0x0] =	vst.idx.msk $0xffff, v12;
	v26 =	vld [tilespmem:s13+$0xFFFFFF70]  }
0xc5: {  	v28 =	vor.u32 s19, v0;
	v12 =	vor.u32 s28, v1;
	v27 =	vld [tilespmem:s13+$0xFFFFFF50];
	[tilespmem:v8+s8+$0x0] =	vst.idx.msk $0xffff, v19  }
0xc6: {  	v5 =	vld [tilespmem:s13+$0xFFFFFF90];
	[tilespmem:v7+s8+$0x0] =	vst.idx.msk $0xffff, v14;
	v7 =	vor.u32 s29, v1;
	v14 =	vor.u32 s16, v0  }
0xc7: {  	s14 =	sadd.s32 $0x1E, s14;
	v19 =	vor.u32 s18, v0;
	[tilespmem:v2+s8+$0x0] =	vst.idx.msk $0xffff, v20;
	v20 =	vld [tilespmem:s13+$0x60]  }
0xc8: {  	s14 =	sand.u32 $0x7E, s14;
	[tilespmem:v15+s8+$0x0] =	vst.idx.msk $0xffff, v22;
	v8 =	vld [tilespmem:s13+$0xFFFFFFF0]  }
0xc9: {  	s14 =	sor.u32 s14, s15;
	v15 =	vor.u32 s12, v0;
	v2 =	vld [tilespmem:s13+$0xFFFFFF10];
	[tilespmem:v17+s8+$0x0] =	vst.idx.msk $0xffff, v6;
	v17 =	vor.u32 s9, v0  }
0xca: {  	v22 =	vor.u32 s14, v0;
	[tilespmem:v24+s8+$0x0] =	vst.idx.msk $0xffff, v3;
	v3 =	vld [tilespmem:s13+$0xF0]  }
0xcb: {  	v6 =	vld [tilespmem:s13+$0x10];
	[tilespmem:v14+s8+$0x0] =	vst.idx.msk $0xffff, v16  }
0xcc: {  	v14 =	vor.u32 s20, v0;
	v18 =	vld [tilespmem:s13+$0xFFFFFFB0];
	[tilespmem:v19+s8+$0x0] =	vst.idx.msk $0xffff, v9  }
0xcd: {  	v24 =	vor.u32 s18, v1;
	[tilespmem:v28+s8+$0x0] =	vst.idx.msk $0xffff, v13;
	v16 =	vld [tilespmem:s13+$0xB0]  }
0xce: {  	v9 =	vor.u32 s21, v1;
	v28 =	vor.u32 s7, v1;
	v19 =	vld [tilespmem:s13+$0xFFFFFFD0];
	[tilespmem:v15+s8+$0x0] =	vst.idx.msk $0xffff, v20  }
0xcf: {  	v15 =	vld [tilespmem:s13+$0x70];
	[tilespmem:v17+s8+$0x0] =	vst.idx.msk $0xffff, v4  }
.Ltmp1:
0xd0: {  	v13 =	vld [tilespmem:s13+$0x90];
	[tilespmem:v22+s8+$0x0] =	vst.idx.msk $0xffff, v23;
	(pc) =	sbr.rel @p0 .LBB2_4-.Ltmp1, $4  }
0xd1: {  	v22 =	vor.u32 s19, v1;
	[tilespmem:v14+s8+$0x0] =	vst.idx.msk $0xffff, v21;
	v20 =	vld [tilespmem:s13+$0xD0]  }
0xd2: {  	v17 =	vld [tilespmem:s13+$0x30];
	[tilespmem:v24+s8+$0x0] =	vst.idx.msk $0xffff, v16  }
0xd3: {  	v21 =	vor.u32 s14, v1;
	[tilespmem:v28+s8+$0x0] =	vst.idx.msk $0xffff, v27;
	v16 =	vld [tilespmem:s13+$0x50]  }
0xd4: {  	s11 =	sadd.s32 $0x80, s11;
	v14 =	vld [tilespmem:s13+$0xFFFFFF30];
	[tilespmem:v25+s8+$0x0] =	vst.idx.msk $0xffff, v26;
	s13 =	sadd.s32 $0x200, s13  }
0xd5: {  	_ =	sdelay $0x3  }
0xd6: {  	[tilespmem:v9+s8+$0x0] =	vst.idx.msk $0xffff, v18  }
0xd7: {  	[tilespmem:v22+s8+$0x0] =	vst.idx.msk $0xffff, v19  }
0xd8: {  	v4 =	vor.u32 s12, v1;
	[tilespmem:v11+s8+$0x0] =	vst.idx.msk $0xffff, v5  }
0xd9: {  	v59 =	vor.u32 s9, v1;
	[tilespmem:v12+s8+$0x0] =	vst.idx.msk $0xffff, v8  }
0xda: {  	v60 =	vor.u32 s16, v1;
	[tilespmem:v7+s8+$0x0] =	vst.idx.msk $0xffff, v6  }
0xdb: {  	v61 =	vor.u32 s22, v1;
	[tilespmem:v21+s8+$0x0] =	vst.idx.msk $0xffff, v20  }
0xdc: {  	v62 =	vor.u32 s25, v1;
	[tilespmem:v10+s8+$0x0] =	vst.idx.msk $0xffff, v17  }
0xdd: {  	v63 =	vor.u32 s0, v1;
	[tilespmem:v4+s8+$0x0] =	vst.idx.msk $0xffff, v15  }
0xde: {  	[tilespmem:v59+s8+$0x0] =	vst.idx.msk $0xffff, v13  }
0xdf: {  	[tilespmem:v60+s8+$0x0] =	vst.idx.msk $0xffff, v16  }
0xe0: {  	[tilespmem:v61+s8+$0x0] =	vst.idx.msk $0xffff, v3  }
0xe1: {  	[tilespmem:v62+s8+$0x0] =	vst.idx.msk $0xffff, v14  }
0xe2: {  	[tilespmem:v63+s8+$0x0] =	vst.idx.msk $0xffff, v2  }
0xe3: {  	s23 =	rddreg [dreg:$0xf]  }
0xe4: {  	[hbm4b:s23+s3] =	stream.linear.scatter [tilespmem:s8], [sflag:$0x6], $0x1000, $0x38;
	[tilespmem:$0x10400] =	vst v63  }
0xe5: {  	s1 =	simm.s32 $0xD400;
	s24 =	rddreg [dreg:$0x13]  }
0xe6: {  	[hbm4b:s24+s3] =	stream.linear.scatter [tilespmem:s1], [sflag:$0x6], $0x1000, $0x38;
	[tilespmem:$0x10400] =	vst v63  }
0xe7: {  	s28 =	simm.s32 $0xE400;
	s25 =	rddreg [dreg:$0x14]  }
0xe8: {  	[hbm4b:s25+s3] =	stream.linear.scatter [tilespmem:s28], [sflag:$0x6], $0x1000, $0x38;
	[tilespmem:$0x10400] =	vst v63  }
0xe9: {  	s30 =	simm.s32 $0xF400;
	s29 =	rddreg [dreg:$0x15]  }
0xea: {  	[hbm4b:s29+s3] =	stream.linear.scatter [tilespmem:s30], [sflag:$0x6], $0x1000, $0x38;
	[tilespmem:$0x10400] =	vst v63  }
0xeb: {  	s2 =	simm.s32 $0x1;
	s31 =	rddreg [dreg:$0x17]  }
0xec: {  	[tilespmem:s6], [sflag:$0x2] =	stream.linear.gather [hbm4b:s31+s3], $0x200, $0x38;
	[tilespmem:$0x10400] =	vst v63  }
.LBB2_6:
0xed: {  	s0 =	simm.s32 $0x3  }
0xee: {  	_ =	swait.ge [sflag:s0], $0x4000  }
0xef: {  	[sflag:s0] =	ssyncset.done $0x0  }
0xf0: {  	s11 =	simm.s32 $0x2;
	[sflag:s0] =	ssyncadd.s32 $0xFFFFC000  }
0xf1: {  	_ =	swait.ge [sflag:s11], $0x200  }
0xf2: {  	[sflag:s11] =	ssyncset.done $0x0  }
0xf3: {  	s12 =	simm.s32 $0x4400;
	s13 =	simm.s32 $0x5;
	[sflag:s11] =	ssyncadd.s32 $0xFFFFFE00  }
0xf4: {  	[tilespmem:s12], [sflag:$0x4] =	stream.indirect.gather [hbm4b:s5+s6], $0x20, s6, s6, $0xb8;
	[tilespmem:$0x10400] =	vst v63  }
0xf5: {  	_ =	swait.ge [sflag:s13], $0x4000  }
0xf6: {  	[sflag:s13] =	ssyncset.done $0x0  }
0xf7: {  	s11 =	simm.s32 $0x500;
	[sflag:s13] =	ssyncadd.s32 $0xFFFFC000  }
0xf8: {  	v4 =	vld [tilespmem:s11+$0x80]  }
0xf9: {  	v7 =	vld [tilespmem:s11+$0xA0]  }
0xfa: {  	v2 =	vld [tilespmem:s11+$0xE0]  }
0xfb: {  	v3 =	vld [tilespmem:s11+$0xFFFFFF00]  }
0xfc: {  	s14 =	simm.s32 $0x0;
	s7 =	simm.s32 $0x4;
	v6 =	vld [tilespmem:s11+$0xFFFFFF20]  }
0xfd: {  	s15 =	simm.s32 $0x3;
	s14 =	sand.u32 $0xC00, s14;
	s7 =	sand.u32 $0x74, s7;
	v5 =	vld [tilespmem:s11+$0xFFFFFF40]  }
0xfe: {  	s9 =	simm.s32 $0x2;
	s7 =	sor.u32 s7, s14;
	s0 =	sand.u32 $0x73, s15;
	v8 =	vld [tilespmem:s11+$0xFFFFFF60]  }
0xff: {  	s17 =	simm.s32 $0x1;
	s9 =	sand.u32 $0x72, s9;
	v10 =	vor.u32 s7, v0;
	s13 =	sor.u32 s0, s14;
	v9 =	vld [tilespmem:s11+$0xFFFFFF80]  }
0x100: {  	s18 =	sand.u32 $0x71, s17;
	s19 =	sor.u32 s9, s14;
	s12 =	simm.s32 $0x7;
	v11 =	vld [tilespmem:s11+$0xFFFFFFA0];
	v12 =	vor.u32 s13, v0  }
0x101: {  	s20 =	simm.s32 $0x5;
	s30 =	sor.u32 s18, s14;
	v14 =	vor.u32 s19, v0;
	s12 =	sand.u32 $0x77, s12;
	v13 =	vld [tilespmem:s11+$0xFFFFFFC0]  }
0x102: {  	s17 =	simm.s32 $0x6;
	s9 =	sand.u32 $0x75, s20;
	v20 =	vor.u32 s30, v0;
	s15 =	sor.u32 s12, s14;
	v15 =	vld [tilespmem:s11+$0x40]  }
0x103: {  	s16 =	simm.s32 $0xF;
	s17 =	sand.u32 $0x76, s17;
	s20 =	sor.u32 s9, s14;
	v18 =	vor.u32 s15, v0;
	v19 =	vld [tilespmem:s11+$0xFFFFFFE0]  }
0x104: {  	s22 =	simm.s32 $0x0;
	s17 =	sor.u32 s17, s14;
	v21 =	vor.u32 s20, v0;
	s0 =	sand.u32 $0x7F, s16;
	v16 =	vld [tilespmem:s11+$0x0];
	[tilespmem:v10+s26+$0x0] =	vst.idx.msk $0xffff, v9  }
0x105: {  	s21 =	sand.u32 $0x70, s22;
	v24 =	vor.u32 s17, v0;
	s16 =	simm.s32 $0x8;
	s25 =	sor.u32 s0, s14;
	v9 =	vld [tilespmem:s11+$0xC0];
	[tilespmem:v12+s26+$0x0] =	vst.idx.msk $0xffff, v8  }
0x106: {  	s28 =	simm.s32 $0xD;
	s0 =	sor.u32 s21, s14;
	s23 =	sand.u32 $0x78, s16;
	v17 =	vor.u32 s25, v0;
	v12 =	vld [tilespmem:s11+$0x20];
	[tilespmem:v14+s26+$0x0] =	vst.idx.msk $0xffff, v5  }
0x107: {  	s9 =	sand.u32 $0x7D, s28;
	s21 =	sor.u32 s23, s14;
	v10 =	vor.u32 s0, v0;
	[tilespmem:v20+s26+$0x0] =	vst.idx.msk $0xffff, v6;
	v20 =	vld [tilespmem:s11+$0x60]  }
0x108: {  	s18 =	sor.u32 s9, s14;
	s23 =	simm.s32 $0xC;
	v14 =	vor.u32 s21, v0;
	[tilespmem:v18+s26+$0x0] =	vst.idx.msk $0xffff, v19;
	v23 =	vld [tilespmem:s11+$0xFFFFFF70]  }
0x109: {  	s24 =	simm.s32 $0xA;
	s31 =	simm.s32 $0xB;
	s23 =	sand.u32 $0x7C, s23;
	v19 =	vor.u32 s18, v0;
	[tilespmem:v21+s26+$0x0] =	vst.idx.msk $0xffff, v11;
	v22 =	vld [tilespmem:s11+$0xFFFFFF50]  }
0x10a: {  	s29 =	sand.u32 $0x7A, s24;
	s1 =	sand.u32 $0x7B, s31;
	s9 =	sor.u32 s23, s14;
	[tilespmem:v24+s26+$0x0] =	vst.idx.msk $0xffff, v13;
	v5 =	vld [tilespmem:s11+$0xFFFFFF90]  }
0x10b: {  	s28 =	simm.s32 $0xE;
	s16 =	sor.u32 s29, s14;
	s29 =	simm.s32 $0x9;
	v11 =	vor.u32 s9, v0;
	[tilespmem:v17+s26+$0x0] =	vst.idx.msk $0xffff, v2;
	v8 =	vld [tilespmem:s11+$0xFFFFFFF0]  }
0x10c: {  	s24 =	sand.u32 $0x7E, s28;
	s12 =	sor.u32 s1, s14;
	s31 =	sand.u32 $0x79, s29;
	v17 =	vor.u32 s16, v0;
	v18 =	vld [tilespmem:s11+$0xFFFFFFB0];
	[tilespmem:v10+s26+$0x0] =	vst.idx.msk $0xffff, v3  }
0x10d: {  	s23 =	sor.u32 s24, s14;
	s14 =	sor.u32 s31, s14;
	v10 =	vor.u32 s12, v0;
	[tilespmem:v14+s26+$0x0] =	vst.idx.msk $0xffff, v16;
	v3 =	vld [tilespmem:s11+$0xF0]  }
0x10e: {  	v16 =	vor.u32 s14, v0;
	[tilespmem:v19+s26+$0x0] =	vst.idx.msk $0xffff, v7;
	v19 =	vld [tilespmem:s11+$0xFFFFFFD0]  }
0x10f: {  	v14 =	vor.u32 s23, v0;
	v2 =	vld [tilespmem:s11+$0xFFFFFF10]  }
0x110: {  	v63 =	vor.u32 s19, v1;
	[tilespmem:v11+s26+$0x0] =	vst.idx.msk $0xffff, v4;
	v6 =	vld [tilespmem:s11+$0x10]  }
0x111: {  	v25 =	vor.u32 s13, v1;
	[tilespmem:v17+s26+$0x0] =	vst.idx.msk $0xffff, v15;
	v7 =	vld [tilespmem:s11+$0xB0]  }
0x112: {  	v21 =	vor.u32 s18, v1;
	v13 =	vld [tilespmem:s11+$0x90];
	[tilespmem:v10+s26+$0x0] =	vst.idx.msk $0xffff, v20  }
0x113: {  	[tilespmem:v16+s26+$0x0] =	vst.idx.msk $0xffff, v12;
	v16 =	vld [tilespmem:s11+$0x50]  }
0x114: {  	[tilespmem:v14+s26+$0x0] =	vst.idx.msk $0xffff, v9;
	v9 =	vor.u32 s20, v1;
	v14 =	vld [tilespmem:s11+$0xFFFFFF30]  }
0x115: {  	v11 =	vor.u32 s7, v1;
	[tilespmem:v63+s26+$0x0] =	vst.idx.msk $0xffff, v22;
	v22 =	vor.u32 s17, v1;
	v15 =	vld [tilespmem:s11+$0x70]  }
0x116: {  	[tilespmem:v25+s26+$0x0] =	vst.idx.msk $0xffff, v23;
	v10 =	vor.u32 s14, v1;
	v12 =	vor.u32 s15, v1;
	v20 =	vld [tilespmem:s11+$0xD0]  }
0x117: {  	s13 =	simm.s32 $0x700;
	v17 =	vld [tilespmem:s11+$0x30];
	[tilespmem:v21+s26+$0x0] =	vst.idx.msk $0xffff, v7;
	v7 =	vor.u32 s21, v1;
	v21 =	vor.u32 s23, v1;
	s11 =	simm.s32 $0x80  }
.LBB2_7:
0x118: {  	s7 =	sadd.s32 $0x12, s22  }
0x119: {  	s15 =	sadd.s32 $0x15, s22;
	v4 =	vld [tilespmem:s13+$0x80];
	[tilespmem:v9+s26+$0x0] =	vst.idx.msk $0xffff, v18;
	s14 =	smov.u32 s22;
	s22 =	sadd.s32 $0x10, s22  }
0x11a: {  	v18 =	vor.u32 s12, v1;
	s17 =	sadd.s32 $0x11, s14;
	s21 =	sand.u32 $0x75, s15;
	s31 =	sadd.s32 $0x19, s14;
	v9 =	vld [tilespmem:s13+$0xA0];
	[tilespmem:v22+s26+$0x0] =	vst.idx.msk $0xffff, v19  }
0x11b: {  	s20 =	sand.u32 $0x70, s22;
	s7 =	sand.u32 $0x72, s7;
	s12 =	sadd.s32 $0x1B, s14;
	v19 =	vld [tilespmem:s13+$0xE0];
	[tilespmem:v11+s26+$0x0] =	vst.idx.msk $0xffff, v5  }
0x11c: {  	s15 =	sand.u32 $0xC00, s11;
	s18 =	sadd.s32 $0x13, s14;
	s12 =	sand.u32 $0x7B, s12;
	v5 =	vor.u32 s9, v1;
	v22 =	vld [tilespmem:s13+$0xFFFFFF00];
	[tilespmem:v21+s26+$0x0] =	vst.idx.msk $0xffff, v20  }
0x11d: {  	s23 =	sadd.s32 $0x1C, s14;
	s9 =	sand.u32 $0x73, s18;
	s18 =	sadd.s32 $0x14, s14;
	v20 =	vld [tilespmem:s13+$0xFFFFFF20];
	[tilespmem:v12+s26+$0x0] =	vst.idx.msk $0xffff, v8;
	v8 =	vor.u32 s16, v1  }
0x11e: {  	v11 =	vor.u32 s30, v1;
	s9 =	sor.u32 s9, s15;
	s16 =	sand.u32 $0x74, s18;
	s18 =	sadd.s32 $0x1D, s14;
	v12 =	vld [tilespmem:s13+$0xFFFFFF40];
	[tilespmem:v10+s26+$0x0] =	vst.idx.msk $0xffff, v17;
	v10 =	vor.u32 s25, v1  }
0x11f: {  	v23 =	vor.u32 s0, v1;
	s19 =	sadd.s32 $0x16, s14;
	v21 =	vor.u32 s9, v0;
	s16 =	sor.u32 s16, s15;
	s25 =	sadd.s32 $0x1F, s14;
	v17 =	vld [tilespmem:s13+$0xFFFFFF60];
	[tilespmem:v18+s26+$0x0] =	vst.idx.msk $0xffff, v15  }
0x120: {  	s0 =	sand.u32 $0x71, s17;
	s17 =	sand.u32 $0x76, s19;
	s19 =	sadd.s32 $0x17, s14;
	v18 =	vor.u32 s16, v0;
	v15 =	vld [tilespmem:s13+$0xFFFFFF80];
	[tilespmem:v7+s26+$0x0] =	vst.idx.msk $0xffff, v6  }
0x121: {  	s28 =	sadd.s32 $0x18, s14;
	s19 =	sand.u32 $0x77, s19;
	s25 =	sand.u32 $0x7F, s25;
	v6 =	vld [tilespmem:s13+$0xFFFFFFA0];
	[tilespmem:v5+s26+$0x0] =	vst.idx.msk $0xffff, v13  }
0x122: {  	s7 =	sor.u32 s7, s15;
	s29 =	sor.u32 s19, s15;
	s19 =	sand.u32 $0x78, s28;
	v13 =	vld [tilespmem:s13+$0xFFFFFFC0];
	[tilespmem:v8+s26+$0x0] =	vst.idx.msk $0xffff, v16  }
0x123: {  	s24 =	sadd.s32 $0x1A, s14;
	s28 =	sor.u32 s19, s15;
	v7 =	vor.u32 s29, v0;
	s25 =	sor.u32 s25, s15;
	v5 =	vor.u32 s7, v0;
	v16 =	vld [tilespmem:s13+$0x40];
	[tilespmem:v10+s26+$0x0] =	vst.idx.msk $0xffff, v3  }
0x124: {  	s30 =	sor.u32 s0, s15;
	s19 =	sor.u32 s17, s15;
	s17 =	sand.u32 $0x7A, s24;
	v24 =	vor.u32 s28, v0;
	v8 =	vor.u32 s25, v0;
	v3 =	vld [tilespmem:s13+$0x0];
	[tilespmem:v11+s26+$0x0] =	vst.idx.msk $0xffff, v14  }
0x125: {  	s21 =	sor.u32 s21, s15;
	v25 =	vor.u32 s9, v1;
	s9 =	sand.u32 $0x7C, s23;
	s18 =	sand.u32 $0x7D, s18;
	v14 =	vld [tilespmem:s13+$0xFFFFFFE0];
	[tilespmem:v23+s26+$0x0] =	vst.idx.msk $0xffff, v2  }
0x126: {  	s0 =	sor.u32 s20, s15;
	s9 =	sor.u32 s9, s15;
	v11 =	vor.u32 s16, v1;
	s16 =	sand.u32 $0x79, s31;
	v2 =	vor.u32 s30, v0;
	[tilespmem:v18+s26+$0x0] =	vst.idx.msk $0xffff, v15;
	v23 =	vld [tilespmem:s13+$0xC0]  }
0x127: {  	s12 =	sor.u32 s12, s15;
	s18 =	sor.u32 s18, s15;
	s20 =	sor.u32 s16, s15;
	v15 =	vor.u32 s0, v0;
	[tilespmem:v21+s26+$0x0] =	vst.idx.msk $0xffff, v17;
	v17 =	vor.u32 s21, v0;
	v21 =	vld [tilespmem:s13+$0x20]  }
0x128: {  	p0 =	slt.u32 s22, $0x1F0;
	s16 =	sor.u32 s17, s15;
	v10 =	vor.u32 s20, v1;
	[tilespmem:v5+s26+$0x0] =	vst.idx.msk $0xffff, v12;
	v26 =	vld [tilespmem:s13+$0xFFFFFF70]  }
0x129: {  	v28 =	vor.u32 s19, v0;
	v12 =	vor.u32 s29, v1;
	v27 =	vld [tilespmem:s13+$0xFFFFFF50];
	[tilespmem:v8+s26+$0x0] =	vst.idx.msk $0xffff, v19  }
0x12a: {  	v5 =	vld [tilespmem:s13+$0xFFFFFF90];
	[tilespmem:v7+s26+$0x0] =	vst.idx.msk $0xffff, v14;
	v7 =	vor.u32 s28, v1;
	v14 =	vor.u32 s16, v0  }
0x12b: {  	s14 =	sadd.s32 $0x1E, s14;
	v19 =	vor.u32 s18, v0;
	[tilespmem:v2+s26+$0x0] =	vst.idx.msk $0xffff, v20;
	v20 =	vld [tilespmem:s13+$0x60]  }
0x12c: {  	s14 =	sand.u32 $0x7E, s14;
	[tilespmem:v15+s26+$0x0] =	vst.idx.msk $0xffff, v22;
	v8 =	vld [tilespmem:s13+$0xFFFFFFF0]  }
0x12d: {  	s14 =	sor.u32 s14, s15;
	v15 =	vor.u32 s12, v0;
	v2 =	vld [tilespmem:s13+$0xFFFFFF10];
	[tilespmem:v17+s26+$0x0] =	vst.idx.msk $0xffff, v6;
	v17 =	vor.u32 s9, v0  }
0x12e: {  	v22 =	vor.u32 s14, v0;
	[tilespmem:v24+s26+$0x0] =	vst.idx.msk $0xffff, v3;
	v3 =	vld [tilespmem:s13+$0xF0]  }
0x12f: {  	v6 =	vld [tilespmem:s13+$0x10];
	[tilespmem:v14+s26+$0x0] =	vst.idx.msk $0xffff, v16  }
0x130: {  	v14 =	vor.u32 s20, v0;
	v18 =	vld [tilespmem:s13+$0xFFFFFFB0];
	[tilespmem:v19+s26+$0x0] =	vst.idx.msk $0xffff, v9  }
0x131: {  	v24 =	vor.u32 s18, v1;
	[tilespmem:v28+s26+$0x0] =	vst.idx.msk $0xffff, v13;
	v16 =	vld [tilespmem:s13+$0xB0]  }
0x132: {  	v9 =	vor.u32 s21, v1;
	v28 =	vor.u32 s7, v1;
	v19 =	vld [tilespmem:s13+$0xFFFFFFD0];
	[tilespmem:v15+s26+$0x0] =	vst.idx.msk $0xffff, v20  }
0x133: {  	v15 =	vld [tilespmem:s13+$0x70];
	[tilespmem:v17+s26+$0x0] =	vst.idx.msk $0xffff, v4  }
.Ltmp2:
0x134: {  	v13 =	vld [tilespmem:s13+$0x90];
	[tilespmem:v22+s26+$0x0] =	vst.idx.msk $0xffff, v23;
	(pc) =	sbr.rel @p0 .LBB2_7-.Ltmp2, $4  }
0x135: {  	v22 =	vor.u32 s19, v1;
	[tilespmem:v14+s26+$0x0] =	vst.idx.msk $0xffff, v21;
	v20 =	vld [tilespmem:s13+$0xD0]  }
0x136: {  	v17 =	vld [tilespmem:s13+$0x30];
	[tilespmem:v24+s26+$0x0] =	vst.idx.msk $0xffff, v16  }
0x137: {  	v21 =	vor.u32 s14, v1;
	[tilespmem:v28+s26+$0x0] =	vst.idx.msk $0xffff, v27;
	v16 =	vld [tilespmem:s13+$0x50]  }
0x138: {  	s11 =	sadd.s32 $0x80, s11;
	v14 =	vld [tilespmem:s13+$0xFFFFFF30];
	[tilespmem:v25+s26+$0x0] =	vst.idx.msk $0xffff, v26;
	s13 =	sadd.s32 $0x200, s13  }
0x139: {  	_ =	sdelay $0x3  }
0x13a: {  	[tilespmem:v9+s26+$0x0] =	vst.idx.msk $0xffff, v18  }
0x13b: {  	[tilespmem:v22+s26+$0x0] =	vst.idx.msk $0xffff, v19  }
0x13c: {  	v4 =	vor.u32 s12, v1;
	[tilespmem:v11+s26+$0x0] =	vst.idx.msk $0xffff, v5  }
0x13d: {  	v5 =	vor.u32 s9, v1;
	[tilespmem:v12+s26+$0x0] =	vst.idx.msk $0xffff, v8  }
0x13e: {  	v8 =	vor.u32 s16, v1;
	[tilespmem:v7+s26+$0x0] =	vst.idx.msk $0xffff, v6  }
0x13f: {  	v9 =	vor.u32 s25, v1;
	[tilespmem:v21+s26+$0x0] =	vst.idx.msk $0xffff, v20  }
0x140: {  	[tilespmem:v10+s26+$0x0] =	vst.idx.msk $0xffff, v17;
	v10 =	vor.u32 s30, v1  }
0x141: {  	[tilespmem:v4+s26+$0x0] =	vst.idx.msk $0xffff, v15  }
0x142: {  	[tilespmem:v5+s26+$0x0] =	vst.idx.msk $0xffff, v13  }
0x143: {  	v4 =	vor.u32 s0, v1;
	[tilespmem:v8+s26+$0x0] =	vst.idx.msk $0xffff, v16  }
0x144: {  	[tilespmem:v9+s26+$0x0] =	vst.idx.msk $0xffff, v3  }
0x145: {  	[tilespmem:v10+s26+$0x0] =	vst.idx.msk $0xffff, v14  }
0x146: {  	s24 =	sshll.u32 s2, $0x11;
	s1 =	rddreg [dreg:$0x4]  }
0x147: {  	s25 =	rddreg [dreg:$0x1];
	s22 =	sor.u32 s1, s24  }
0x148: {  	s7 =	simm.s32 $0x0;
	[tilespmem:v4+s26+$0x0] =	vst.idx.msk $0xffff, v2;
	s0 =	sadd.s32 s25, s22  }
0x149: {  	[hbm4b:s0+s7] =	stream.linear.scatter [tilespmem:s26], [sflag:$0x5], $0x1000, $0x38;
	[tilespmem:$0x10400] =	vst v63  }
0x14a: {  	s29 =	simm.s32 $0x9400;
	s28 =	rddreg [dreg:$0x6]  }
0x14b: {  	s9 =	simm.s32 $0xA400;
	s1 =	rddreg [dreg:$0x9];
	s0 =	sadd.s32 s22, s28  }
0x14c: {  	[hbm4b:s0+s7] =	stream.linear.scatter [tilespmem:s29], [sflag:$0x5], $0x1000, $0x38;
	[tilespmem:$0x10400] =	vst v63  }
0x14d: {  	s12 =	simm.s32 $0xB400;
	s11 =	rddreg [dreg:$0xb];
	s0 =	sadd.s32 s22, s1  }
0x14e: {  	[hbm4b:s0+s7] =	stream.linear.scatter [tilespmem:s9], [sflag:$0x5], $0x1000, $0x38;
	[tilespmem:$0x10400] =	vst v63  }
0x14f: {  	s25 =	sshll.u32 s2, $0xF;
	s13 =	rddreg [dreg:$0x18];
	s0 =	sadd.s32 s22, s11  }
0x150: {  	[hbm4b:s0+s7] =	stream.linear.scatter [tilespmem:s12], [sflag:$0x5], $0x1000, $0x38;
	[tilespmem:$0x10400] =	vst v63  }
0x151: {  	s0 =	sadd.s32 s13, s25  }
0x152: {  	s0 =	sshrl.u32 s0, $0x3  }
0x153: {  	s14 =	simm.s32 $0x4;
	s0 =	sadd.s32 s4, s0  }
0x154: {  	[tilespmem:s7], [sflag:$0x1] =	stream.linear.gather [hbm4b:s0+s7], $0x200, $0x38;
	[tilespmem:$0x10400] =	vst v63  }
0x155: {  	_ =	swait.ge [sflag:s14], $0x4000  }
0x156: {  	[sflag:s14] =	ssyncset.done $0x0  }
0x157: {  	s15 =	simm.s32 $0x1;
	[sflag:s14] =	ssyncadd.s32 $0xFFFFC000  }
0x158: {  	_ =	swait.ge [sflag:s15], $0x200  }
0x159: {  	[sflag:s15] =	ssyncset.done $0x0  }
0x15a: {  	s16 =	simm.s32 $0x400;
	[sflag:s15] =	ssyncadd.s32 $0xFFFFFE00  }
0x15b: {  	[tilespmem:s16], [sflag:$0x3] =	stream.indirect.gather [hbm4b:s5+s6], $0x20, s7, s6, $0xb8;
	[tilespmem:$0x10400] =	vst v63  }
0x15c: {  	_ =	swait.ge [sflag:s10], $0x4000  }
0x15d: {  	[sflag:s10] =	ssyncset.done $0x0  }
0x15e: {  	s13 =	simm.s32 $0x4500;
	[sflag:s10] =	ssyncadd.s32 $0xFFFFC000  }
0x15f: {  	v4 =	vld [tilespmem:s13+$0x80]  }
0x160: {  	v7 =	vld [tilespmem:s13+$0xA0]  }
0x161: {  	s17 =	simm.s32 $0x4;
	s18 =	simm.s32 $0x3;
	v2 =	vld [tilespmem:s13+$0xE0]  }
0x162: {  	s19 =	simm.s32 $0x2;
	s21 =	simm.s32 $0xF;
	s23 =	simm.s32 $0x7;
	v3 =	vld [tilespmem:s13+$0xFFFFFF00]  }
0x163: {  	s20 =	sand.u32 $0x72, s19;
	s30 =	simm.s32 $0x0;
	s24 =	simm.s32 $0x1;
	v6 =	vld [tilespmem:s13+$0xFFFFFF20]  }
0x164: {  	s28 =	simm.s32 $0x5;
	s0 =	sand.u32 $0x74, s17;
	s16 =	sand.u32 $0xC00, s7;
	v5 =	vld [tilespmem:s13+$0xFFFFFF40]  }
0x165: {  	s29 =	sand.u32 $0x70, s30;
	s11 =	sand.u32 $0x73, s18;
	s7 =	sor.u32 s0, s16;
	v8 =	vld [tilespmem:s13+$0xFFFFFF60]  }
0x166: {  	s1 =	simm.s32 $0x8;
	s9 =	sand.u32 $0x7F, s21;
	s15 =	sor.u32 s11, s16;
	v10 =	vor.u32 s7, v0;
	v9 =	vld [tilespmem:s13+$0xFFFFFF80]  }
0x167: {  	s18 =	simm.s32 $0x6;
	s20 =	sor.u32 s20, s16;
	s0 =	sand.u32 $0x71, s24;
	v12 =	vor.u32 s15, v0;
	v11 =	vld [tilespmem:s13+$0xFFFFFFA0]  }
0x168: {  	s12 =	sand.u32 $0x78, s1;
	s14 =	simm.s32 $0xA;
	v14 =	vor.u32 s20, v0;
	s0 =	sor.u32 s0, s16;
	v13 =	vld [tilespmem:s13+$0xFFFFFFC0]  }
0x169: {  	s14 =	sand.u32 $0x7A, s14;
	s11 =	sand.u32 $0x77, s23;
	s31 =	sor.u32 s9, s16;
	v20 =	vor.u32 s0, v0;
	v15 =	vld [tilespmem:s13+$0x40]  }
0x16a: {  	s9 =	sand.u32 $0x75, s28;
	s23 =	simm.s32 $0xB;
	s19 =	sor.u32 s11, s16;
	v17 =	vor.u32 s31, v0;
	v16 =	vld [tilespmem:s13+$0x0]  }
0x16b: {  	s21 =	sor.u32 s9, s16;
	s9 =	sor.u32 s14, s16;
	s14 =	sand.u32 $0x76, s18;
	v18 =	vor.u32 s19, v0;
	v19 =	vld [tilespmem:s13+$0xFFFFFFE0];
	[tilespmem:v10+s8+$0x0] =	vst.idx.msk $0xffff, v9  }
0x16c: {  	s28 =	sor.u32 s12, s16;
	s12 =	sand.u32 $0x7B, s23;
	v21 =	vor.u32 s21, v0;
	s23 =	sor.u32 s14, s16;
	v9 =	vld [tilespmem:s13+$0xC0];
	[tilespmem:v12+s8+$0x0] =	vst.idx.msk $0xffff, v8  }
0x16d: {  	s6 =	simm.s32 $0xD;
	s11 =	sor.u32 s29, s16;
	v24 =	vor.u32 s23, v0;
	v12 =	vld [tilespmem:s13+$0x20];
	[tilespmem:v14+s8+$0x0] =	vst.idx.msk $0xffff, v5  }
0x16e: {  	s17 =	sand.u32 $0x7D, s6;
	v10 =	vor.u32 s11, v0;
	[tilespmem:v20+s8+$0x0] =	vst.idx.msk $0xffff, v6;
	v20 =	vld [tilespmem:s13+$0x60]  }
0x16f: {  	s17 =	sor.u32 s17, s16;
	v14 =	vor.u32 s28, v0;
	[tilespmem:v17+s8+$0x0] =	vst.idx.msk $0xffff, v2;
	v23 =	vld [tilespmem:s13+$0xFFFFFF70]  }
0x170: {  	s18 =	simm.s32 $0xC;
	[tilespmem:v18+s8+$0x0] =	vst.idx.msk $0xffff, v19;
	v19 =	vor.u32 s17, v0;
	v22 =	vld [tilespmem:s13+$0xFFFFFF50]  }
0x171: {  	s24 =	simm.s32 $0xE;
	s18 =	sand.u32 $0x7C, s18;
	[tilespmem:v21+s8+$0x0] =	vst.idx.msk $0xffff, v11;
	v5 =	vld [tilespmem:s13+$0xFFFFFF90]  }
0x172: {  	s29 =	simm.s32 $0x9;
	s14 =	sor.u32 s12, s16;
	s12 =	sor.u32 s18, s16;
	v17 =	vor.u32 s9, v0;
	[tilespmem:v24+s8+$0x0] =	vst.idx.msk $0xffff, v13;
	v8 =	vld [tilespmem:s13+$0xFFFFFFF0]  }
0x173: {  	s24 =	sand.u32 $0x7E, s24;
	s29 =	sand.u32 $0x79, s29;
	v11 =	vor.u32 s12, v0;
	v18 =	vld [tilespmem:s13+$0xFFFFFFB0];
	[tilespmem:v10+s8+$0x0] =	vst.idx.msk $0xffff, v3  }
0x174: {  	s18 =	sor.u32 s24, s16;
	s16 =	sor.u32 s29, s16;
	v10 =	vor.u32 s14, v0;
	[tilespmem:v14+s8+$0x0] =	vst.idx.msk $0xffff, v16;
	v3 =	vld [tilespmem:s13+$0xF0]  }
0x175: {  	v16 =	vor.u32 s16, v0;
	[tilespmem:v19+s8+$0x0] =	vst.idx.msk $0xffff, v7;
	v19 =	vld [tilespmem:s13+$0xFFFFFFD0]  }
0x176: {  	v14 =	vor.u32 s18, v0;
	v2 =	vld [tilespmem:s13+$0xFFFFFF10]  }
0x177: {  	v63 =	vor.u32 s20, v1;
	[tilespmem:v17+s8+$0x0] =	vst.idx.msk $0xffff, v15;
	v6 =	vld [tilespmem:s13+$0x10]  }
0x178: {  	v25 =	vor.u32 s15, v1;
	[tilespmem:v11+s8+$0x0] =	vst.idx.msk $0xffff, v4;
	v21 =	vld [tilespmem:s13+$0xB0]  }
0x179: {  	v7 =	vor.u32 s17, v1;
	v13 =	vld [tilespmem:s13+$0x90];
	[tilespmem:v10+s8+$0x0] =	vst.idx.msk $0xffff, v20  }
0x17a: {  	[tilespmem:v16+s8+$0x0] =	vst.idx.msk $0xffff, v12;
	v16 =	vld [tilespmem:s13+$0x50]  }
0x17b: {  	[tilespmem:v14+s8+$0x0] =	vst.idx.msk $0xffff, v9;
	v9 =	vor.u32 s21, v1;
	v14 =	vld [tilespmem:s13+$0xFFFFFF30]  }
0x17c: {  	v11 =	vor.u32 s7, v1;
	[tilespmem:v63+s8+$0x0] =	vst.idx.msk $0xffff, v22;
	v22 =	vor.u32 s23, v1;
	v15 =	vld [tilespmem:s13+$0x70]  }
0x17d: {  	[tilespmem:v25+s8+$0x0] =	vst.idx.msk $0xffff, v23;
	v10 =	vor.u32 s16, v1;
	v12 =	vor.u32 s19, v1;
	v20 =	vld [tilespmem:s13+$0xD0]  }
0x17e: {  	s16 =	simm.s32 $0x4700;
	v17 =	vld [tilespmem:s13+$0x30];
	[tilespmem:v7+s8+$0x0] =	vst.idx.msk $0xffff, v21;
	v7 =	vor.u32 s28, v1;
	v21 =	vor.u32 s18, v1;
	s13 =	simm.s32 $0x80  }
.LBB2_9:
0x17f: {  	s7 =	sadd.s32 $0x12, s30  }
0x180: {  	s17 =	sadd.s32 $0x15, s30;
	v4 =	vld [tilespmem:s16+$0x80];
	[tilespmem:v9+s8+$0x0] =	vst.idx.msk $0xffff, v18;
	s15 =	smov.u32 s30;
	s30 =	sadd.s32 $0x10, s30  }
0x181: {  	v18 =	vor.u32 s14, v1;
	s18 =	sadd.s32 $0x11, s15;
	s29 =	sand.u32 $0x75, s17;
	s21 =	sadd.s32 $0x19, s15;
	v9 =	vld [tilespmem:s16+$0xA0];
	[tilespmem:v22+s8+$0x0] =	vst.idx.msk $0xffff, v19  }
0x182: {  	s28 =	sand.u32 $0x70, s30;
	s17 =	sand.u32 $0x72, s7;
	s14 =	sadd.s32 $0x1B, s15;
	v19 =	vld [tilespmem:s16+$0xE0];
	[tilespmem:v11+s8+$0x0] =	vst.idx.msk $0xffff, v5  }
0x183: {  	s7 =	sand.u32 $0xC00, s13;
	s19 =	sadd.s32 $0x13, s15;
	s14 =	sand.u32 $0x7B, s14;
	v5 =	vor.u32 s12, v1;
	v22 =	vld [tilespmem:s16+$0xFFFFFF00];
	[tilespmem:v21+s8+$0x0] =	vst.idx.msk $0xffff, v20  }
0x184: {  	s23 =	sadd.s32 $0x1C, s15;
	s12 =	sand.u32 $0x73, s19;
	s19 =	sadd.s32 $0x14, s15;
	v20 =	vld [tilespmem:s16+$0xFFFFFF20];
	[tilespmem:v12+s8+$0x0] =	vst.idx.msk $0xffff, v8;
	v8 =	vor.u32 s9, v1  }
0x185: {  	s24 =	sadd.s32 $0x1D, s15;
	v11 =	vor.u32 s0, v1;
	s9 =	sor.u32 s12, s7;
	s12 =	sand.u32 $0x74, s19;
	v12 =	vld [tilespmem:s16+$0xFFFFFF40];
	[tilespmem:v10+s8+$0x0] =	vst.idx.msk $0xffff, v17;
	v10 =	vor.u32 s31, v1  }
0x186: {  	v23 =	vor.u32 s11, v1;
	s0 =	sadd.s32 $0x16, s15;
	s19 =	sadd.s32 $0x1F, s15;
	v21 =	vor.u32 s9, v0;
	s12 =	sor.u32 s12, s7;
	v17 =	vld [tilespmem:s16+$0xFFFFFF60];
	[tilespmem:v18+s8+$0x0] =	vst.idx.msk $0xffff, v15  }
0x187: {  	s11 =	sand.u32 $0x71, s18;
	s18 =	sand.u32 $0x76, s0;
	s0 =	sadd.s32 $0x17, s15;
	v18 =	vor.u32 s12, v0;
	v15 =	vld [tilespmem:s16+$0xFFFFFF80];
	[tilespmem:v7+s8+$0x0] =	vst.idx.msk $0xffff, v6  }
0x188: {  	s20 =	sadd.s32 $0x18, s15;
	s0 =	sand.u32 $0x77, s0;
	s31 =	sand.u32 $0x7F, s19;
	v6 =	vld [tilespmem:s16+$0xFFFFFFA0];
	[tilespmem:v5+s8+$0x0] =	vst.idx.msk $0xffff, v13  }
0x189: {  	s19 =	sor.u32 s17, s7;
	s17 =	sor.u32 s0, s7;
	s0 =	sand.u32 $0x78, s20;
	v13 =	vld [tilespmem:s16+$0xFFFFFFC0];
	[tilespmem:v8+s8+$0x0] =	vst.idx.msk $0xffff, v16  }
0x18a: {  	s6 =	sadd.s32 $0x1A, s15;
	s1 =	sor.u32 s0, s7;
	s31 =	sor.u32 s31, s7;
	v7 =	vor.u32 s17, v0;
	v5 =	vor.u32 s19, v0;
	v16 =	vld [tilespmem:s16+$0x40];
	[tilespmem:v10+s8+$0x0] =	vst.idx.msk $0xffff, v3  }
0x18b: {  	s6 =	sand.u32 $0x7A, s6;
	s20 =	sor.u32 s18, s7;
	s0 =	sor.u32 s11, s7;
	v24 =	vor.u32 s1, v0;
	v8 =	vor.u32 s31, v0;
	v3 =	vld [tilespmem:s16+$0x0];
	[tilespmem:v11+s8+$0x0] =	vst.idx.msk $0xffff, v14  }
0x18c: {  	s29 =	sor.u32 s29, s7;
	v25 =	vor.u32 s9, v1;
	s9 =	sand.u32 $0x7C, s23;
	s18 =	sand.u32 $0x7D, s24;
	v14 =	vld [tilespmem:s16+$0xFFFFFFE0];
	[tilespmem:v23+s8+$0x0] =	vst.idx.msk $0xffff, v2  }
0x18d: {  	s21 =	sand.u32 $0x79, s21;
	s11 =	sor.u32 s28, s7;
	v11 =	vor.u32 s12, v1;
	s12 =	sor.u32 s9, s7;
	v2 =	vor.u32 s0, v0;
	[tilespmem:v18+s8+$0x0] =	vst.idx.msk $0xffff, v15;
	v23 =	vld [tilespmem:s16+$0xC0]  }
0x18e: {  	s21 =	sor.u32 s21, s7;
	s14 =	sor.u32 s14, s7;
	s18 =	sor.u32 s18, s7;
	v15 =	vor.u32 s11, v0;
	[tilespmem:v21+s8+$0x0] =	vst.idx.msk $0xffff, v17;
	v17 =	vor.u32 s29, v0;
	v21 =	vld [tilespmem:s16+$0x20]  }
0x18f: {  	p0 =	slt.u32 s30, $0x1F0;
	v10 =	vor.u32 s21, v1;
	s9 =	sor.u32 s6, s7;
	[tilespmem:v5+s8+$0x0] =	vst.idx.msk $0xffff, v12;
	v26 =	vld [tilespmem:s16+$0xFFFFFF70]  }
0x190: {  	v28 =	vor.u32 s20, v0;
	v12 =	vor.u32 s17, v1;
	v27 =	vld [tilespmem:s16+$0xFFFFFF50];
	[tilespmem:v8+s8+$0x0] =	vst.idx.msk $0xffff, v19  }
0x191: {  	v5 =	vld [tilespmem:s16+$0xFFFFFF90];
	[tilespmem:v7+s8+$0x0] =	vst.idx.msk $0xffff, v14;
	v7 =	vor.u32 s1, v1;
	v14 =	vor.u32 s9, v0  }
0x192: {  	v19 =	vor.u32 s18, v0;
	s1 =	sadd.s32 $0x1E, s15;
	[tilespmem:v2+s8+$0x0] =	vst.idx.msk $0xffff, v20;
	v20 =	vld [tilespmem:s16+$0x60]  }
0x193: {  	s1 =	sand.u32 $0x7E, s1;
	[tilespmem:v15+s8+$0x0] =	vst.idx.msk $0xffff, v22;
	v8 =	vld [tilespmem:s16+$0xFFFFFFF0]  }
0x194: {  	v15 =	vor.u32 s14, v0;
	s1 =	sor.u32 s1, s7;
	v2 =	vld [tilespmem:s16+$0xFFFFFF10];
	[tilespmem:v17+s8+$0x0] =	vst.idx.msk $0xffff, v6;
	v17 =	vor.u32 s12, v0  }
0x195: {  	v22 =	vor.u32 s1, v0;
	[tilespmem:v24+s8+$0x0] =	vst.idx.msk $0xffff, v3;
	v3 =	vld [tilespmem:s16+$0xF0]  }
0x196: {  	v6 =	vld [tilespmem:s16+$0x10];
	[tilespmem:v14+s8+$0x0] =	vst.idx.msk $0xffff, v16  }
0x197: {  	v14 =	vor.u32 s21, v0;
	v18 =	vld [tilespmem:s16+$0xFFFFFFB0];
	[tilespmem:v19+s8+$0x0] =	vst.idx.msk $0xffff, v9  }
0x198: {  	v24 =	vor.u32 s18, v1;
	[tilespmem:v28+s8+$0x0] =	vst.idx.msk $0xffff, v13;
	v16 =	vld [tilespmem:s16+$0xB0]  }
0x199: {  	v9 =	vor.u32 s29, v1;
	v28 =	vor.u32 s19, v1;
	v19 =	vld [tilespmem:s16+$0xFFFFFFD0];
	[tilespmem:v15+s8+$0x0] =	vst.idx.msk $0xffff, v20  }
0x19a: {  	v15 =	vld [tilespmem:s16+$0x70];
	[tilespmem:v17+s8+$0x0] =	vst.idx.msk $0xffff, v4  }
.Ltmp3:
0x19b: {  	v13 =	vld [tilespmem:s16+$0x90];
	[tilespmem:v22+s8+$0x0] =	vst.idx.msk $0xffff, v23;
	(pc) =	sbr.rel @p0 .LBB2_9-.Ltmp3, $4  }
0x19c: {  	v22 =	vor.u32 s20, v1;
	[tilespmem:v14+s8+$0x0] =	vst.idx.msk $0xffff, v21;
	v20 =	vld [tilespmem:s16+$0xD0]  }
0x19d: {  	v17 =	vld [tilespmem:s16+$0x30];
	[tilespmem:v24+s8+$0x0] =	vst.idx.msk $0xffff, v16  }
0x19e: {  	v21 =	vor.u32 s1, v1;
	[tilespmem:v28+s8+$0x0] =	vst.idx.msk $0xffff, v27;
	v16 =	vld [tilespmem:s16+$0x50]  }
0x19f: {  	s13 =	sadd.s32 $0x80, s13;
	v14 =	vld [tilespmem:s16+$0xFFFFFF30];
	[tilespmem:v25+s8+$0x0] =	vst.idx.msk $0xffff, v26;
	s16 =	sadd.s32 $0x200, s16  }
0x1a0: {  	_ =	sdelay $0x3  }
0x1a1: {  	[tilespmem:v9+s8+$0x0] =	vst.idx.msk $0xffff, v18  }
0x1a2: {  	[tilespmem:v22+s8+$0x0] =	vst.idx.msk $0xffff, v19  }
0x1a3: {  	v4 =	vor.u32 s14, v1;
	[tilespmem:v11+s8+$0x0] =	vst.idx.msk $0xffff, v5  }
0x1a4: {  	v59 =	vor.u32 s12, v1;
	[tilespmem:v12+s8+$0x0] =	vst.idx.msk $0xffff, v8  }
0x1a5: {  	v60 =	vor.u32 s9, v1;
	[tilespmem:v7+s8+$0x0] =	vst.idx.msk $0xffff, v6  }
0x1a6: {  	v61 =	vor.u32 s31, v1;
	[tilespmem:v21+s8+$0x0] =	vst.idx.msk $0xffff, v20  }
0x1a7: {  	v62 =	vor.u32 s0, v1;
	[tilespmem:v10+s8+$0x0] =	vst.idx.msk $0xffff, v17  }
0x1a8: {  	v63 =	vor.u32 s11, v1;
	[tilespmem:v4+s8+$0x0] =	vst.idx.msk $0xffff, v15  }
0x1a9: {  	[tilespmem:v59+s8+$0x0] =	vst.idx.msk $0xffff, v13  }
0x1aa: {  	[tilespmem:v60+s8+$0x0] =	vst.idx.msk $0xffff, v16  }
0x1ab: {  	[tilespmem:v61+s8+$0x0] =	vst.idx.msk $0xffff, v3  }
0x1ac: {  	[tilespmem:v62+s8+$0x0] =	vst.idx.msk $0xffff, v14  }
0x1ad: {  	[tilespmem:v63+s8+$0x0] =	vst.idx.msk $0xffff, v2  }
0x1ae: {  	s21 =	rddreg [dreg:$0xc]  }
0x1af: {  	s1 =	simm.s32 $0xD400;
	s23 =	rddreg [dreg:$0x10];
	s0 =	sadd.s32 s22, s21  }
0x1b0: {  	[hbm4b:s0+s3] =	stream.linear.scatter [tilespmem:s8], [sflag:$0x6], $0x1000, $0x38;
	[tilespmem:$0x10400] =	vst v63  }
0x1b1: {  	s28 =	simm.s32 $0xE400;
	s24 =	rddreg [dreg:$0x11];
	s0 =	sadd.s32 s22, s23  }
0x1b2: {  	[hbm4b:s0+s3] =	stream.linear.scatter [tilespmem:s1], [sflag:$0x6], $0x1000, $0x38;
	[tilespmem:$0x10400] =	vst v63  }
0x1b3: {  	s2 =	sadd.s32 $0x1, s2;
	s29 =	rddreg [dreg:$0x12];
	s0 =	sadd.s32 s22, s24  }
0x1b4: {  	[hbm4b:s0+s3] =	stream.linear.scatter [tilespmem:s28], [sflag:$0x6], $0x1000, $0x38;
	[tilespmem:$0x10400] =	vst v63  }
0x1b5: {  	s30 =	simm.s32 $0xF400;
	p0 =	sne.s32 s2, $0x31;
	s0 =	sadd.s32 s22, s29  }
0x1b6: {  	[hbm4b:s0+s3] =	stream.linear.scatter [tilespmem:s30], [sflag:$0x6], $0x1000, $0x38;
	[tilespmem:$0x10400] =	vst v63  }
.Ltmp4:
0x1b7: {  	s31 =	rddreg [dreg:$0x19];
	(pc) =	sbr.rel @p0 .LBB2_6-.Ltmp4, $4  }
0x1b8: {  	s0 =	sadd.s32 s31, s25  }
0x1b9: {  	s0 =	sshrl.u32 s0, $0x3  }
0x1ba: {  	s6 =	simm.s32 $0x200;
	s0 =	sadd.s32 s4, s0  }
0x1bb: {  	[tilespmem:s6], [sflag:$0x2] =	stream.linear.gather [hbm4b:s0+s3], $0x200, $0x38;
	[tilespmem:$0x10400] =	vst v63  }
0x1bc: {  	s0 =	simm.s32 $0x3  }
0x1bd: {  	_ =	swait.ge [sflag:s0], $0x4000  }
0x1be: {  	[sflag:s0] =	ssyncset.done $0x0  }
0x1bf: {  	s24 =	simm.s32 $0x2;
	[sflag:s0] =	ssyncadd.s32 $0xFFFFC000  }
0x1c0: {  	_ =	swait.ge [sflag:s24], $0x200  }
0x1c1: {  	[sflag:s24] =	ssyncset.done $0x0  }
0x1c2: {  	s25 =	simm.s32 $0x4400;
	s28 =	simm.s32 $0x5;
	[sflag:s24] =	ssyncadd.s32 $0xFFFFFE00  }
0x1c3: {  	[tilespmem:s25], [sflag:$0x4] =	stream.indirect.gather [hbm4b:s5+s6], $0x20, s6, s6, $0xb8;
	[tilespmem:$0x10400] =	vst v63  }
0x1c4: {  	_ =	swait.ge [sflag:s28], $0x4000  }
0x1c5: {  	[sflag:s28] =	ssyncset.done $0x0  }
0x1c6: {  	s13 =	simm.s32 $0x500;
	[sflag:s28] =	ssyncadd.s32 $0xFFFFC000  }
0x1c7: {  	v4 =	vld [tilespmem:s13+$0x80]  }
0x1c8: {  	v7 =	vld [tilespmem:s13+$0xA0]  }
0x1c9: {  	v2 =	vld [tilespmem:s13+$0xE0]  }
0x1ca: {  	s29 =	simm.s32 $0x0;
	v3 =	vld [tilespmem:s13+$0xFFFFFF00]  }
0x1cb: {  	s1 =	simm.s32 $0x4;
	s30 =	simm.s32 $0x3;
	s2 =	simm.s32 $0x2;
	v6 =	vld [tilespmem:s13+$0xFFFFFF20]  }
0x1cc: {  	s9 =	simm.s32 $0x1;
	s16 =	sand.u32 $0xC00, s29;
	s1 =	sand.u32 $0x74, s1;
	v5 =	vld [tilespmem:s13+$0xFFFFFF40]  }
0x1cd: {  	s14 =	simm.s32 $0x5;
	s7 =	sor.u32 s1, s16;
	s0 =	sand.u32 $0x73, s30;
	v8 =	vld [tilespmem:s13+$0xFFFFFF60]  }
0x1ce: {  	s31 =	sand.u32 $0x72, s2;
	s2 =	simm.s32 $0xF;
	v10 =	vor.u32 s7, v0;
	s15 =	sor.u32 s0, s16;
	v9 =	vld [tilespmem:s13+$0xFFFFFF80]  }
0x1cf: {  	s12 =	sand.u32 $0x71, s9;
	s20 =	sor.u32 s31, s16;
	s0 =	sand.u32 $0x7F, s2;
	v12 =	vor.u32 s15, v0;
	v11 =	vld [tilespmem:s13+$0xFFFFFFA0]  }
0x1d0: {  	v14 =	vor.u32 s20, v0;
	s22 =	sor.u32 s0, s16;
	s0 =	sor.u32 s12, s16;
	s6 =	simm.s32 $0x7;
	v13 =	vld [tilespmem:s13+$0xFFFFFFC0]  }
0x1d1: {  	s1 =	sand.u32 $0x75, s14;
	v20 =	vor.u32 s0, v0;
	s11 =	sand.u32 $0x77, s6;
	v15 =	vld [tilespmem:s13+$0x40]  }
0x1d2: {  	s2 =	simm.s32 $0x0;
	s12 =	simm.s32 $0x6;
	v17 =	vor.u32 s22, v0;
	s19 =	sor.u32 s11, s16;
	v16 =	vld [tilespmem:s13+$0x0]  }
0x1d3: {  	s21 =	sor.u32 s1, s16;
	s17 =	sand.u32 $0x70, s2;
	s12 =	sand.u32 $0x76, s12;
	v18 =	vor.u32 s19, v0;
	v19 =	vld [tilespmem:s13+$0xFFFFFFE0];
	[tilespmem:v10+s26+$0x0] =	vst.idx.msk $0xffff, v9  }
0x1d4: {  	s9 =	simm.s32 $0x8;
	v21 =	vor.u32 s21, v0;
	s11 =	sor.u32 s17, s16;
	s17 =	sor.u32 s12, s16;
	v9 =	vld [tilespmem:s13+$0xC0];
	[tilespmem:v12+s26+$0x0] =	vst.idx.msk $0xffff, v8  }
0x1d5: {  	s18 =	sand.u32 $0x78, s9;
	s24 =	simm.s32 $0xD;
	v24 =	vor.u32 s17, v0;
	v12 =	vld [tilespmem:s13+$0x20];
	[tilespmem:v14+s26+$0x0] =	vst.idx.msk $0xffff, v5  }
0x1d6: {  	s25 =	sor.u32 s18, s16;
	s1 =	sand.u32 $0x7D, s24;
	v10 =	vor.u32 s11, v0;
	[tilespmem:v20+s26+$0x0] =	vst.idx.msk $0xffff, v6;
	v20 =	vld [tilespmem:s13+$0x60]  }
0x1d7: {  	s23 =	simm.s32 $0xA;
	s1 =	sor.u32 s1, s16;
	v14 =	vor.u32 s25, v0;
	[tilespmem:v17+s26+$0x0] =	vst.idx.msk $0xffff, v2;
	v23 =	vld [tilespmem:s13+$0xFFFFFF70]  }
0x1d8: {  	s29 =	simm.s32 $0xB;
	s14 =	simm.s32 $0xC;
	s28 =	sand.u32 $0x7A, s23;
	[tilespmem:v18+s26+$0x0] =	vst.idx.msk $0xffff, v19;
	v19 =	vor.u32 s1, v0;
	v22 =	vld [tilespmem:s13+$0xFFFFFF50]  }
0x1d9: {  	s31 =	simm.s32 $0xE;
	s30 =	sand.u32 $0x7C, s14;
	s9 =	sor.u32 s28, s16;
	[tilespmem:v21+s26+$0x0] =	vst.idx.msk $0xffff, v11;
	v5 =	vld [tilespmem:s13+$0xFFFFFF90]  }
0x1da: {  	s18 =	simm.s32 $0x9;
	s6 =	sand.u32 $0x7B, s29;
	s12 =	sor.u32 s30, s16;
	v17 =	vor.u32 s9, v0;
	[tilespmem:v24+s26+$0x0] =	vst.idx.msk $0xffff, v13;
	v8 =	vld [tilespmem:s13+$0xFFFFFFF0]  }
0x1db: {  	s18 =	sand.u32 $0x79, s18;
	s14 =	sor.u32 s6, s16;
	s6 =	sand.u32 $0x7E, s31;
	v11 =	vor.u32 s12, v0;
	v18 =	vld [tilespmem:s13+$0xFFFFFFB0];
	[tilespmem:v10+s26+$0x0] =	vst.idx.msk $0xffff, v3  }
0x1dc: {  	s6 =	sor.u32 s6, s16;
	s16 =	sor.u32 s18, s16;
	v10 =	vor.u32 s14, v0;
	[tilespmem:v14+s26+$0x0] =	vst.idx.msk $0xffff, v16;
	v3 =	vld [tilespmem:s13+$0xF0]  }
0x1dd: {  	v16 =	vor.u32 s16, v0;
	[tilespmem:v19+s26+$0x0] =	vst.idx.msk $0xffff, v7;
	v19 =	vld [tilespmem:s13+$0xFFFFFFD0]  }
0x1de: {  	v14 =	vor.u32 s6, v0;
	v2 =	vld [tilespmem:s13+$0xFFFFFF10]  }
0x1df: {  	v63 =	vor.u32 s20, v1;
	[tilespmem:v17+s26+$0x0] =	vst.idx.msk $0xffff, v15;
	v6 =	vld [tilespmem:s13+$0x10]  }
0x1e0: {  	v25 =	vor.u32 s15, v1;
	[tilespmem:v11+s26+$0x0] =	vst.idx.msk $0xffff, v4;
	v7 =	vld [tilespmem:s13+$0xB0]  }
0x1e1: {  	v21 =	vor.u32 s1, v1;
	v13 =	vld [tilespmem:s13+$0x90];
	[tilespmem:v10+s26+$0x0] =	vst.idx.msk $0xffff, v20  }
0x1e2: {  	[tilespmem:v16+s26+$0x0] =	vst.idx.msk $0xffff, v12;
	v16 =	vld [tilespmem:s13+$0x50]  }
0x1e3: {  	[tilespmem:v14+s26+$0x0] =	vst.idx.msk $0xffff, v9;
	v9 =	vor.u32 s21, v1;
	v14 =	vld [tilespmem:s13+$0xFFFFFF30]  }
0x1e4: {  	v11 =	vor.u32 s7, v1;
	[tilespmem:v63+s26+$0x0] =	vst.idx.msk $0xffff, v22;
	v22 =	vor.u32 s17, v1;
	v15 =	vld [tilespmem:s13+$0x70]  }
0x1e5: {  	[tilespmem:v25+s26+$0x0] =	vst.idx.msk $0xffff, v23;
	v10 =	vor.u32 s16, v1;
	v12 =	vor.u32 s19, v1;
	v20 =	vld [tilespmem:s13+$0xD0]  }
0x1e6: {  	s16 =	simm.s32 $0x700;
	v17 =	vld [tilespmem:s13+$0x30];
	[tilespmem:v21+s26+$0x0] =	vst.idx.msk $0xffff, v7;
	v7 =	vor.u32 s25, v1;
	v21 =	vor.u32 s6, v1;
	s13 =	simm.s32 $0x80  }
.LBB2_12:
0x1e7: {  	s1 =	sadd.s32 $0x12, s2  }
0x1e8: {  	s6 =	sadd.s32 $0x15, s2;
	v4 =	vld [tilespmem:s16+$0x80];
	[tilespmem:v9+s26+$0x0] =	vst.idx.msk $0xffff, v18;
	s15 =	smov.u32 s2;
	s2 =	sadd.s32 $0x10, s2  }
0x1e9: {  	v18 =	vor.u32 s14, v1;
	s17 =	sadd.s32 $0x11, s15;
	s28 =	sand.u32 $0x75, s6;
	s21 =	sadd.s32 $0x19, s15;
	v9 =	vld [tilespmem:s16+$0xA0];
	[tilespmem:v22+s26+$0x0] =	vst.idx.msk $0xffff, v19  }
0x1ea: {  	s25 =	sand.u32 $0x70, s2;
	s1 =	sand.u32 $0x72, s1;
	s6 =	sadd.s32 $0x1B, s15;
	v19 =	vld [tilespmem:s16+$0xE0];
	[tilespmem:v11+s26+$0x0] =	vst.idx.msk $0xffff, v5  }
0x1eb: {  	s7 =	sand.u32 $0xC00, s13;
	s18 =	sadd.s32 $0x13, s15;
	s14 =	sand.u32 $0x7B, s6;
	v5 =	vor.u32 s12, v1;
	v22 =	vld [tilespmem:s16+$0xFFFFFF00];
	[tilespmem:v21+s26+$0x0] =	vst.idx.msk $0xffff, v20  }
0x1ec: {  	s6 =	sand.u32 $0x73, s18;
	s12 =	sadd.s32 $0x14, s15;
	s18 =	sadd.s32 $0x1C, s15;
	v20 =	vld [tilespmem:s16+$0xFFFFFF20];
	[tilespmem:v12+s26+$0x0] =	vst.idx.msk $0xffff, v8;
	v8 =	vor.u32 s9, v1  }
0x1ed: {  	v11 =	vor.u32 s0, v1;
	s6 =	sor.u32 s6, s7;
	s9 =	sand.u32 $0x74, s12;
	s12 =	sadd.s32 $0x1D, s15;
	v12 =	vld [tilespmem:s16+$0xFFFFFF40];
	[tilespmem:v10+s26+$0x0] =	vst.idx.msk $0xffff, v17;
	v10 =	vor.u32 s22, v1  }
0x1ee: {  	v23 =	vor.u32 s11, v1;
	s19 =	sadd.s32 $0x1F, s15;
	s0 =	sadd.s32 $0x16, s15;
	v21 =	vor.u32 s6, v0;
	s9 =	sor.u32 s9, s7;
	v17 =	vld [tilespmem:s16+$0xFFFFFF60];
	[tilespmem:v18+s26+$0x0] =	vst.idx.msk $0xffff, v15  }
0x1ef: {  	s11 =	sand.u32 $0x71, s17;
	s17 =	sand.u32 $0x76, s0;
	s0 =	sadd.s32 $0x17, s15;
	v18 =	vor.u32 s9, v0;
	v15 =	vld [tilespmem:s16+$0xFFFFFF80];
	[tilespmem:v7+s26+$0x0] =	vst.idx.msk $0xffff, v6  }
0x1f0: {  	s20 =	sadd.s32 $0x18, s15;
	s0 =	sand.u32 $0x77, s0;
	s22 =	sand.u32 $0x7F, s19;
	v6 =	vld [tilespmem:s16+$0xFFFFFFA0];
	[tilespmem:v5+s26+$0x0] =	vst.idx.msk $0xffff, v13  }
0x1f1: {  	s19 =	sor.u32 s1, s7;
	s1 =	sor.u32 s0, s7;
	s0 =	sand.u32 $0x78, s20;
	v13 =	vld [tilespmem:s16+$0xFFFFFFC0];
	[tilespmem:v8+s26+$0x0] =	vst.idx.msk $0xffff, v16  }
0x1f2: {  	s24 =	sadd.s32 $0x1A, s15;
	s23 =	sor.u32 s0, s7;
	s22 =	sor.u32 s22, s7;
	v7 =	vor.u32 s1, v0;
	v5 =	vor.u32 s19, v0;
	v16 =	vld [tilespmem:s16+$0x40];
	[tilespmem:v10+s26+$0x0] =	vst.idx.msk $0xffff, v3  }
0x1f3: {  	s20 =	sor.u32 s17, s7;
	s17 =	sand.u32 $0x7A, s24;
	s0 =	sor.u32 s11, s7;
	v24 =	vor.u32 s23, v0;
	v8 =	vor.u32 s22, v0;
	v3 =	vld [tilespmem:s16+$0x0];
	[tilespmem:v11+s26+$0x0] =	vst.idx.msk $0xffff, v14  }
0x1f4: {  	s28 =	sor.u32 s28, s7;
	v25 =	vor.u32 s6, v1;
	s6 =	sand.u32 $0x7C, s18;
	s18 =	sand.u32 $0x7D, s12;
	v14 =	vld [tilespmem:s16+$0xFFFFFFE0];
	[tilespmem:v23+s26+$0x0] =	vst.idx.msk $0xffff, v2  }
0x1f5: {  	s12 =	sor.u32 s6, s7;
	s11 =	sor.u32 s25, s7;
	v11 =	vor.u32 s9, v1;
	s9 =	sand.u32 $0x79, s21;
	v2 =	vor.u32 s0, v0;
	[tilespmem:v18+s26+$0x0] =	vst.idx.msk $0xffff, v15;
	v23 =	vld [tilespmem:s16+$0xC0]  }
0x1f6: {  	s14 =	sor.u32 s14, s7;
	s18 =	sor.u32 s18, s7;
	s6 =	sor.u32 s9, s7;
	v15 =	vor.u32 s11, v0;
	[tilespmem:v21+s26+$0x0] =	vst.idx.msk $0xffff, v17;
	v17 =	vor.u32 s28, v0;
	v21 =	vld [tilespmem:s16+$0x20]  }
0x1f7: {  	p0 =	slt.u32 s2, $0x1F0;
	s9 =	sor.u32 s17, s7;
	v10 =	vor.u32 s6, v1;
	[tilespmem:v5+s26+$0x0] =	vst.idx.msk $0xffff, v12;
	v26 =	vld [tilespmem:s16+$0xFFFFFF70]  }
0x1f8: {  	v28 =	vor.u32 s20, v0;
	v12 =	vor.u32 s1, v1;
	v27 =	vld [tilespmem:s16+$0xFFFFFF50];
	[tilespmem:v8+s26+$0x0] =	vst.idx.msk $0xffff, v19  }
0x1f9: {  	v5 =	vld [tilespmem:s16+$0xFFFFFF90];
	[tilespmem:v7+s26+$0x0] =	vst.idx.msk $0xffff, v14;
	v7 =	vor.u32 s23, v1;
	v14 =	vor.u32 s9, v0  }
0x1fa: {  	s1 =	sadd.s32 $0x1E, s15;
	v19 =	vor.u32 s18, v0;
	[tilespmem:v2+s26+$0x0] =	vst.idx.msk $0xffff, v20;
	v20 =	vld [tilespmem:s16+$0x60]  }
0x1fb: {  	s1 =	sand.u32 $0x7E, s1;
	[tilespmem:v15+s26+$0x0] =	vst.idx.msk $0xffff, v22;
	v8 =	vld [tilespmem:s16+$0xFFFFFFF0]  }
0x1fc: {  	s1 =	sor.u32 s1, s7;
	v15 =	vor.u32 s14, v0;
	v2 =	vld [tilespmem:s16+$0xFFFFFF10];
	[tilespmem:v17+s26+$0x0] =	vst.idx.msk $0xffff, v6;
	v17 =	vor.u32 s12, v0  }
0x1fd: {  	v22 =	vor.u32 s1, v0;
	[tilespmem:v24+s26+$0x0] =	vst.idx.msk $0xffff, v3;
	v3 =	vld [tilespmem:s16+$0xF0]  }
0x1fe: {  	v6 =	vld [tilespmem:s16+$0x10];
	[tilespmem:v14+s26+$0x0] =	vst.idx.msk $0xffff, v16  }
0x1ff: {  	v14 =	vor.u32 s6, v0;
	v18 =	vld [tilespmem:s16+$0xFFFFFFB0];
	[tilespmem:v19+s26+$0x0] =	vst.idx.msk $0xffff, v9  }
0x200: {  	v24 =	vor.u32 s18, v1;
	[tilespmem:v28+s26+$0x0] =	vst.idx.msk $0xffff, v13;
	v16 =	vld [tilespmem:s16+$0xB0]  }
0x201: {  	v9 =	vor.u32 s28, v1;
	v28 =	vor.u32 s19, v1;
	v19 =	vld [tilespmem:s16+$0xFFFFFFD0];
	[tilespmem:v15+s26+$0x0] =	vst.idx.msk $0xffff, v20  }
0x202: {  	v15 =	vld [tilespmem:s16+$0x70];
	[tilespmem:v17+s26+$0x0] =	vst.idx.msk $0xffff, v4  }
.Ltmp5:
0x203: {  	v13 =	vld [tilespmem:s16+$0x90];
	[tilespmem:v22+s26+$0x0] =	vst.idx.msk $0xffff, v23;
	(pc) =	sbr.rel @p0 .LBB2_12-.Ltmp5, $4  }
0x204: {  	v22 =	vor.u32 s20, v1;
	[tilespmem:v14+s26+$0x0] =	vst.idx.msk $0xffff, v21;
	v20 =	vld [tilespmem:s16+$0xD0]  }
0x205: {  	v17 =	vld [tilespmem:s16+$0x30];
	[tilespmem:v24+s26+$0x0] =	vst.idx.msk $0xffff, v16  }
0x206: {  	v21 =	vor.u32 s1, v1;
	[tilespmem:v28+s26+$0x0] =	vst.idx.msk $0xffff, v27;
	v16 =	vld [tilespmem:s16+$0x50]  }
0x207: {  	s13 =	sadd.s32 $0x80, s13;
	v14 =	vld [tilespmem:s16+$0xFFFFFF30];
	[tilespmem:v25+s26+$0x0] =	vst.idx.msk $0xffff, v26;
	s16 =	sadd.s32 $0x200, s16  }
0x208: {  	_ =	sdelay $0x3  }
0x209: {  	[tilespmem:v9+s26+$0x0] =	vst.idx.msk $0xffff, v18  }
0x20a: {  	[tilespmem:v22+s26+$0x0] =	vst.idx.msk $0xffff, v19  }
0x20b: {  	v4 =	vor.u32 s14, v1;
	[tilespmem:v11+s26+$0x0] =	vst.idx.msk $0xffff, v5  }
0x20c: {  	v5 =	vor.u32 s12, v1;
	[tilespmem:v12+s26+$0x0] =	vst.idx.msk $0xffff, v8  }
0x20d: {  	v8 =	vor.u32 s9, v1;
	[tilespmem:v7+s26+$0x0] =	vst.idx.msk $0xffff, v6  }
0x20e: {  	v9 =	vor.u32 s22, v1;
	[tilespmem:v21+s26+$0x0] =	vst.idx.msk $0xffff, v20  }
0x20f: {  	[tilespmem:v10+s26+$0x0] =	vst.idx.msk $0xffff, v17;
	v10 =	vor.u32 s0, v1  }
0x210: {  	[tilespmem:v4+s26+$0x0] =	vst.idx.msk $0xffff, v15;
	v4 =	vor.u32 s11, v1  }
0x211: {  	[tilespmem:v5+s26+$0x0] =	vst.idx.msk $0xffff, v13  }
0x212: {  	[tilespmem:v8+s26+$0x0] =	vst.idx.msk $0xffff, v16  }
0x213: {  	[tilespmem:v9+s26+$0x0] =	vst.idx.msk $0xffff, v3  }
0x214: {  	[tilespmem:v10+s26+$0x0] =	vst.idx.msk $0xffff, v14  }
0x215: {  	[tilespmem:v4+s26+$0x0] =	vst.idx.msk $0xffff, v2  }
0x216: {  	s16 =	simm.s32 $0x0;
	s1 =	rddreg [dreg:$0x1a]  }
0x217: {  	[hbm4b:s1+s16] =	stream.linear.scatter [tilespmem:s26], [sflag:$0x5], $0x1000, $0x38;
	[tilespmem:$0x10400] =	vst v63  }
0x218: {  	s2 =	simm.s32 $0x9400;
	s17 =	rddreg [dreg:$0x1b]  }
0x219: {  	[hbm4b:s17+s16] =	stream.linear.scatter [tilespmem:s2], [sflag:$0x5], $0x1000, $0x38;
	[tilespmem:$0x10400] =	vst v63  }
0x21a: {  	s19 =	simm.s32 $0xA400;
	s18 =	rddreg [dreg:$0x1c]  }
0x21b: {  	[hbm4b:s18+s16] =	stream.linear.scatter [tilespmem:s19], [sflag:$0x5], $0x1000, $0x38;
	[tilespmem:$0x10400] =	vst v63  }
0x21c: {  	s21 =	simm.s32 $0xB400;
	s22 =	simm.s32 $0x4;
	s20 =	rddreg [dreg:$0x1d]  }
0x21d: {  	[hbm4b:s20+s16] =	stream.linear.scatter [tilespmem:s21], [sflag:$0x5], $0x1000, $0x38;
	[tilespmem:$0x10400] =	vst v63  }
0x21e: {  	_ =	swait.ge [sflag:s22], $0x4000  }
0x21f: {  	[sflag:s22] =	ssyncset.done $0x0  }
0x220: {  	[sflag:s22] =	ssyncadd.s32 $0xFFFFC000  }
0x221: {  	_ =	swait.ge [sflag:s10], $0x4000  }
0x222: {  	[sflag:s10] =	ssyncset.done $0x0  }
0x223: {  	s13 =	simm.s32 $0x4500;
	[sflag:s10] =	ssyncadd.s32 $0xFFFFC000  }
0x224: {  	v4 =	vld [tilespmem:s13+$0x80]  }
0x225: {  	v7 =	vld [tilespmem:s13+$0xA0]  }
0x226: {  	v2 =	vld [tilespmem:s13+$0xE0]  }
0x227: {  	s23 =	simm.s32 $0x4;
	v3 =	vld [tilespmem:s13+$0xFFFFFF00]  }
0x228: {  	s24 =	simm.s32 $0x3;
	s25 =	simm.s32 $0x2;
	s29 =	simm.s32 $0xF;
	v6 =	vld [tilespmem:s13+$0xFFFFFF20]  }
0x229: {  	s30 =	simm.s32 $0x7;
	s1 =	sand.u32 $0x74, s23;
	s16 =	sand.u32 $0xC00, s16;
	v5 =	vld [tilespmem:s13+$0xFFFFFF40]  }
0x22a: {  	s31 =	simm.s32 $0x1;
	s0 =	sand.u32 $0x73, s24;
	s7 =	sor.u32 s1, s16;
	v8 =	vld [tilespmem:s13+$0xFFFFFF60]  }
0x22b: {  	s9 =	simm.s32 $0x5;
	s28 =	sand.u32 $0x72, s25;
	s15 =	sor.u32 s0, s16;
	v10 =	vor.u32 s7, v0;
	v9 =	vld [tilespmem:s13+$0xFFFFFF80]  }
0x22c: {  	s0 =	sand.u32 $0x7F, s29;
	s20 =	sor.u32 s28, s16;
	s1 =	sand.u32 $0x71, s31;
	v12 =	vor.u32 s15, v0;
	v11 =	vld [tilespmem:s13+$0xFFFFFFA0]  }
0x22d: {  	s12 =	simm.s32 $0x8;
	v14 =	vor.u32 s20, v0;
	s22 =	sor.u32 s0, s16;
	s0 =	sor.u32 s1, s16;
	v13 =	vld [tilespmem:s13+$0xFFFFFFC0]  }
0x22e: {  	s6 =	sand.u32 $0x77, s30;
	s14 =	sand.u32 $0x78, s12;
	s24 =	simm.s32 $0x6;
	v20 =	vor.u32 s0, v0;
	v15 =	vld [tilespmem:s13+$0x40]  }
0x22f: {  	s12 =	sand.u32 $0x76, s24;
	s19 =	sor.u32 s6, s16;
	s1 =	sand.u32 $0x75, s9;
	v17 =	vor.u32 s22, v0;
	v16 =	vld [tilespmem:s13+$0x0]  }
0x230: {  	s2 =	simm.s32 $0x0;
	s17 =	simm.s32 $0xA;
	v18 =	vor.u32 s19, v0;
	s21 =	sor.u32 s1, s16;
	v19 =	vld [tilespmem:s13+$0xFFFFFFE0];
	[tilespmem:v10+s8+$0x0] =	vst.idx.msk $0xffff, v9  }
0x231: {  	s11 =	sand.u32 $0x70, s2;
	s23 =	sand.u32 $0x7A, s17;
	s17 =	sor.u32 s12, s16;
	v21 =	vor.u32 s21, v0;
	v9 =	vld [tilespmem:s13+$0xC0];
	[tilespmem:v12+s8+$0x0] =	vst.idx.msk $0xffff, v8  }
0x232: {  	s18 =	simm.s32 $0xD;
	s11 =	sor.u32 s11, s16;
	v24 =	vor.u32 s17, v0;
	v12 =	vld [tilespmem:s13+$0x20];
	[tilespmem:v14+s8+$0x0] =	vst.idx.msk $0xffff, v5  }
0x233: {  	s25 =	sor.u32 s14, s16;
	s1 =	sand.u32 $0x7D, s18;
	v10 =	vor.u32 s11, v0;
	[tilespmem:v20+s8+$0x0] =	vst.idx.msk $0xffff, v6;
	v20 =	vld [tilespmem:s13+$0x60]  }
0x234: {  	s1 =	sor.u32 s1, s16;
	v14 =	vor.u32 s25, v0;
	[tilespmem:v17+s8+$0x0] =	vst.idx.msk $0xffff, v2;
	v23 =	vld [tilespmem:s13+$0xFFFFFF70]  }
0x235: {  	s28 =	simm.s32 $0xB;
	s29 =	simm.s32 $0xC;
	[tilespmem:v18+s8+$0x0] =	vst.idx.msk $0xffff, v19;
	v19 =	vor.u32 s1, v0;
	v22 =	vld [tilespmem:s13+$0xFFFFFF50]  }
0x236: {  	s31 =	simm.s32 $0xE;
	s30 =	sand.u32 $0x7C, s29;
	s9 =	sor.u32 s23, s16;
	[tilespmem:v21+s8+$0x0] =	vst.idx.msk $0xffff, v11;
	v5 =	vld [tilespmem:s13+$0xFFFFFF90]  }
0x237: {  	s6 =	sand.u32 $0x7B, s28;
	s12 =	sor.u32 s30, s16;
	s18 =	simm.s32 $0x9;
	v17 =	vor.u32 s9, v0;
	[tilespmem:v24+s8+$0x0] =	vst.idx.msk $0xffff, v13;
	v8 =	vld [tilespmem:s13+$0xFFFFFFF0]  }
0x238: {  	s14 =	sor.u32 s6, s16;
	s6 =	sand.u32 $0x7E, s31;
	s18 =	sand.u32 $0x79, s18;
	v11 =	vor.u32 s12, v0;
	v18 =	vld [tilespmem:s13+$0xFFFFFFB0];
	[tilespmem:v10+s8+$0x0] =	vst.idx.msk $0xffff, v3  }
0x239: {  	s6 =	sor.u32 s6, s16;
	s16 =	sor.u32 s18, s16;
	v10 =	vor.u32 s14, v0;
	[tilespmem:v14+s8+$0x0] =	vst.idx.msk $0xffff, v16;
	v3 =	vld [tilespmem:s13+$0xF0]  }
0x23a: {  	v16 =	vor.u32 s16, v0;
	[tilespmem:v19+s8+$0x0] =	vst.idx.msk $0xffff, v7;
	v19 =	vld [tilespmem:s13+$0xFFFFFFD0]  }
0x23b: {  	v14 =	vor.u32 s6, v0;
	v2 =	vld [tilespmem:s13+$0xFFFFFF10]  }
0x23c: {  	v63 =	vor.u32 s20, v1;
	[tilespmem:v17+s8+$0x0] =	vst.idx.msk $0xffff, v15;
	v6 =	vld [tilespmem:s13+$0x10]  }
0x23d: {  	v25 =	vor.u32 s15, v1;
	[tilespmem:v11+s8+$0x0] =	vst.idx.msk $0xffff, v4;
	v21 =	vld [tilespmem:s13+$0xB0]  }
0x23e: {  	v7 =	vor.u32 s1, v1;
	v13 =	vld [tilespmem:s13+$0x90];
	[tilespmem:v10+s8+$0x0] =	vst.idx.msk $0xffff, v20  }
0x23f: {  	[tilespmem:v16+s8+$0x0] =	vst.idx.msk $0xffff, v12;
	v16 =	vld [tilespmem:s13+$0x50]  }
0x240: {  	[tilespmem:v14+s8+$0x0] =	vst.idx.msk $0xffff, v9;
	v9 =	vor.u32 s21, v1;
	v14 =	vld [tilespmem:s13+$0xFFFFFF30]  }
0x241: {  	v11 =	vor.u32 s7, v1;
	[tilespmem:v63+s8+$0x0] =	vst.idx.msk $0xffff, v22;
	v22 =	vor.u32 s17, v1;
	v15 =	vld [tilespmem:s13+$0x70]  }
0x242: {  	[tilespmem:v25+s8+$0x0] =	vst.idx.msk $0xffff, v23;
	v10 =	vor.u32 s16, v1;
	v12 =	vor.u32 s19, v1;
	v20 =	vld [tilespmem:s13+$0xD0]  }
0x243: {  	s16 =	simm.s32 $0x4700;
	v17 =	vld [tilespmem:s13+$0x30];
	[tilespmem:v7+s8+$0x0] =	vst.idx.msk $0xffff, v21;
	v7 =	vor.u32 s25, v1;
	v21 =	vor.u32 s6, v1;
	s13 =	simm.s32 $0x80  }
.LBB2_14:
0x244: {  	s1 =	sadd.s32 $0x12, s2  }
0x245: {  	s6 =	sadd.s32 $0x15, s2;
	v4 =	vld [tilespmem:s16+$0x80];
	[tilespmem:v9+s8+$0x0] =	vst.idx.msk $0xffff, v18;
	s15 =	smov.u32 s2;
	s2 =	sadd.s32 $0x10, s2  }
0x246: {  	v18 =	vor.u32 s14, v1;
	s17 =	sadd.s32 $0x11, s15;
	s28 =	sand.u32 $0x75, s6;
	s21 =	sadd.s32 $0x19, s15;
	v9 =	vld [tilespmem:s16+$0xA0];
	[tilespmem:v22+s8+$0x0] =	vst.idx.msk $0xffff, v19  }
0x247: {  	s25 =	sand.u32 $0x70, s2;
	s1 =	sand.u32 $0x72, s1;
	s6 =	sadd.s32 $0x1B, s15;
	v19 =	vld [tilespmem:s16+$0xE0];
	[tilespmem:v11+s8+$0x0] =	vst.idx.msk $0xffff, v5  }
0x248: {  	s7 =	sand.u32 $0xC00, s13;
	s18 =	sadd.s32 $0x13, s15;
	s14 =	sand.u32 $0x7B, s6;
	v5 =	vor.u32 s12, v1;
	v22 =	vld [tilespmem:s16+$0xFFFFFF00];
	[tilespmem:v21+s8+$0x0] =	vst.idx.msk $0xffff, v20  }
0x249: {  	s6 =	sand.u32 $0x73, s18;
	s12 =	sadd.s32 $0x14, s15;
	s18 =	sadd.s32 $0x1C, s15;
	v20 =	vld [tilespmem:s16+$0xFFFFFF20];
	[tilespmem:v12+s8+$0x0] =	vst.idx.msk $0xffff, v8;
	v8 =	vor.u32 s9, v1  }
0x24a: {  	v11 =	vor.u32 s0, v1;
	s6 =	sor.u32 s6, s7;
	s9 =	sand.u32 $0x74, s12;
	s12 =	sadd.s32 $0x1D, s15;
	v12 =	vld [tilespmem:s16+$0xFFFFFF40];
	[tilespmem:v10+s8+$0x0] =	vst.idx.msk $0xffff, v17;
	v10 =	vor.u32 s22, v1  }
0x24b: {  	v23 =	vor.u32 s11, v1;
	s19 =	sadd.s32 $0x1F, s15;
	s0 =	sadd.s32 $0x16, s15;
	v21 =	vor.u32 s6, v0;
	s9 =	sor.u32 s9, s7;
	v17 =	vld [tilespmem:s16+$0xFFFFFF60];
	[tilespmem:v18+s8+$0x0] =	vst.idx.msk $0xffff, v15  }
0x24c: {  	s11 =	sand.u32 $0x71, s17;
	s17 =	sand.u32 $0x76, s0;
	s0 =	sadd.s32 $0x17, s15;
	v18 =	vor.u32 s9, v0;
	v15 =	vld [tilespmem:s16+$0xFFFFFF80];
	[tilespmem:v7+s8+$0x0] =	vst.idx.msk $0xffff, v6  }
0x24d: {  	s20 =	sadd.s32 $0x18, s15;
	s0 =	sand.u32 $0x77, s0;
	s22 =	sand.u32 $0x7F, s19;
	v6 =	vld [tilespmem:s16+$0xFFFFFFA0];
	[tilespmem:v5+s8+$0x0] =	vst.idx.msk $0xffff, v13  }
0x24e: {  	s19 =	sor.u32 s1, s7;
	s1 =	sor.u32 s0, s7;
	s0 =	sand.u32 $0x78, s20;
	v13 =	vld [tilespmem:s16+$0xFFFFFFC0];
	[tilespmem:v8+s8+$0x0] =	vst.idx.msk $0xffff, v16  }
0x24f: {  	s24 =	sadd.s32 $0x1A, s15;
	s23 =	sor.u32 s0, s7;
	s22 =	sor.u32 s22, s7;
	v7 =	vor.u32 s1, v0;
	v5 =	vor.u32 s19, v0;
	v16 =	vld [tilespmem:s16+$0x40];
	[tilespmem:v10+s8+$0x0] =	vst.idx.msk $0xffff, v3  }
0x250: {  	s20 =	sor.u32 s17, s7;
	s17 =	sand.u32 $0x7A, s24;
	s0 =	sor.u32 s11, s7;
	v24 =	vor.u32 s23, v0;
	v8 =	vor.u32 s22, v0;
	v3 =	vld [tilespmem:s16+$0x0];
	[tilespmem:v11+s8+$0x0] =	vst.idx.msk $0xffff, v14  }
0x251: {  	s28 =	sor.u32 s28, s7;
	v25 =	vor.u32 s6, v1;
	s6 =	sand.u32 $0x7C, s18;
	s18 =	sand.u32 $0x7D, s12;
	v14 =	vld [tilespmem:s16+$0xFFFFFFE0];
	[tilespmem:v23+s8+$0x0] =	vst.idx.msk $0xffff, v2  }
0x252: {  	s12 =	sor.u32 s6, s7;
	s11 =	sor.u32 s25, s7;
	v11 =	vor.u32 s9, v1;
	s9 =	sand.u32 $0x79, s21;
	v2 =	vor.u32 s0, v0;
	[tilespmem:v18+s8+$0x0] =	vst.idx.msk $0xffff, v15;
	v23 =	vld [tilespmem:s16+$0xC0]  }
0x253: {  	s14 =	sor.u32 s14, s7;
	s18 =	sor.u32 s18, s7;
	s6 =	sor.u32 s9, s7;
	v15 =	vor.u32 s11, v0;
	[tilespmem:v21+s8+$0x0] =	vst.idx.msk $0xffff, v17;
	v17 =	vor.u32 s28, v0;
	v21 =	vld [tilespmem:s16+$0x20]  }
0x254: {  	p0 =	slt.u32 s2, $0x1F0;
	s9 =	sor.u32 s17, s7;
	v10 =	vor.u32 s6, v1;
	[tilespmem:v5+s8+$0x0] =	vst.idx.msk $0xffff, v12;
	v26 =	vld [tilespmem:s16+$0xFFFFFF70]  }
0x255: {  	v28 =	vor.u32 s20, v0;
	v12 =	vor.u32 s1, v1;
	v27 =	vld [tilespmem:s16+$0xFFFFFF50];
	[tilespmem:v8+s8+$0x0] =	vst.idx.msk $0xffff, v19  }
0x256: {  	v5 =	vld [tilespmem:s16+$0xFFFFFF90];
	[tilespmem:v7+s8+$0x0] =	vst.idx.msk $0xffff, v14;
	v7 =	vor.u32 s23, v1;
	v14 =	vor.u32 s9, v0  }
0x257: {  	s1 =	sadd.s32 $0x1E, s15;
	v19 =	vor.u32 s18, v0;
	[tilespmem:v2+s8+$0x0] =	vst.idx.msk $0xffff, v20;
	v20 =	vld [tilespmem:s16+$0x60]  }
0x258: {  	s1 =	sand.u32 $0x7E, s1;
	[tilespmem:v15+s8+$0x0] =	vst.idx.msk $0xffff, v22;
	v8 =	vld [tilespmem:s16+$0xFFFFFFF0]  }
0x259: {  	s1 =	sor.u32 s1, s7;
	v15 =	vor.u32 s14, v0;
	v2 =	vld [tilespmem:s16+$0xFFFFFF10];
	[tilespmem:v17+s8+$0x0] =	vst.idx.msk $0xffff, v6;
	v17 =	vor.u32 s12, v0  }
0x25a: {  	v22 =	vor.u32 s1, v0;
	[tilespmem:v24+s8+$0x0] =	vst.idx.msk $0xffff, v3;
	v3 =	vld [tilespmem:s16+$0xF0]  }
0x25b: {  	v6 =	vld [tilespmem:s16+$0x10];
	[tilespmem:v14+s8+$0x0] =	vst.idx.msk $0xffff, v16  }
0x25c: {  	v14 =	vor.u32 s6, v0;
	v18 =	vld [tilespmem:s16+$0xFFFFFFB0];
	[tilespmem:v19+s8+$0x0] =	vst.idx.msk $0xffff, v9  }
0x25d: {  	v24 =	vor.u32 s18, v1;
	[tilespmem:v28+s8+$0x0] =	vst.idx.msk $0xffff, v13;
	v16 =	vld [tilespmem:s16+$0xB0]  }
0x25e: {  	v9 =	vor.u32 s28, v1;
	v28 =	vor.u32 s19, v1;
	v19 =	vld [tilespmem:s16+$0xFFFFFFD0];
	[tilespmem:v15+s8+$0x0] =	vst.idx.msk $0xffff, v20  }
0x25f: {  	v15 =	vld [tilespmem:s16+$0x70];
	[tilespmem:v17+s8+$0x0] =	vst.idx.msk $0xffff, v4  }
.Ltmp6:
0x260: {  	v13 =	vld [tilespmem:s16+$0x90];
	[tilespmem:v22+s8+$0x0] =	vst.idx.msk $0xffff, v23;
	(pc) =	sbr.rel @p0 .LBB2_14-.Ltmp6, $4  }
0x261: {  	v22 =	vor.u32 s20, v1;
	[tilespmem:v14+s8+$0x0] =	vst.idx.msk $0xffff, v21;
	v20 =	vld [tilespmem:s16+$0xD0]  }
0x262: {  	v17 =	vld [tilespmem:s16+$0x30];
	[tilespmem:v24+s8+$0x0] =	vst.idx.msk $0xffff, v16  }
0x263: {  	v21 =	vor.u32 s1, v1;
	[tilespmem:v28+s8+$0x0] =	vst.idx.msk $0xffff, v27;
	v16 =	vld [tilespmem:s16+$0x50]  }
0x264: {  	s13 =	sadd.s32 $0x80, s13;
	v14 =	vld [tilespmem:s16+$0xFFFFFF30];
	[tilespmem:v25+s8+$0x0] =	vst.idx.msk $0xffff, v26;
	s16 =	sadd.s32 $0x200, s16  }
0x265: {  	_ =	sdelay $0x3  }
0x266: {  	[tilespmem:v9+s8+$0x0] =	vst.idx.msk $0xffff, v18  }
0x267: {  	[tilespmem:v22+s8+$0x0] =	vst.idx.msk $0xffff, v19  }
0x268: {  	v4 =	vor.u32 s14, v1;
	[tilespmem:v11+s8+$0x0] =	vst.idx.msk $0xffff, v5  }
0x269: {  	v59 =	vor.u32 s12, v1;
	[tilespmem:v12+s8+$0x0] =	vst.idx.msk $0xffff, v8  }
0x26a: {  	v60 =	vor.u32 s9, v1;
	[tilespmem:v7+s8+$0x0] =	vst.idx.msk $0xffff, v6  }
0x26b: {  	v61 =	vor.u32 s22, v1;
	[tilespmem:v21+s8+$0x0] =	vst.idx.msk $0xffff, v20  }
0x26c: {  	v62 =	vor.u32 s0, v1;
	[tilespmem:v10+s8+$0x0] =	vst.idx.msk $0xffff, v17  }
0x26d: {  	v63 =	vor.u32 s11, v1;
	[tilespmem:v4+s8+$0x0] =	vst.idx.msk $0xffff, v15  }
0x26e: {  	[tilespmem:v59+s8+$0x0] =	vst.idx.msk $0xffff, v13  }
0x26f: {  	[tilespmem:v60+s8+$0x0] =	vst.idx.msk $0xffff, v16  }
0x270: {  	[tilespmem:v61+s8+$0x0] =	vst.idx.msk $0xffff, v3  }
0x271: {  	[tilespmem:v62+s8+$0x0] =	vst.idx.msk $0xffff, v14  }
0x272: {  	[tilespmem:v63+s8+$0x0] =	vst.idx.msk $0xffff, v2  }
0x273: {  	s21 =	rddreg [dreg:$0x1e]  }
0x274: {  	s22 =	rddreg [dreg:$0x1f]  }
0x275: {  	[hbm4b:s21+s3] =	stream.linear.scatter [tilespmem:s8], [sflag:$0x6], $0x1000, $0x38;
	[tilespmem:$0x10400] =	vst v63  }
0x276: {  	s1 =	simm.s32 $0xD400;
	s23 =	sld [smem:$0x7FC]  }
0x277: {  	[hbm4b:s22+s3] =	stream.linear.scatter [tilespmem:s1], [sflag:$0x6], $0x1000, $0x38;
	[tilespmem:$0x10400] =	vst v63  }
0x278: {  	s24 =	simm.s32 $0xE400;
	s25 =	sld [smem:$0x7FD]  }
0x279: {  	[hbm4b:s23+s3] =	stream.linear.scatter [tilespmem:s24], [sflag:$0x6], $0x1000, $0x38;
	[tilespmem:$0x10400] =	vst v63  }
0x27a: {  	s28 =	simm.s32 $0xF400;
	s29 =	simm.s32 $0x5  }
0x27b: {  	[hbm4b:s25+s3] =	stream.linear.scatter [tilespmem:s28], [sflag:$0x6], $0x1000, $0x38;
	[tilespmem:$0x10400] =	vst v63  }
0x27c: {  	_ =	swait.ge [sflag:s29], $0x4000  }
0x27d: {  	[sflag:s29] =	ssyncset.done $0x0  }
0x27e: {  	[sflag:s29] =	ssyncadd.s32 $0xFFFFC000  }
0x27f: {  	_ =	swait.ge [sflag:s10], $0x4000  }
0x280: {  	s30 =	sld [smem:$0x7FB];
	_ =	sdelay $0x2  }
0x281: {  	s31 =	rddreg [dreg:$0x16];
	s1 =	sadd.s32 $0x1, s30  }
0x282: {  	p0 =	sne.s32 s1, s31  }
.Ltmp7:
0x283: {  	_ = 	snop;
	(pc) =	sbr.rel @p0 .LBB2_1-.Ltmp7, $3  }
0x284: {  	_ =	sdelay $0x1  }
0x285: {  	[sflag:s10] =	ssyncset.done $0x0  }
0x286: {  	s6 =	simm.s32 $0x200;
	[sflag:s10] =	ssyncadd.s32 $0xFFFFC000  }
0x287: {  	_ =	sfence.sel $0x180000  }
0x288: {  	[bflag:$0x0] =	sbarrier.arrive $0xFFFF  }
0x289: {  	_ =	strace $0x90000047  }
0x28a: {  	s0 =	stileid.u32;
	[bflag:$0x2] =	sbarrier.arrive $0xFFFF  }
0x28b: {  	p0 =	sne.s32 s0, $0x0;
	s0 =	rddreg [dreg:$0x2]  }
0x28c: {  	s0 =	sadd.s32 @!p0 $0x100000, s0  }
0x28d: {  	[sflag:s0] =	ssyncadd.tile.s32 @!p0 $0x1;
	_ =	shalt  }
.Lfunc_end2:
_tile_overlayer_lowered:
.L_overlay_start_2:
0x28e: {  	(tag) =	ssettag $0x2  }
0x28f: {  	s0 =	rddreg [dreg:$0x0];
	s2 =	stileid.u32  }
0x290: {  	s1 =	rddreg [dreg:$0x1];
	p0 =	sne.s32 s2, $0x0  }
0x291: {  	s3 =	rddreg [dreg:$0x2];
	[bflag:$0x3] =	sbarrier.arrive $0xFFFF;
	s2 =	simm.s32 @!p0 $0x1C07  }
0x292: {  	[timem:s3], [sflag:s2] =	dma.local @!p0 [hbm:s0], s1  }
0x293: {  	s0 =	simm.s32 @!p0 $0x7  }
0x294: {  	_ =	swait.ge @!p0 [sflag:s0], s1  }
0x295: {  	s1 =	ssub.s32 @!p0 $0x0, s1;
	[sflag:s0] =	ssyncset.done @!p0 $0x0  }
0x296: {  	[sflag:s0] =	ssyncadd.s32 @!p0 s1  }
0x297: {  	[bflag:$0x3] =	sbarrier.arrive $0xFFFF  }
0x298: {  	_ =	shalt  }

</sc_bundles>
